<compile_context>
chip_gen: v7x
topology: tpu7x:2x2x1
jax: 0.10.2.dev20260603
libtpu: 0.0.44.dev20260713+nightly
codegen_flags: <defaults>
</compile_context>

<pallas_src>
import functools
import jax
import jax.numpy as jnp
from jax import lax
from jax.experimental import pallas as pl
from jax.experimental.pallas import tpu as pltpu
from jax.experimental.pallas import tpu_sc as plsc

N_NODES = 10000
FEAT = 128
N_EDGES = 320000
GRID_K = 5

NC = 2
NS = 16
NW = NC * NS
E_PER_W = N_EDGES // NW
EB = 80
NB = E_PER_W // EB
NPAD = 10240
ROWS_PER_TILE = NPAD // NS
FCH = FEAT // 16


def _spmv_body(feat_hbm, src_hbm, dst_hbm, ew_hbm, out_hbm, rows_v, src_v,
               dst_v, w_v, shared, sem):
    c = lax.axis_index("c")
    s = lax.axis_index("s")
    wid = s * NC + c

    def zero_row(r, carry):
        for ch in range(FCH):
            rows_v[r, pl.ds(ch * 16, 16)] = jnp.zeros((16,), jnp.float32)
        return carry

    lax.fori_loop(0, EB, zero_row, 0)
    stripe = s * ROWS_PER_TILE
    for j in range(ROWS_PER_TILE // EB):
        pltpu.sync_copy(rows_v, shared.at[pl.ds(stripe + j * EB, EB)])
    plsc.subcore_barrier()

    def batch(b, carry):
        base = wid * E_PER_W + b * EB
        pltpu.sync_copy(src_hbm.at[pl.ds(base, EB)], src_v)
        pltpu.sync_copy(dst_hbm.at[pl.ds(base, EB)], dst_v)
        pltpu.sync_copy(ew_hbm.at[pl.ds(base, EB)], w_v)
        pltpu.async_copy(feat_hbm.at[src_v], rows_v, sem).wait()

        def scale_grp(g, inner):
            r0 = g * 16
            w16 = w_v[pl.ds(r0, 16)]
            for l in range(16):
                w = w16[l]
                for ch in range(FCH):
                    rows_v[r0 + l, pl.ds(ch * 16, 16)] = (
                        rows_v[r0 + l, pl.ds(ch * 16, 16)] * w)
            return inner

        lax.fori_loop(0, EB // 16, scale_grp, 0)
        pltpu.sync_copy(rows_v, shared.at[dst_v], add=True)
        return carry

    lax.fori_loop(0, NB, batch, 0)
    plsc.subcore_barrier()

    for j in range(ROWS_PER_TILE // EB):
        off = stripe + j * EB
        pltpu.sync_copy(shared.at[pl.ds(off, EB)], out_hbm.at[c, pl.ds(off, EB)])


@functools.partial(jax.jit, static_argnames=())
def _spmv(features, edge_src, edge_dst, edge_weight):
    mesh = plsc.VectorSubcoreMesh(core_axis_name="c", subcore_axis_name="s")
    f = pl.kernel(
        _spmv_body,
        out_type=jax.ShapeDtypeStruct((NC, NPAD, FEAT), jnp.float32),
        mesh=mesh,
        scratch_types=[
            pltpu.VMEM((EB, FEAT), jnp.float32),
            pltpu.VMEM((EB,), jnp.int32),
            pltpu.VMEM((EB,), jnp.int32),
            pltpu.VMEM((EB,), jnp.float32),
            pltpu.VMEM_SHARED((NPAD, FEAT), jnp.float32),
            pltpu.SemaphoreType.DMA,
        ],
    )
    return f(features, edge_src, edge_dst, edge_weight)


BLK = 256
NBLK = (N_NODES + BLK - 1) // BLK


def _dense_body(feat_ref, xp_ref, c0_ref, c1_ref, bias_ref, out_ref):
    f = feat_ref[...]
    x = xp_ref[0] + xp_ref[1]
    inter = x * f
    cs = jnp.concatenate([jnp.cos(inter * float(g)) for g in range(1, GRID_K + 1)],
                         axis=1)
    sn = jnp.concatenate([jnp.sin(inter * float(g)) for g in range(1, GRID_K + 1)],
                         axis=1)
    y = (jnp.dot(cs, c0_ref[...], preferred_element_type=jnp.float32)
         + jnp.dot(sn, c1_ref[...], preferred_element_type=jnp.float32)
         + bias_ref[...])
    out_ref[...] = f + x + y


def _dense(features, xp, c0, c1, bias):
    return pl.pallas_call(
        _dense_body,
        grid=(NBLK,),
        in_specs=[
            pl.BlockSpec((BLK, FEAT), lambda i: (i, 0)),
            pl.BlockSpec((NC, BLK, FEAT), lambda i: (0, i, 0)),
            pl.BlockSpec((FEAT * GRID_K, FEAT), lambda i: (0, 0)),
            pl.BlockSpec((FEAT * GRID_K, FEAT), lambda i: (0, 0)),
            pl.BlockSpec((1, FEAT), lambda i: (0, 0)),
        ],
        out_specs=pl.BlockSpec((BLK, FEAT), lambda i: (i, 0)),
        out_shape=jax.ShapeDtypeStruct((N_NODES, FEAT), jnp.float32),
    )(features, xp, c0, c1, bias)


def kernel(features, edge_index, edge_weight, fouriercoeffs, bias):
    xp = _spmv(features, edge_index[0], edge_index[1], edge_weight)
    c0 = fouriercoeffs[0].transpose(2, 1, 0).reshape(FEAT * GRID_K, FEAT)
    c1 = fouriercoeffs[1].transpose(2, 1, 0).reshape(FEAT * GRID_K, FEAT)
    return _dense(features, xp, c0, c1, bias)

# --- scband reference (transcript-rebuilt; emitter-appended) ---
"""Pipeline reference for scband-fourier-gnnlayer-25572235281189 (READ-ONLY COPY).

The authoritative reference and input builder live on the scoring server;
editing this copy changes nothing except your own understanding.
"""

import jax, jax.numpy as jnp
import numpy as np

N = 10000
E = 320000
IN_DIM = 128
OUT_DIM = 128
GRID = 5

def setup_inputs(seed: int = 0) -> dict:
    key = jax.random.key(seed)
    k1, k2, k3, k4 = jax.random.split(key, 4)
    features = jax.random.normal(k1, (N, IN_DIM), dtype=jnp.float32)
    edge_index = jax.random.randint(k2, (2, E), 0, N)  # int32 row/col of sparse laplacian (COO)
    edge_weight = jax.random.uniform(k3, (E,), dtype=jnp.float32)
    # NaiveFourierKAN parameters (KANLayer(in_dim, out_dim, grid_size))
    fouriercoeffs = jax.random.normal(k4, (2, OUT_DIM, IN_DIM, GRID), dtype=jnp.float32) / (np.sqrt(IN_DIM) * np.sqrt(GRID))
    bias = jnp.zeros((1, OUT_DIM), dtype=jnp.float32)
    return {"features": features, "edge_index": edge_index, "edge_weight": edge_weight,
            "fouriercoeffs": fouriercoeffs, "bias": bias}

def reference(features, edge_index, edge_weight, fouriercoeffs, bias):
    src = edge_index[0]
    dst = edge_index[1]
    # x = torch.sparse.mm(lap_matrix, features): scatter-add of weighted source rows
    msgs = edge_weight[:, None] * jnp.take(features, src, axis=0)
    x = jax.ops.segment_sum(msgs, dst, num_segments=N)
    # inter_feature = x * features  (bi-interaction term LE \otimes E)
    inter = x * features
    # KANLayer (NaiveFourierKAN): y = sum_k cos(k*x)*c0 + sin(k*x)*c1 + bias
    k = jnp.arange(1, GRID + 1, dtype=jnp.float32).reshape(1, 1, GRID)
    arg = inter[:, :, None] * k  # [N, IN_DIM, GRID]
    c = jnp.cos(arg)
    s = jnp.sin(arg)
    y = jnp.einsum('nig,oig->no', c, fouriercoeffs[0]) + jnp.einsum('nig,oig->no', s, fouriercoeffs[1]) + bias
    # output = features + x + inter_part2
    return features + x + y

if __name__ == "__main__":
    import jax
    _d = setup_inputs()
    print(jax.jit(kernel)(*tuple(_d.values())))

</pallas_src>

<mosaic_0001>
#map = affine_map<(d0, d1) -> (0, 0)>
#map1 = affine_map<(d0, d1) -> (0)>
#map2 = affine_map<(d0, d1) -> (0, 0, 0)>
module attributes {stable_mosaic.version = 14 : i64} {
  func.func @_spmv_body(%arg0: i32, %arg1: i32, %arg2: memref<10000x128xf32, #tpu.memory_space<hbm>>, %arg3: memref<320000xi32, #tpu.memory_space<hbm>>, %arg4: memref<320000xi32, #tpu.memory_space<hbm>>, %arg5: memref<320000xf32, #tpu.memory_space<hbm>>, %arg6: memref<2x10240x128xf32, #tpu.memory_space<hbm>>, %arg7: memref<80x128xf32, #tpu.memory_space<vmem>>, %arg8: memref<80xi32, #tpu.memory_space<vmem>>, %arg9: memref<80xi32, #tpu.memory_space<vmem>>, %arg10: memref<80xf32, #tpu.memory_space<vmem>>, %arg11: memref<10240x128xf32, #tpu.memory_space<vmem_shared>>, %arg12: memref<!tpu.dma_semaphore, #tpu.memory_space<semaphore_mem>>) attributes {dimension_semantics = [#tpu.dimension_semantics<core_parallel>, #tpu.dimension_semantics<subcore_parallel>], iteration_bounds = array<i64: 2, 16>, scalar_prefetch = 0 : i64, scratch_operands = 6 : i64, tpu.core_type = #tpu.core_type<sc_vector_subcore>, window_params = [{transform_indices = #map}, {transform_indices = #map1}, {transform_indices = #map1}, {transform_indices = #map1}, {transform_indices = #map2}]} {
    %mul3A = arith.constant 2 : i32
    %mul3A_0 = arith.muli %arg1, %mul3A : i32
    %add3A = arith.addi %mul3A_0, %arg0 : i32
    %scan3A = arith.constant 0 : i32
    %scan3A_1 = arith.constant 0 : i32
    %scan3A_2 = arith.constant 80 : i32
    %scan3A_3 = arith.addi %scan3A_1, %scan3A_2 : i32
    %scan3A_4 = arith.constant 1 : i32
    scf.for %scan3A_47 = %scan3A_1 to %scan3A_3 step %scan3A_4  : i32 {
      %broadcast_in_dim3A = arith.constant 0.000000e+00 : f32
      %broadcast_in_dim3A_48 = vector.broadcast %broadcast_in_dim3A : f32 to vector<16xf32>
      %swap3A = arith.index_cast %scan3A_47 : i32 to index
      %swap3A_49 = arith.constant 0 : index
      %swap3A_50 = tpu.vector_load %arg7[%swap3A, %swap3A_49] {strides = array<i32>} : memref<80x128xf32, #tpu.memory_space<vmem>>, vector<1x16xf32>,
      %swap3A_51 = vector.shape_cast %swap3A_50 : vector<1x16xf32> to vector<16xf32>
      %swap3A_52 = vector.shape_cast %broadcast_in_dim3A_48 : vector<16xf32> to vector<1x16xf32>
      tpu.vector_store %arg7[%swap3A, %swap3A_49], %swap3A_52 {strides = array<i32>} : memref<80x128xf32, #tpu.memory_space<vmem>>, vector<1x16xf32>,
      %broadcast_in_dim3A_53 = arith.constant 0.000000e+00 : f32
      %broadcast_in_dim3A_54 = vector.broadcast %broadcast_in_dim3A_53 : f32 to vector<16xf32>
      %swap3A_55 = arith.index_cast %scan3A_47 : i32 to index
      %swap3A_56 = arith.constant 16 : index
      %swap3A_57 = tpu.vector_load %arg7[%swap3A_55, %swap3A_56] {strides = array<i32>} : memref<80x128xf32, #tpu.memory_space<vmem>>, vector<1x16xf32>,
      %swap3A_58 = vector.shape_cast %swap3A_57 : vector<1x16xf32> to vector<16xf32>
      %swap3A_59 = vector.shape_cast %broadcast_in_dim3A_54 : vector<16xf32> to vector<1x16xf32>
      tpu.vector_store %arg7[%swap3A_55, %swap3A_56], %swap3A_59 {strides = array<i32>} : memref<80x128xf32, #tpu.memory_space<vmem>>, vector<1x16xf32>,
      %broadcast_in_dim3A_60 = arith.constant 0.000000e+00 : f32
      %broadcast_in_dim3A_61 = vector.broadcast %broadcast_in_dim3A_60 : f32 to vector<16xf32>
      %swap3A_62 = arith.index_cast %scan3A_47 : i32 to index
      %swap3A_63 = arith.constant 32 : index
      %swap3A_64 = tpu.vector_load %arg7[%swap3A_62, %swap3A_63] {strides = array<i32>} : memref<80x128xf32, #tpu.memory_space<vmem>>, vector<1x16xf32>,
      %swap3A_65 = vector.shape_cast %swap3A_64 : vector<1x16xf32> to vector<16xf32>
      %swap3A_66 = vector.shape_cast %broadcast_in_dim3A_61 : vector<16xf32> to vector<1x16xf32>
      tpu.vector_store %arg7[%swap3A_62, %swap3A_63], %swap3A_66 {strides = array<i32>} : memref<80x128xf32, #tpu.memory_space<vmem>>, vector<1x16xf32>,
      %broadcast_in_dim3A_67 = arith.constant 0.000000e+00 : f32
      %broadcast_in_dim3A_68 = vector.broadcast %broadcast_in_dim3A_67 : f32 to vector<16xf32>
      %swap3A_69 = arith.index_cast %scan3A_47 : i32 to index
      %swap3A_70 = arith.constant 48 : index
      %swap3A_71 = tpu.vector_load %arg7[%swap3A_69, %swap3A_70] {strides = array<i32>} : memref<80x128xf32, #tpu.memory_space<vmem>>, vector<1x16xf32>,
      %swap3A_72 = vector.shape_cast %swap3A_71 : vector<1x16xf32> to vector<16xf32>
      %swap3A_73 = vector.shape_cast %broadcast_in_dim3A_68 : vector<16xf32> to vector<1x16xf32>
      tpu.vector_store %arg7[%swap3A_69, %swap3A_70], %swap3A_73 {strides = array<i32>} : memref<80x128xf32, #tpu.memory_space<vmem>>, vector<1x16xf32>,
      %broadcast_in_dim3A_74 = arith.constant 0.000000e+00 : f32
      %broadcast_in_dim3A_75 = vector.broadcast %broadcast_in_dim3A_74 : f32 to vector<16xf32>
      %swap3A_76 = arith.index_cast %scan3A_47 : i32 to index
      %swap3A_77 = arith.constant 64 : index
      %swap3A_78 = tpu.vector_load %arg7[%swap3A_76, %swap3A_77] {strides = array<i32>} : memref<80x128xf32, #tpu.memory_space<vmem>>, vector<1x16xf32>,
      %swap3A_79 = vector.shape_cast %swap3A_78 : vector<1x16xf32> to vector<16xf32>
      %swap3A_80 = vector.shape_cast %broadcast_in_dim3A_75 : vector<16xf32> to vector<1x16xf32>
      tpu.vector_store %arg7[%swap3A_76, %swap3A_77], %swap3A_80 {strides = array<i32>} : memref<80x128xf32, #tpu.memory_space<vmem>>, vector<1x16xf32>,
      %broadcast_in_dim3A_81 = arith.constant 0.000000e+00 : f32
      %broadcast_in_dim3A_82 = vector.broadcast %broadcast_in_dim3A_81 : f32 to vector<16xf32>
      %swap3A_83 = arith.index_cast %scan3A_47 : i32 to index
      %swap3A_84 = arith.constant 80 : index
      %swap3A_85 = tpu.vector_load %arg7[%swap3A_83, %swap3A_84] {strides = array<i32>} : memref<80x128xf32, #tpu.memory_space<vmem>>, vector<1x16xf32>,
      %swap3A_86 = vector.shape_cast %swap3A_85 : vector<1x16xf32> to vector<16xf32>
      %swap3A_87 = vector.shape_cast %broadcast_in_dim3A_82 : vector<16xf32> to vector<1x16xf32>
      tpu.vector_store %arg7[%swap3A_83, %swap3A_84], %swap3A_87 {strides = array<i32>} : memref<80x128xf32, #tpu.memory_space<vmem>>, vector<1x16xf32>,
      %broadcast_in_dim3A_88 = arith.constant 0.000000e+00 : f32
      %broadcast_in_dim3A_89 = vector.broadcast %broadcast_in_dim3A_88 : f32 to vector<16xf32>
      %swap3A_90 = arith.index_cast %scan3A_47 : i32 to index
      %swap3A_91 = arith.constant 96 : index
      %swap3A_92 = tpu.vector_load %arg7[%swap3A_90, %swap3A_91] {strides = array<i32>} : memref<80x128xf32, #tpu.memory_space<vmem>>, vector<1x16xf32>,
      %swap3A_93 = vector.shape_cast %swap3A_92 : vector<1x16xf32> to vector<16xf32>
      %swap3A_94 = vector.shape_cast %broadcast_in_dim3A_89 : vector<16xf32> to vector<1x16xf32>
      tpu.vector_store %arg7[%swap3A_90, %swap3A_91], %swap3A_94 {strides = array<i32>} : memref<80x128xf32, #tpu.memory_space<vmem>>, vector<1x16xf32>,
      %broadcast_in_dim3A_95 = arith.constant 0.000000e+00 : f32
      %broadcast_in_dim3A_96 = vector.broadcast %broadcast_in_dim3A_95 : f32 to vector<16xf32>
      %swap3A_97 = arith.index_cast %scan3A_47 : i32 to index
      %swap3A_98 = arith.constant 112 : index
      %swap3A_99 = tpu.vector_load %arg7[%swap3A_97, %swap3A_98] {strides = array<i32>} : memref<80x128xf32, #tpu.memory_space<vmem>>, vector<1x16xf32>,
      %swap3A_100 = vector.shape_cast %swap3A_99 : vector<1x16xf32> to vector<16xf32>
      %swap3A_101 = vector.shape_cast %broadcast_in_dim3A_96 : vector<16xf32> to vector<1x16xf32>
      tpu.vector_store %arg7[%swap3A_97, %swap3A_98], %swap3A_101 {strides = array<i32>} : memref<80x128xf32, #tpu.memory_space<vmem>>, vector<1x16xf32>,
    }
    %scan3A_5 = arith.constant 80 : i32
    %mul3A_6 = arith.constant 640 : i32
    %mul3A_7 = arith.muli %arg1, %mul3A_6 : i32
    %add3A_8 = arith.constant 0 : i32
    %add3A_9 = arith.addi %mul3A_7, %add3A_8 : i32
    "tpu.region"() ({
      %run_scoped3A = tpu.sem_alloc : memref<!tpu.dma_semaphore, #tpu.memory_space<semaphore_mem>>
      %dma_start3A = arith.constant 0 : i32
      %dma_start3A_47 = tpu.memref_slice %arg11[%add3A_9, %dma_start3A] : memref<10240x128xf32, #tpu.memory_space<vmem_shared>> -> memref<80x128xf32, #tpu.memory_space<vmem_shared>>
      %dma_start3A_48 = arith.constant 0 : i32
      %dma_start3A_49 = tpu.memref_slice %arg11[%add3A_9, %dma_start3A_48] : memref<10240x128xf32, #tpu.memory_space<vmem_shared>> -> memref<80x128xf32, #tpu.memory_space<vmem_shared>>
      tpu.enqueue_dma source(%arg7 : memref<80x128xf32, #tpu.memory_space<vmem>>) target(%dma_start3A_49 : memref<80x128xf32, #tpu.memory_space<vmem_shared>>) target_semaphore(%run_scoped3A : memref<!tpu.dma_semaphore, #tpu.memory_space<semaphore_mem>>)
      %dma_wait3A = arith.constant 0 : i32
      %dma_wait3A_50 = tpu.memref_slice %arg11[%add3A_9, %dma_wait3A] : memref<10240x128xf32, #tpu.memory_space<vmem_shared>> -> memref<80x128xf32, #tpu.memory_space<vmem_shared>>
      %dma_wait3A_51 = arith.constant 0 : i32
      %dma_wait3A_52 = tpu.memref_slice %arg11[%add3A_9, %dma_wait3A_51] : memref<10240x128xf32, #tpu.memory_space<vmem_shared>> -> memref<80x128xf32, #tpu.memory_space<vmem_shared>>
      tpu.wait_dma2 semaphore(%run_scoped3A : memref<!tpu.dma_semaphore, #tpu.memory_space<semaphore_mem>>) src(%arg7 : memref<80x128xf32, #tpu.memory_space<vmem>>) dst(%dma_wait3A_52 : memref<80x128xf32, #tpu.memory_space<vmem_shared>>)
      tpu.yield
    }) : () -> ()
    %add3A_10 = arith.constant 80 : i32
    %add3A_11 = arith.addi %mul3A_7, %add3A_10 : i32
    "tpu.region"() ({
      %run_scoped3A = tpu.sem_alloc : memref<!tpu.dma_semaphore, #tpu.memory_space<semaphore_mem>>
      %dma_start3A = arith.constant 0 : i32
      %dma_start3A_47 = tpu.memref_slice %arg11[%add3A_11, %dma_start3A] : memref<10240x128xf32, #tpu.memory_space<vmem_shared>> -> memref<80x128xf32, #tpu.memory_space<vmem_shared>>
      %dma_start3A_48 = arith.constant 0 : i32
      %dma_start3A_49 = tpu.memref_slice %arg11[%add3A_11, %dma_start3A_48] : memref<10240x128xf32, #tpu.memory_space<vmem_shared>> -> memref<80x128xf32, #tpu.memory_space<vmem_shared>>
      tpu.enqueue_dma source(%arg7 : memref<80x128xf32, #tpu.memory_space<vmem>>) target(%dma_start3A_49 : memref<80x128xf32, #tpu.memory_space<vmem_shared>>) target_semaphore(%run_scoped3A : memref<!tpu.dma_semaphore, #tpu.memory_space<semaphore_mem>>)
      %dma_wait3A = arith.constant 0 : i32
      %dma_wait3A_50 = tpu.memref_slice %arg11[%add3A_11, %dma_wait3A] : memref<10240x128xf32, #tpu.memory_space<vmem_shared>> -> memref<80x128xf32, #tpu.memory_space<vmem_shared>>
      %dma_wait3A_51 = arith.constant 0 : i32
      %dma_wait3A_52 = tpu.memref_slice %arg11[%add3A_11, %dma_wait3A_51] : memref<10240x128xf32, #tpu.memory_space<vmem_shared>> -> memref<80x128xf32, #tpu.memory_space<vmem_shared>>
      tpu.wait_dma2 semaphore(%run_scoped3A : memref<!tpu.dma_semaphore, #tpu.memory_space<semaphore_mem>>) src(%arg7 : memref<80x128xf32, #tpu.memory_space<vmem>>) dst(%dma_wait3A_52 : memref<80x128xf32, #tpu.memory_space<vmem_shared>>)
      tpu.yield
    }) : () -> ()
    %add3A_12 = arith.constant 160 : i32
    %add3A_13 = arith.addi %mul3A_7, %add3A_12 : i32
    "tpu.region"() ({
      %run_scoped3A = tpu.sem_alloc : memref<!tpu.dma_semaphore, #tpu.memory_space<semaphore_mem>>
      %dma_start3A = arith.constant 0 : i32
      %dma_start3A_47 = tpu.memref_slice %arg11[%add3A_13, %dma_start3A] : memref<10240x128xf32, #tpu.memory_space<vmem_shared>> -> memref<80x128xf32, #tpu.memory_space<vmem_shared>>
      %dma_start3A_48 = arith.constant 0 : i32
      %dma_start3A_49 = tpu.memref_slice %arg11[%add3A_13, %dma_start3A_48] : memref<10240x128xf32, #tpu.memory_space<vmem_shared>> -> memref<80x128xf32, #tpu.memory_space<vmem_shared>>
      tpu.enqueue_dma source(%arg7 : memref<80x128xf32, #tpu.memory_space<vmem>>) target(%dma_start3A_49 : memref<80x128xf32, #tpu.memory_space<vmem_shared>>) target_semaphore(%run_scoped3A : memref<!tpu.dma_semaphore, #tpu.memory_space<semaphore_mem>>)
      %dma_wait3A = arith.constant 0 : i32
      %dma_wait3A_50 = tpu.memref_slice %arg11[%add3A_13, %dma_wait3A] : memref<10240x128xf32, #tpu.memory_space<vmem_shared>> -> memref<80x128xf32, #tpu.memory_space<vmem_shared>>
      %dma_wait3A_51 = arith.constant 0 : i32
      %dma_wait3A_52 = tpu.memref_slice %arg11[%add3A_13, %dma_wait3A_51] : memref<10240x128xf32, #tpu.memory_space<vmem_shared>> -> memref<80x128xf32, #tpu.memory_space<vmem_shared>>
      tpu.wait_dma2 semaphore(%run_scoped3A : memref<!tpu.dma_semaphore, #tpu.memory_space<semaphore_mem>>) src(%arg7 : memref<80x128xf32, #tpu.memory_space<vmem>>) dst(%dma_wait3A_52 : memref<80x128xf32, #tpu.memory_space<vmem_shared>>)
      tpu.yield
    }) : () -> ()
    %add3A_14 = arith.constant 240 : i32
    %add3A_15 = arith.addi %mul3A_7, %add3A_14 : i32
    "tpu.region"() ({
      %run_scoped3A = tpu.sem_alloc : memref<!tpu.dma_semaphore, #tpu.memory_space<semaphore_mem>>
      %dma_start3A = arith.constant 0 : i32
      %dma_start3A_47 = tpu.memref_slice %arg11[%add3A_15, %dma_start3A] : memref<10240x128xf32, #tpu.memory_space<vmem_shared>> -> memref<80x128xf32, #tpu.memory_space<vmem_shared>>
      %dma_start3A_48 = arith.constant 0 : i32
      %dma_start3A_49 = tpu.memref_slice %arg11[%add3A_15, %dma_start3A_48] : memref<10240x128xf32, #tpu.memory_space<vmem_shared>> -> memref<80x128xf32, #tpu.memory_space<vmem_shared>>
      tpu.enqueue_dma source(%arg7 : memref<80x128xf32, #tpu.memory_space<vmem>>) target(%dma_start3A_49 : memref<80x128xf32, #tpu.memory_space<vmem_shared>>) target_semaphore(%run_scoped3A : memref<!tpu.dma_semaphore, #tpu.memory_space<semaphore_mem>>)
      %dma_wait3A = arith.constant 0 : i32
      %dma_wait3A_50 = tpu.memref_slice %arg11[%add3A_15, %dma_wait3A] : memref<10240x128xf32, #tpu.memory_space<vmem_shared>> -> memref<80x128xf32, #tpu.memory_space<vmem_shared>>
      %dma_wait3A_51 = arith.constant 0 : i32
      %dma_wait3A_52 = tpu.memref_slice %arg11[%add3A_15, %dma_wait3A_51] : memref<10240x128xf32, #tpu.memory_space<vmem_shared>> -> memref<80x128xf32, #tpu.memory_space<vmem_shared>>
      tpu.wait_dma2 semaphore(%run_scoped3A : memref<!tpu.dma_semaphore, #tpu.memory_space<semaphore_mem>>) src(%arg7 : memref<80x128xf32, #tpu.memory_space<vmem>>) dst(%dma_wait3A_52 : memref<80x128xf32, #tpu.memory_space<vmem_shared>>)
      tpu.yield
    }) : () -> ()
    %add3A_16 = arith.constant 320 : i32
    %add3A_17 = arith.addi %mul3A_7, %add3A_16 : i32
    "tpu.region"() ({
      %run_scoped3A = tpu.sem_alloc : memref<!tpu.dma_semaphore, #tpu.memory_space<semaphore_mem>>
      %dma_start3A = arith.constant 0 : i32
      %dma_start3A_47 = tpu.memref_slice %arg11[%add3A_17, %dma_start3A] : memref<10240x128xf32, #tpu.memory_space<vmem_shared>> -> memref<80x128xf32, #tpu.memory_space<vmem_shared>>
      %dma_start3A_48 = arith.constant 0 : i32
      %dma_start3A_49 = tpu.memref_slice %arg11[%add3A_17, %dma_start3A_48] : memref<10240x128xf32, #tpu.memory_space<vmem_shared>> -> memref<80x128xf32, #tpu.memory_space<vmem_shared>>
      tpu.enqueue_dma source(%arg7 : memref<80x128xf32, #tpu.memory_space<vmem>>) target(%dma_start3A_49 : memref<80x128xf32, #tpu.memory_space<vmem_shared>>) target_semaphore(%run_scoped3A : memref<!tpu.dma_semaphore, #tpu.memory_space<semaphore_mem>>)
      %dma_wait3A = arith.constant 0 : i32
      %dma_wait3A_50 = tpu.memref_slice %arg11[%add3A_17, %dma_wait3A] : memref<10240x128xf32, #tpu.memory_space<vmem_shared>> -> memref<80x128xf32, #tpu.memory_space<vmem_shared>>
      %dma_wait3A_51 = arith.constant 0 : i32
      %dma_wait3A_52 = tpu.memref_slice %arg11[%add3A_17, %dma_wait3A_51] : memref<10240x128xf32, #tpu.memory_space<vmem_shared>> -> memref<80x128xf32, #tpu.memory_space<vmem_shared>>
      tpu.wait_dma2 semaphore(%run_scoped3A : memref<!tpu.dma_semaphore, #tpu.memory_space<semaphore_mem>>) src(%arg7 : memref<80x128xf32, #tpu.memory_space<vmem>>) dst(%dma_wait3A_52 : memref<80x128xf32, #tpu.memory_space<vmem_shared>>)
      tpu.yield
    }) : () -> ()
    %add3A_18 = arith.constant 400 : i32
    %add3A_19 = arith.addi %mul3A_7, %add3A_18 : i32
    "tpu.region"() ({
      %run_scoped3A = tpu.sem_alloc : memref<!tpu.dma_semaphore, #tpu.memory_space<semaphore_mem>>
      %dma_start3A = arith.constant 0 : i32
      %dma_start3A_47 = tpu.memref_slice %arg11[%add3A_19, %dma_start3A] : memref<10240x128xf32, #tpu.memory_space<vmem_shared>> -> memref<80x128xf32, #tpu.memory_space<vmem_shared>>
      %dma_start3A_48 = arith.constant 0 : i32
      %dma_start3A_49 = tpu.memref_slice %arg11[%add3A_19, %dma_start3A_48] : memref<10240x128xf32, #tpu.memory_space<vmem_shared>> -> memref<80x128xf32, #tpu.memory_space<vmem_shared>>
      tpu.enqueue_dma source(%arg7 : memref<80x128xf32, #tpu.memory_space<vmem>>) target(%dma_start3A_49 : memref<80x128xf32, #tpu.memory_space<vmem_shared>>) target_semaphore(%run_scoped3A : memref<!tpu.dma_semaphore, #tpu.memory_space<semaphore_mem>>)
      %dma_wait3A = arith.constant 0 : i32
      %dma_wait3A_50 = tpu.memref_slice %arg11[%add3A_19, %dma_wait3A] : memref<10240x128xf32, #tpu.memory_space<vmem_shared>> -> memref<80x128xf32, #tpu.memory_space<vmem_shared>>
      %dma_wait3A_51 = arith.constant 0 : i32
      %dma_wait3A_52 = tpu.memref_slice %arg11[%add3A_19, %dma_wait3A_51] : memref<10240x128xf32, #tpu.memory_space<vmem_shared>> -> memref<80x128xf32, #tpu.memory_space<vmem_shared>>
      tpu.wait_dma2 semaphore(%run_scoped3A : memref<!tpu.dma_semaphore, #tpu.memory_space<semaphore_mem>>) src(%arg7 : memref<80x128xf32, #tpu.memory_space<vmem>>) dst(%dma_wait3A_52 : memref<80x128xf32, #tpu.memory_space<vmem_shared>>)
      tpu.yield
    }) : () -> ()
    %add3A_20 = arith.constant 480 : i32
    %add3A_21 = arith.addi %mul3A_7, %add3A_20 : i32
    "tpu.region"() ({
      %run_scoped3A = tpu.sem_alloc : memref<!tpu.dma_semaphore, #tpu.memory_space<semaphore_mem>>
      %dma_start3A = arith.constant 0 : i32
      %dma_start3A_47 = tpu.memref_slice %arg11[%add3A_21, %dma_start3A] : memref<10240x128xf32, #tpu.memory_space<vmem_shared>> -> memref<80x128xf32, #tpu.memory_space<vmem_shared>>
      %dma_start3A_48 = arith.constant 0 : i32
      %dma_start3A_49 = tpu.memref_slice %arg11[%add3A_21, %dma_start3A_48] : memref<10240x128xf32, #tpu.memory_space<vmem_shared>> -> memref<80x128xf32, #tpu.memory_space<vmem_shared>>
      tpu.enqueue_dma source(%arg7 : memref<80x128xf32, #tpu.memory_space<vmem>>) target(%dma_start3A_49 : memref<80x128xf32, #tpu.memory_space<vmem_shared>>) target_semaphore(%run_scoped3A : memref<!tpu.dma_semaphore, #tpu.memory_space<semaphore_mem>>)
      %dma_wait3A = arith.constant 0 : i32
      %dma_wait3A_50 = tpu.memref_slice %arg11[%add3A_21, %dma_wait3A] : memref<10240x128xf32, #tpu.memory_space<vmem_shared>> -> memref<80x128xf32, #tpu.memory_space<vmem_shared>>
      %dma_wait3A_51 = arith.constant 0 : i32
      %dma_wait3A_52 = tpu.memref_slice %arg11[%add3A_21, %dma_wait3A_51] : memref<10240x128xf32, #tpu.memory_space<vmem_shared>> -> memref<80x128xf32, #tpu.memory_space<vmem_shared>>
      tpu.wait_dma2 semaphore(%run_scoped3A : memref<!tpu.dma_semaphore, #tpu.memory_space<semaphore_mem>>) src(%arg7 : memref<80x128xf32, #tpu.memory_space<vmem>>) dst(%dma_wait3A_52 : memref<80x128xf32, #tpu.memory_space<vmem_shared>>)
      tpu.yield
    }) : () -> ()
    %add3A_22 = arith.constant 560 : i32
    %add3A_23 = arith.addi %mul3A_7, %add3A_22 : i32
    "tpu.region"() ({
      %run_scoped3A = tpu.sem_alloc : memref<!tpu.dma_semaphore, #tpu.memory_space<semaphore_mem>>
      %dma_start3A = arith.constant 0 : i32
      %dma_start3A_47 = tpu.memref_slice %arg11[%add3A_23, %dma_start3A] : memref<10240x128xf32, #tpu.memory_space<vmem_shared>> -> memref<80x128xf32, #tpu.memory_space<vmem_shared>>
      %dma_start3A_48 = arith.constant 0 : i32
      %dma_start3A_49 = tpu.memref_slice %arg11[%add3A_23, %dma_start3A_48] : memref<10240x128xf32, #tpu.memory_space<vmem_shared>> -> memref<80x128xf32, #tpu.memory_space<vmem_shared>>
      tpu.enqueue_dma source(%arg7 : memref<80x128xf32, #tpu.memory_space<vmem>>) target(%dma_start3A_49 : memref<80x128xf32, #tpu.memory_space<vmem_shared>>) target_semaphore(%run_scoped3A : memref<!tpu.dma_semaphore, #tpu.memory_space<semaphore_mem>>)
      %dma_wait3A = arith.constant 0 : i32
      %dma_wait3A_50 = tpu.memref_slice %arg11[%add3A_23, %dma_wait3A] : memref<10240x128xf32, #tpu.memory_space<vmem_shared>> -> memref<80x128xf32, #tpu.memory_space<vmem_shared>>
      %dma_wait3A_51 = arith.constant 0 : i32
      %dma_wait3A_52 = tpu.memref_slice %arg11[%add3A_23, %dma_wait3A_51] : memref<10240x128xf32, #tpu.memory_space<vmem_shared>> -> memref<80x128xf32, #tpu.memory_space<vmem_shared>>
      tpu.wait_dma2 semaphore(%run_scoped3A : memref<!tpu.dma_semaphore, #tpu.memory_space<semaphore_mem>>) src(%arg7 : memref<80x128xf32, #tpu.memory_space<vmem>>) dst(%dma_wait3A_52 : memref<80x128xf32, #tpu.memory_space<vmem_shared>>)
      tpu.yield
    }) : () -> ()
    %barrier3A = arith.constant 0 : index
    tpu.barrier barrier_id(%barrier3A)
    %scan3A_24 = arith.constant 0 : i32
    %scan3A_25 = arith.constant 0 : i32
    %scan3A_26 = arith.constant 125 : i32
    %scan3A_27 = arith.addi %scan3A_25, %scan3A_26 : i32
    %scan3A_28 = arith.constant 1 : i32
    scf.for %scan3A_47 = %scan3A_25 to %scan3A_27 step %scan3A_28  : i32 {
      %mul3A_48 = arith.constant 10000 : i32
      %mul3A_49 = arith.muli %add3A, %mul3A_48 : i32
      %mul3A_50 = arith.constant 80 : i32
      %mul3A_51 = arith.muli %scan3A_47, %mul3A_50 : i32
      %add3A_52 = arith.addi %mul3A_49, %mul3A_51 : i32
      "tpu.region"() ({
        %run_scoped3A = tpu.sem_alloc : memref<!tpu.dma_semaphore, #tpu.memory_space<semaphore_mem>>
        %dma_start3A_63 = tpu.memref_slice %arg3[%add3A_52] : memref<320000xi32, #tpu.memory_space<hbm>> -> memref<80xi32, #tpu.memory_space<hbm>>
        %dma_start3A_64 = tpu.memref_slice %arg3[%add3A_52] : memref<320000xi32, #tpu.memory_space<hbm>> -> memref<80xi32, #tpu.memory_space<hbm>>
        tpu.enqueue_dma source(%dma_start3A_64 : memref<80xi32, #tpu.memory_space<hbm>>) target(%arg8 : memref<80xi32, #tpu.memory_space<vmem>>) target_semaphore(%run_scoped3A : memref<!tpu.dma_semaphore, #tpu.memory_space<semaphore_mem>>)
        %dma_wait3A_65 = tpu.memref_slice %arg3[%add3A_52] : memref<320000xi32, #tpu.memory_space<hbm>> -> memref<80xi32, #tpu.memory_space<hbm>>
        %dma_wait3A_66 = tpu.memref_slice %arg3[%add3A_52] : memref<320000xi32, #tpu.memory_space<hbm>> -> memref<80xi32, #tpu.memory_space<hbm>>
        tpu.wait_dma2 semaphore(%run_scoped3A : memref<!tpu.dma_semaphore, #tpu.memory_space<semaphore_mem>>) src(%dma_wait3A_66 : memref<80xi32, #tpu.memory_space<hbm>>) dst(%arg8 : memref<80xi32, #tpu.memory_space<vmem>>)
        tpu.yield
      }) : () -> ()
      "tpu.region"() ({
        %run_scoped3A = tpu.sem_alloc : memref<!tpu.dma_semaphore, #tpu.memory_space<semaphore_mem>>
        %dma_start3A_63 = tpu.memref_slice %arg4[%add3A_52] : memref<320000xi32, #tpu.memory_space<hbm>> -> memref<80xi32, #tpu.memory_space<hbm>>
        %dma_start3A_64 = tpu.memref_slice %arg4[%add3A_52] : memref<320000xi32, #tpu.memory_space<hbm>> -> memref<80xi32, #tpu.memory_space<hbm>>
        tpu.enqueue_dma source(%dma_start3A_64 : memref<80xi32, #tpu.memory_space<hbm>>) target(%arg9 : memref<80xi32, #tpu.memory_space<vmem>>) target_semaphore(%run_scoped3A : memref<!tpu.dma_semaphore, #tpu.memory_space<semaphore_mem>>)
        %dma_wait3A_65 = tpu.memref_slice %arg4[%add3A_52] : memref<320000xi32, #tpu.memory_space<hbm>> -> memref<80xi32, #tpu.memory_space<hbm>>
        %dma_wait3A_66 = tpu.memref_slice %arg4[%add3A_52] : memref<320000xi32, #tpu.memory_space<hbm>> -> memref<80xi32, #tpu.memory_space<hbm>>
        tpu.wait_dma2 semaphore(%run_scoped3A : memref<!tpu.dma_semaphore, #tpu.memory_space<semaphore_mem>>) src(%dma_wait3A_66 : memref<80xi32, #tpu.memory_space<hbm>>) dst(%arg9 : memref<80xi32, #tpu.memory_space<vmem>>)
        tpu.yield
      }) : () -> ()
      "tpu.region"() ({
        %run_scoped3A = tpu.sem_alloc : memref<!tpu.dma_semaphore, #tpu.memory_space<semaphore_mem>>
        %dma_start3A_63 = tpu.memref_slice %arg5[%add3A_52] : memref<320000xf32, #tpu.memory_space<hbm>> -> memref<80xf32, #tpu.memory_space<hbm>>
        %dma_start3A_64 = tpu.memref_slice %arg5[%add3A_52] : memref<320000xf32, #tpu.memory_space<hbm>> -> memref<80xf32, #tpu.memory_space<hbm>>
        tpu.enqueue_dma source(%dma_start3A_64 : memref<80xf32, #tpu.memory_space<hbm>>) target(%arg10 : memref<80xf32, #tpu.memory_space<vmem>>) target_semaphore(%run_scoped3A : memref<!tpu.dma_semaphore, #tpu.memory_space<semaphore_mem>>)
        %dma_wait3A_65 = tpu.memref_slice %arg5[%add3A_52] : memref<320000xf32, #tpu.memory_space<hbm>> -> memref<80xf32, #tpu.memory_space<hbm>>
        %dma_wait3A_66 = tpu.memref_slice %arg5[%add3A_52] : memref<320000xf32, #tpu.memory_space<hbm>> -> memref<80xf32, #tpu.memory_space<hbm>>
        tpu.wait_dma2 semaphore(%run_scoped3A : memref<!tpu.dma_semaphore, #tpu.memory_space<semaphore_mem>>) src(%dma_wait3A_66 : memref<80xf32, #tpu.memory_space<hbm>>) dst(%arg10 : memref<80xf32, #tpu.memory_space<vmem>>)
        tpu.yield
      }) : () -> ()
      %dma_start3A = arith.constant 0 : i32
      %dma_start3A_53 = arith.constant 0 : i32
      %dma_start3A_54 = tpu.memref_slice %arg2[%dma_start3A, %dma_start3A_53] : memref<10000x128xf32, #tpu.memory_space<hbm>> -> memref<10000x128xf32, #tpu.memory_space<hbm>>
      tpu.enqueue_indirect_dma source(%dma_start3A_54 : memref<10000x128xf32, #tpu.memory_space<hbm>>) target(%arg7 : memref<80x128xf32, #tpu.memory_space<vmem>>) offsets(%arg8 : memref<80xi32, #tpu.memory_space<vmem>>) semaphore(%arg12 : memref<!tpu.dma_semaphore, #tpu.memory_space<semaphore_mem>>)
      %dma_wait3A = arith.constant 0 : i32
      %dma_wait3A_55 = arith.constant 0 : i32
      %dma_wait3A_56 = tpu.memref_slice %arg2[%dma_wait3A, %dma_wait3A_55] : memref<10000x128xf32, #tpu.memory_space<hbm>> -> memref<10000x128xf32, #tpu.memory_space<hbm>>
      tpu.wait_indirect_dma semaphore(%arg12 : memref<!tpu.dma_semaphore, #tpu.memory_space<semaphore_mem>>) src(%dma_wait3A_56 : memref<10000x128xf32, #tpu.memory_space<hbm>>) dst(%arg7 : memref<80x128xf32, #tpu.memory_space<vmem>>)
      %scan3A_57 = arith.constant 0 : i32
      %scan3A_58 = arith.constant 0 : i32
      %scan3A_59 = arith.constant 5 : i32
      %scan3A_60 = arith.addi %scan3A_58, %scan3A_59 : i32
      %scan3A_61 = arith.constant 1 : i32
      scf.for %scan3A_63 = %scan3A_58 to %scan3A_60 step %scan3A_61  : i32 {
        %mul3A_64 = arith.constant 16 : i32
        %mul3A_65 = arith.muli %scan3A_63, %mul3A_64 : i32
        %get3A = arith.index_cast %mul3A_65 : i32 to index
        %get3A_66 = tpu.vector_load %arg10[%get3A] {strides = array<i32>} : memref<80xf32, #tpu.memory_space<vmem>>, vector<16xf32>,
        %get3A_67 = vector.shape_cast %get3A_66 : vector<16xf32> to vector<16xf32>
        %slice3A = vector.extract_strided_slice %get3A_67 {offsets = [0], sizes = [1], strides = [1]} : vector<16xf32> to vector<1xf32>
        %squeeze3A = vector.extract %slice3A[0] : f32 from vector<1xf32>
        %add3A_68 = arith.constant 0 : i32
        %add3A_69 = arith.addi %mul3A_65, %add3A_68 : i32
        %get3A_70 = arith.index_cast %add3A_69 : i32 to index
        %get3A_71 = arith.constant 0 : index
        %get3A_72 = tpu.vector_load %arg7[%get3A_70, %get3A_71] {strides = array<i32>} : memref<80x128xf32, #tpu.memory_space<vmem>>, vector<1x16xf32>,
        %get3A_73 = vector.shape_cast %get3A_72 : vector<1x16xf32> to vector<16xf32>
        %mul3A_74 = vector.broadcast %squeeze3A : f32 to vector<16xf32>
        %mul3A_75 = arith.mulf %get3A_73, %mul3A_74 : vector<16xf32>
        %add3A_76 = arith.constant 0 : i32
        %add3A_77 = arith.addi %mul3A_65, %add3A_76 : i32
        %swap3A = arith.index_cast %add3A_77 : i32 to index
        %swap3A_78 = arith.constant 0 : index
        %swap3A_79 = tpu.vector_load %arg7[%swap3A, %swap3A_78] {strides = array<i32>} : memref<80x128xf32, #tpu.memory_space<vmem>>, vector<1x16xf32>,
        %swap3A_80 = vector.shape_cast %swap3A_79 : vector<1x16xf32> to vector<16xf32>
        %swap3A_81 = vector.shape_cast %mul3A_75 : vector<16xf32> to vector<1x16xf32>
        tpu.vector_store %arg7[%swap3A, %swap3A_78], %swap3A_81 {strides = array<i32>} : memref<80x128xf32, #tpu.memory_space<vmem>>, vector<1x16xf32>,
        %add3A_82 = arith.constant 0 : i32
        %add3A_83 = arith.addi %mul3A_65, %add3A_82 : i32
        %get3A_84 = arith.index_cast %add3A_83 : i32 to index
        %get3A_85 = arith.constant 16 : index
        %get3A_86 = tpu.vector_load %arg7[%get3A_84, %get3A_85] {strides = array<i32>} : memref<80x128xf32, #tpu.memory_space<vmem>>, vector<1x16xf32>,
        %get3A_87 = vector.shape_cast %get3A_86 : vector<1x16xf32> to vector<16xf32>
        %mul3A_88 = vector.broadcast %squeeze3A : f32 to vector<16xf32>
        %mul3A_89 = arith.mulf %get3A_87, %mul3A_88 : vector<16xf32>
        %add3A_90 = arith.constant 0 : i32
        %add3A_91 = arith.addi %mul3A_65, %add3A_90 : i32
        %swap3A_92 = arith.index_cast %add3A_91 : i32 to index
        %swap3A_93 = arith.constant 16 : index
        %swap3A_94 = tpu.vector_load %arg7[%swap3A_92, %swap3A_93] {strides = array<i32>} : memref<80x128xf32, #tpu.memory_space<vmem>>, vector<1x16xf32>,
        %swap3A_95 = vector.shape_cast %swap3A_94 : vector<1x16xf32> to vector<16xf32>
        %swap3A_96 = vector.shape_cast %mul3A_89 : vector<16xf32> to vector<1x16xf32>
        tpu.vector_store %arg7[%swap3A_92, %swap3A_93], %swap3A_96 {strides = array<i32>} : memref<80x128xf32, #tpu.memory_space<vmem>>, vector<1x16xf32>,
        %add3A_97 = arith.constant 0 : i32
        %add3A_98 = arith.addi %mul3A_65, %add3A_97 : i32
        %get3A_99 = arith.index_cast %add3A_98 : i32 to index
        %get3A_100 = arith.constant 32 : index
        %get3A_101 = tpu.vector_load %arg7[%get3A_99, %get3A_100] {strides = array<i32>} : memref<80x128xf32, #tpu.memory_space<vmem>>, vector<1x16xf32>,
        %get3A_102 = vector.shape_cast %get3A_101 : vector<1x16xf32> to vector<16xf32>
        %mul3A_103 = vector.broadcast %squeeze3A : f32 to vector<16xf32>
        %mul3A_104 = arith.mulf %get3A_102, %mul3A_103 : vector<16xf32>
        %add3A_105 = arith.constant 0 : i32
        %add3A_106 = arith.addi %mul3A_65, %add3A_105 : i32
        %swap3A_107 = arith.index_cast %add3A_106 : i32 to index
        %swap3A_108 = arith.constant 32 : index
        %swap3A_109 = tpu.vector_load %arg7[%swap3A_107, %swap3A_108] {strides = array<i32>} : memref<80x128xf32, #tpu.memory_space<vmem>>, vector<1x16xf32>,
        %swap3A_110 = vector.shape_cast %swap3A_109 : vector<1x16xf32> to vector<16xf32>
        %swap3A_111 = vector.shape_cast %mul3A_104 : vector<16xf32> to vector<1x16xf32>
        tpu.vector_store %arg7[%swap3A_107, %swap3A_108], %swap3A_111 {strides = array<i32>} : memref<80x128xf32, #tpu.memory_space<vmem>>, vector<1x16xf32>,
        %add3A_112 = arith.constant 0 : i32
        %add3A_113 = arith.addi %mul3A_65, %add3A_112 : i32
        %get3A_114 = arith.index_cast %add3A_113 : i32 to index
        %get3A_115 = arith.constant 48 : index
        %get3A_116 = tpu.vector_load %arg7[%get3A_114, %get3A_115] {strides = array<i32>} : memref<80x128xf32, #tpu.memory_space<vmem>>, vector<1x16xf32>,
        %get3A_117 = vector.shape_cast %get3A_116 : vector<1x16xf32> to vector<16xf32>
        %mul3A_118 = vector.broadcast %squeeze3A : f32 to vector<16xf32>
        %mul3A_119 = arith.mulf %get3A_117, %mul3A_118 : vector<16xf32>
        %add3A_120 = arith.constant 0 : i32
        %add3A_121 = arith.addi %mul3A_65, %add3A_120 : i32
        %swap3A_122 = arith.index_cast %add3A_121 : i32 to index
        %swap3A_123 = arith.constant 48 : index
        %swap3A_124 = tpu.vector_load %arg7[%swap3A_122, %swap3A_123] {strides = array<i32>} : memref<80x128xf32, #tpu.memory_space<vmem>>, vector<1x16xf32>,
        %swap3A_125 = vector.shape_cast %swap3A_124 : vector<1x16xf32> to vector<16xf32>
        %swap3A_126 = vector.shape_cast %mul3A_119 : vector<16xf32> to vector<1x16xf32>
        tpu.vector_store %arg7[%swap3A_122, %swap3A_123], %swap3A_126 {strides = array<i32>} : memref<80x128xf32, #tpu.memory_space<vmem>>, vector<1x16xf32>,
        %add3A_127 = arith.constant 0 : i32
        %add3A_128 = arith.addi %mul3A_65, %add3A_127 : i32
        %get3A_129 = arith.index_cast %add3A_128 : i32 to index
        %get3A_130 = arith.constant 64 : index
        %get3A_131 = tpu.vector_load %arg7[%get3A_129, %get3A_130] {strides = array<i32>} : memref<80x128xf32, #tpu.memory_space<vmem>>, vector<1x16xf32>,
        %get3A_132 = vector.shape_cast %get3A_131 : vector<1x16xf32> to vector<16xf32>
        %mul3A_133 = vector.broadcast %squeeze3A : f32 to vector<16xf32>
        %mul3A_134 = arith.mulf %get3A_132, %mul3A_133 : vector<16xf32>
        %add3A_135 = arith.constant 0 : i32
        %add3A_136 = arith.addi %mul3A_65, %add3A_135 : i32
        %swap3A_137 = arith.index_cast %add3A_136 : i32 to index
        %swap3A_138 = arith.constant 64 : index
        %swap3A_139 = tpu.vector_load %arg7[%swap3A_137, %swap3A_138] {strides = array<i32>} : memref<80x128xf32, #tpu.memory_space<vmem>>, vector<1x16xf32>,
        %swap3A_140 = vector.shape_cast %swap3A_139 : vector<1x16xf32> to vector<16xf32>
        %swap3A_141 = vector.shape_cast %mul3A_134 : vector<16xf32> to vector<1x16xf32>
        tpu.vector_store %arg7[%swap3A_137, %swap3A_138], %swap3A_141 {strides = array<i32>} : memref<80x128xf32, #tpu.memory_space<vmem>>, vector<1x16xf32>,
        %add3A_142 = arith.constant 0 : i32
        %add3A_143 = arith.addi %mul3A_65, %add3A_142 : i32
        %get3A_144 = arith.index_cast %add3A_143 : i32 to index
        %get3A_145 = arith.constant 80 : index
        %get3A_146 = tpu.vector_load %arg7[%get3A_144, %get3A_145] {strides = array<i32>} : memref<80x128xf32, #tpu.memory_space<vmem>>, vector<1x16xf32>,
        %get3A_147 = vector.shape_cast %get3A_146 : vector<1x16xf32> to vector<16xf32>
        %mul3A_148 = vector.broadcast %squeeze3A : f32 to vector<16xf32>
        %mul3A_149 = arith.mulf %get3A_147, %mul3A_148 : vector<16xf32>
        %add3A_150 = arith.constant 0 : i32
        %add3A_151 = arith.addi %mul3A_65, %add3A_150 : i32
        %swap3A_152 = arith.index_cast %add3A_151 : i32 to index
        %swap3A_153 = arith.constant 80 : index
        %swap3A_154 = tpu.vector_load %arg7[%swap3A_152, %swap3A_153] {strides = array<i32>} : memref<80x128xf32, #tpu.memory_space<vmem>>, vector<1x16xf32>,
        %swap3A_155 = vector.shape_cast %swap3A_154 : vector<1x16xf32> to vector<16xf32>
        %swap3A_156 = vector.shape_cast %mul3A_149 : vector<16xf32> to vector<1x16xf32>
        tpu.vector_store %arg7[%swap3A_152, %swap3A_153], %swap3A_156 {strides = array<i32>} : memref<80x128xf32, #tpu.memory_space<vmem>>, vector<1x16xf32>,
        %add3A_157 = arith.constant 0 : i32
        %add3A_158 = arith.addi %mul3A_65, %add3A_157 : i32
        %get3A_159 = arith.index_cast %add3A_158 : i32 to index
        %get3A_160 = arith.constant 96 : index
        %get3A_161 = tpu.vector_load %arg7[%get3A_159, %get3A_160] {strides = array<i32>} : memref<80x128xf32, #tpu.memory_space<vmem>>, vector<1x16xf32>,
        %get3A_162 = vector.shape_cast %get3A_161 : vector<1x16xf32> to vector<16xf32>
        %mul3A_163 = vector.broadcast %squeeze3A : f32 to vector<16xf32>
        %mul3A_164 = arith.mulf %get3A_162, %mul3A_163 : vector<16xf32>
        %add3A_165 = arith.constant 0 : i32
        %add3A_166 = arith.addi %mul3A_65, %add3A_165 : i32
        %swap3A_167 = arith.index_cast %add3A_166 : i32 to index
        %swap3A_168 = arith.constant 96 : index
        %swap3A_169 = tpu.vector_load %arg7[%swap3A_167, %swap3A_168] {strides = array<i32>} : memref<80x128xf32, #tpu.memory_space<vmem>>, vector<1x16xf32>,
        %swap3A_170 = vector.shape_cast %swap3A_169 : vector<1x16xf32> to vector<16xf32>
        %swap3A_171 = vector.shape_cast %mul3A_164 : vector<16xf32> to vector<1x16xf32>
        tpu.vector_store %arg7[%swap3A_167, %swap3A_168], %swap3A_171 {strides = array<i32>} : memref<80x128xf32, #tpu.memory_space<vmem>>, vector<1x16xf32>,
        %add3A_172 = arith.constant 0 : i32
        %add3A_173 = arith.addi %mul3A_65, %add3A_172 : i32
        %get3A_174 = arith.index_cast %add3A_173 : i32 to index
        %get3A_175 = arith.constant 112 : index
        %get3A_176 = tpu.vector_load %arg7[%get3A_174, %get3A_175] {strides = array<i32>} : memref<80x128xf32, #tpu.memory_space<vmem>>, vector<1x16xf32>,
        %get3A_177 = vector.shape_cast %get3A_176 : vector<1x16xf32> to vector<16xf32>
        %mul3A_178 = vector.broadcast %squeeze3A : f32 to vector<16xf32>
        %mul3A_179 = arith.mulf %get3A_177, %mul3A_178 : vector<16xf32>
        %add3A_180 = arith.constant 0 : i32
        %add3A_181 = arith.addi %mul3A_65, %add3A_180 : i32
        %swap3A_182 = arith.index_cast %add3A_181 : i32 to index
        %swap3A_183 = arith.constant 112 : index
        %swap3A_184 = tpu.vector_load %arg7[%swap3A_182, %swap3A_183] {strides = array<i32>} : memref<80x128xf32, #tpu.memory_space<vmem>>, vector<1x16xf32>,
        %swap3A_185 = vector.shape_cast %swap3A_184 : vector<1x16xf32> to vector<16xf32>
        %swap3A_186 = vector.shape_cast %mul3A_179 : vector<16xf32> to vector<1x16xf32>
        tpu.vector_store %arg7[%swap3A_182, %swap3A_183], %swap3A_186 {strides = array<i32>} : memref<80x128xf32, #tpu.memory_space<vmem>>, vector<1x16xf32>,
        %slice3A_187 = vector.extract_strided_slice %get3A_67 {offsets = [1], sizes = [1], strides = [1]} : vector<16xf32> to vector<1xf32>
        %squeeze3A_188 = vector.extract %slice3A_187[0] : f32 from vector<1xf32>
        %add3A_189 = arith.constant 1 : i32
        %add3A_190 = arith.addi %mul3A_65, %add3A_189 : i32
        %get3A_191 = arith.index_cast %add3A_190 : i32 to index
        %get3A_192 = arith.constant 0 : index
        %get3A_193 = tpu.vector_load %arg7[%get3A_191, %get3A_192] {strides = array<i32>} : memref<80x128xf32, #tpu.memory_space<vmem>>, vector<1x16xf32>,
        %get3A_194 = vector.shape_cast %get3A_193 : vector<1x16xf32> to vector<16xf32>
        %mul3A_195 = vector.broadcast %squeeze3A_188 : f32 to vector<16xf32>
        %mul3A_196 = arith.mulf %get3A_194, %mul3A_195 : vector<16xf32>
        %add3A_197 = arith.constant 1 : i32
        %add3A_198 = arith.addi %mul3A_65, %add3A_197 : i32
        %swap3A_199 = arith.index_cast %add3A_198 : i32 to index
        %swap3A_200 = arith.constant 0 : index
        %swap3A_201 = tpu.vector_load %arg7[%swap3A_199, %swap3A_200] {strides = array<i32>} : memref<80x128xf32, #tpu.memory_space<vmem>>, vector<1x16xf32>,
        %swap3A_202 = vector.shape_cast %swap3A_201 : vector<1x16xf32> to vector<16xf32>
        %swap3A_203 = vector.shape_cast %mul3A_196 : vector<16xf32> to vector<1x16xf32>
        tpu.vector_store %arg7[%swap3A_199, %swap3A_200], %swap3A_203 {strides = array<i32>} : memref<80x128xf32, #tpu.memory_space<vmem>>, vector<1x16xf32>,
        %add3A_204 = arith.constant 1 : i32
        %add3A_205 = arith.addi %mul3A_65, %add3A_204 : i32
        %get3A_206 = arith.index_cast %add3A_205 : i32 to index
        %get3A_207 = arith.constant 16 : index
        %get3A_208 = tpu.vector_load %arg7[%get3A_206, %get3A_207] {strides = array<i32>} : memref<80x128xf32, #tpu.memory_space<vmem>>, vector<1x16xf32>,
        %get3A_209 = vector.shape_cast %get3A_208 : vector<1x16xf32> to vector<16xf32>
        %mul3A_210 = vector.broadcast %squeeze3A_188 : f32 to vector<16xf32>
        %mul3A_211 = arith.mulf %get3A_209, %mul3A_210 : vector<16xf32>
        %add3A_212 = arith.constant 1 : i32
        %add3A_213 = arith.addi %mul3A_65, %add3A_212 : i32
        %swap3A_214 = arith.index_cast %add3A_213 : i32 to index
        %swap3A_215 = arith.constant 16 : index
        %swap3A_216 = tpu.vector_load %arg7[%swap3A_214, %swap3A_215] {strides = array<i32>} : memref<80x128xf32, #tpu.memory_space<vmem>>, vector<1x16xf32>,
        %swap3A_217 = vector.shape_cast %swap3A_216 : vector<1x16xf32> to vector<16xf32>
        %swap3A_218 = vector.shape_cast %mul3A_211 : vector<16xf32> to vector<1x16xf32>
        tpu.vector_store %arg7[%swap3A_214, %swap3A_215], %swap3A_218 {strides = array<i32>} : memref<80x128xf32, #tpu.memory_space<vmem>>, vector<1x16xf32>,
        %add3A_219 = arith.constant 1 : i32
        %add3A_220 = arith.addi %mul3A_65, %add3A_219 : i32
        %get3A_221 = arith.index_cast %add3A_220 : i32 to index
        %get3A_222 = arith.constant 32 : index
        %get3A_223 = tpu.vector_load %arg7[%get3A_221, %get3A_222] {strides = array<i32>} : memref<80x128xf32, #tpu.memory_space<vmem>>, vector<1x16xf32>,
        %get3A_224 = vector.shape_cast %get3A_223 : vector<1x16xf32> to vector<16xf32>
        %mul3A_225 = vector.broadcast %squeeze3A_188 : f32 to vector<16xf32>
        %mul3A_226 = arith.mulf %get3A_224, %mul3A_225 : vector<16xf32>
        %add3A_227 = arith.constant 1 : i32
        %add3A_228 = arith.addi %mul3A_65, %add3A_227 : i32
        %swap3A_229 = arith.index_cast %add3A_228 : i32 to index
        %swap3A_230 = arith.constant 32 : index
        %swap3A_231 = tpu.vector_load %arg7[%swap3A_229, %swap3A_230] {strides = array<i32>} : memref<80x128xf32, #tpu.memory_space<vmem>>, vector<1x16xf32>,
        %swap3A_232 = vector.shape_cast %swap3A_231 : vector<1x16xf32> to vector<16xf32>
        %swap3A_233 = vector.shape_cast %mul3A_226 : vector<16xf32> to vector<1x16xf32>
        tpu.vector_store %arg7[%swap3A_229, %swap3A_230], %swap3A_233 {strides = array<i32>} : memref<80x128xf32, #tpu.memory_space<vmem>>, vector<1x16xf32>,
        %add3A_234 = arith.constant 1 : i32
        %add3A_235 = arith.addi %mul3A_65, %add3A_234 : i32
        %get3A_236 = arith.index_cast %add3A_235 : i32 to index
        %get3A_237 = arith.constant 48 : index
        %get3A_238 = tpu.vector_load %arg7[%get3A_236, %get3A_237] {strides = array<i32>} : memref<80x128xf32, #tpu.memory_space<vmem>>, vector<1x16xf32>,
        %get3A_239 = vector.shape_cast %get3A_238 : vector<1x16xf32> to vector<16xf32>
        %mul3A_240 = vector.broadcast %squeeze3A_188 : f32 to vector<16xf32>
        %mul3A_241 = arith.mulf %get3A_239, %mul3A_240 : vector<16xf32>
        %add3A_242 = arith.constant 1 : i32
        %add3A_243 = arith.addi %mul3A_65, %add3A_242 : i32
        %swap3A_244 = arith.index_cast %add3A_243 : i32 to index
        %swap3A_245 = arith.constant 48 : index
        %swap3A_246 = tpu.vector_load %arg7[%swap3A_244, %swap3A_245] {strides = array<i32>} : memref<80x128xf32, #tpu.memory_space<vmem>>, vector<1x16xf32>,
        %swap3A_247 = vector.shape_cast %swap3A_246 : vector<1x16xf32> to vector<16xf32>
        %swap3A_248 = vector.shape_cast %mul3A_241 : vector<16xf32> to vector<1x16xf32>
        tpu.vector_store %arg7[%swap3A_244, %swap3A_245], %swap3A_248 {strides = array<i32>} : memref<80x128xf32, #tpu.memory_space<vmem>>, vector<1x16xf32>,
        %add3A_249 = arith.constant 1 : i32
        %add3A_250 = arith.addi %mul3A_65, %add3A_249 : i32
        %get3A_251 = arith.index_cast %add3A_250 : i32 to index
        %get3A_252 = arith.constant 64 : index
        %get3A_253 = tpu.vector_load %arg7[%get3A_251, %get3A_252] {strides = array<i32>} : memref<80x128xf32, #tpu.memory_space<vmem>>, vector<1x16xf32>,
        %get3A_254 = vector.shape_cast %get3A_253 : vector<1x16xf32> to vector<16xf32>
        %mul3A_255 = vector.broadcast %squeeze3A_188 : f32 to vector<16xf32>
        %mul3A_256 = arith.mulf %get3A_254, %mul3A_255 : vector<16xf32>
        %add3A_257 = arith.constant 1 : i32
        %add3A_258 = arith.addi %mul3A_65, %add3A_257 : i32
        %swap3A_259 = arith.index_cast %add3A_258 : i32 to index
        %swap3A_260 = arith.constant 64 : index
        %swap3A_261 = tpu.vector_load %arg7[%swap3A_259, %swap3A_260] {strides = array<i32>} : memref<80x128xf32, #tpu.memory_space<vmem>>, vector<1x16xf32>,
        %swap3A_262 = vector.shape_cast %swap3A_261 : vector<1x16xf32> to vector<16xf32>
        %swap3A_263 = vector.shape_cast %mul3A_256 : vector<16xf32> to vector<1x16xf32>
        tpu.vector_store %arg7[%swap3A_259, %swap3A_260], %swap3A_263 {strides = array<i32>} : memref<80x128xf32, #tpu.memory_space<vmem>>, vector<1x16xf32>,
        %add3A_264 = arith.constant 1 : i32
        %add3A_265 = arith.addi %mul3A_65, %add3A_264 : i32
        %get3A_266 = arith.index_cast %add3A_265 : i32 to index
        %get3A_267 = arith.constant 80 : index
        %get3A_268 = tpu.vector_load %arg7[%get3A_266, %get3A_267] {strides = array<i32>} : memref<80x128xf32, #tpu.memory_space<vmem>>, vector<1x16xf32>,
        %get3A_269 = vector.shape_cast %get3A_268 : vector<1x16xf32> to vector<16xf32>
        %mul3A_270 = vector.broadcast %squeeze3A_188 : f32 to vector<16xf32>
        %mul3A_271 = arith.mulf %get3A_269, %mul3A_270 : vector<16xf32>
        %add3A_272 = arith.constant 1 : i32
        %add3A_273 = arith.addi %mul3A_65, %add3A_272 : i32
        %swap3A_274 = arith.index_cast %add3A_273 : i32 to index
        %swap3A_275 = arith.constant 80 : index
        %swap3A_276 = tpu.vector_load %arg7[%swap3A_274, %swap3A_275] {strides = array<i32>} : memref<80x128xf32, #tpu.memory_space<vmem>>, vector<1x16xf32>,
        %swap3A_277 = vector.shape_cast %swap3A_276 : vector<1x16xf32> to vector<16xf32>
        %swap3A_278 = vector.shape_cast %mul3A_271 : vector<16xf32> to vector<1x16xf32>
        tpu.vector_store %arg7[%swap3A_274, %swap3A_275], %swap3A_278 {strides = array<i32>} : memref<80x128xf32, #tpu.memory_space<vmem>>, vector<1x16xf32>,
        %add3A_279 = arith.constant 1 : i32
        %add3A_280 = arith.addi %mul3A_65, %add3A_279 : i32
        %get3A_281 = arith.index_cast %add3A_280 : i32 to index
        %get3A_282 = arith.constant 96 : index
        %get3A_283 = tpu.vector_load %arg7[%get3A_281, %get3A_282] {strides = array<i32>} : memref<80x128xf32, #tpu.memory_space<vmem>>, vector<1x16xf32>,
        %get3A_284 = vector.shape_cast %get3A_283 : vector<1x16xf32> to vector<16xf32>
        %mul3A_285 = vector.broadcast %squeeze3A_188 : f32 to vector<16xf32>
        %mul3A_286 = arith.mulf %get3A_284, %mul3A_285 : vector<16xf32>
        %add3A_287 = arith.constant 1 : i32
        %add3A_288 = arith.addi %mul3A_65, %add3A_287 : i32
        %swap3A_289 = arith.index_cast %add3A_288 : i32 to index
        %swap3A_290 = arith.constant 96 : index
        %swap3A_291 = tpu.vector_load %arg7[%swap3A_289, %swap3A_290] {strides = array<i32>} : memref<80x128xf32, #tpu.memory_space<vmem>>, vector<1x16xf32>,
        %swap3A_292 = vector.shape_cast %swap3A_291 : vector<1x16xf32> to vector<16xf32>
        %swap3A_293 = vector.shape_cast %mul3A_286 : vector<16xf32> to vector<1x16xf32>
        tpu.vector_store %arg7[%swap3A_289, %swap3A_290], %swap3A_293 {strides = array<i32>} : memref<80x128xf32, #tpu.memory_space<vmem>>, vector<1x16xf32>,
        %add3A_294 = arith.constant 1 : i32
        %add3A_295 = arith.addi %mul3A_65, %add3A_294 : i32
        %get3A_296 = arith.index_cast %add3A_295 : i32 to index
        %get3A_297 = arith.constant 112 : index
        %get3A_298 = tpu.vector_load %arg7[%get3A_296, %get3A_297] {strides = array<i32>} : memref<80x128xf32, #tpu.memory_space<vmem>>, vector<1x16xf32>,
        %get3A_299 = vector.shape_cast %get3A_298 : vector<1x16xf32> to vector<16xf32>
        %mul3A_300 = vector.broadcast %squeeze3A_188 : f32 to vector<16xf32>
        %mul3A_301 = arith.mulf %get3A_299, %mul3A_300 : vector<16xf32>
        %add3A_302 = arith.constant 1 : i32
        %add3A_303 = arith.addi %mul3A_65, %add3A_302 : i32
        %swap3A_304 = arith.index_cast %add3A_303 : i32 to index
        %swap3A_305 = arith.constant 112 : index
        %swap3A_306 = tpu.vector_load %arg7[%swap3A_304, %swap3A_305] {strides = array<i32>} : memref<80x128xf32, #tpu.memory_space<vmem>>, vector<1x16xf32>,
        %swap3A_307 = vector.shape_cast %swap3A_306 : vector<1x16xf32> to vector<16xf32>
        %swap3A_308 = vector.shape_cast %mul3A_301 : vector<16xf32> to vector<1x16xf32>
        tpu.vector_store %arg7[%swap3A_304, %swap3A_305], %swap3A_308 {strides = array<i32>} : memref<80x128xf32, #tpu.memory_space<vmem>>, vector<1x16xf32>,
        %slice3A_309 = vector.extract_strided_slice %get3A_67 {offsets = [2], sizes = [1], strides = [1]} : vector<16xf32> to vector<1xf32>
        %squeeze3A_310 = vector.extract %slice3A_309[0] : f32 from vector<1xf32>
        %add3A_311 = arith.constant 2 : i32
        %add3A_312 = arith.addi %mul3A_65, %add3A_311 : i32
        %get3A_313 = arith.index_cast %add3A_312 : i32 to index
        %get3A_314 = arith.constant 0 : index
        %get3A_315 = tpu.vector_load %arg7[%get3A_313, %get3A_314] {strides = array<i32>} : memref<80x128xf32, #tpu.memory_space<vmem>>, vector<1x16xf32>,
        %get3A_316 = vector.shape_cast %get3A_315 : vector<1x16xf32> to vector<16xf32>
        %mul3A_317 = vector.broadcast %squeeze3A_310 : f32 to vector<16xf32>
        %mul3A_318 = arith.mulf %get3A_316, %mul3A_317 : vector<16xf32>
        %add3A_319 = arith.constant 2 : i32
        %add3A_320 = arith.addi %mul3A_65, %add3A_319 : i32
        %swap3A_321 = arith.index_cast %add3A_320 : i32 to index
        %swap3A_322 = arith.constant 0 : index
        %swap3A_323 = tpu.vector_load %arg7[%swap3A_321, %swap3A_322] {strides = array<i32>} : memref<80x128xf32, #tpu.memory_space<vmem>>, vector<1x16xf32>,
        %swap3A_324 = vector.shape_cast %swap3A_323 : vector<1x16xf32> to vector<16xf32>
        %swap3A_325 = vector.shape_cast %mul3A_318 : vector<16xf32> to vector<1x16xf32>
        tpu.vector_store %arg7[%swap3A_321, %swap3A_322], %swap3A_325 {strides = array<i32>} : memref<80x128xf32, #tpu.memory_space<vmem>>, vector<1x16xf32>,
        %add3A_326 = arith.constant 2 : i32
        %add3A_327 = arith.addi %mul3A_65, %add3A_326 : i32
        %get3A_328 = arith.index_cast %add3A_327 : i32 to index
        %get3A_329 = arith.constant 16 : index
        %get3A_330 = tpu.vector_load %arg7[%get3A_328, %get3A_329] {strides = array<i32>} : memref<80x128xf32, #tpu.memory_space<vmem>>, vector<1x16xf32>,
        %get3A_331 = vector.shape_cast %get3A_330 : vector<1x16xf32> to vector<16xf32>
        %mul3A_332 = vector.broadcast %squeeze3A_310 : f32 to vector<16xf32>
        %mul3A_333 = arith.mulf %get3A_331, %mul3A_332 : vector<16xf32>
        %add3A_334 = arith.constant 2 : i32
        %add3A_335 = arith.addi %mul3A_65, %add3A_334 : i32
        %swap3A_336 = arith.index_cast %add3A_335 : i32 to index
        %swap3A_337 = arith.constant 16 : index
        %swap3A_338 = tpu.vector_load %arg7[%swap3A_336, %swap3A_337] {strides = array<i32>} : memref<80x128xf32, #tpu.memory_space<vmem>>, vector<1x16xf32>,
        %swap3A_339 = vector.shape_cast %swap3A_338 : vector<1x16xf32> to vector<16xf32>
        %swap3A_340 = vector.shape_cast %mul3A_333 : vector<16xf32> to vector<1x16xf32>
        tpu.vector_store %arg7[%swap3A_336, %swap3A_337], %swap3A_340 {strides = array<i32>} : memref<80x128xf32, #tpu.memory_space<vmem>>, vector<1x16xf32>,
        %add3A_341 = arith.constant 2 : i32
        %add3A_342 = arith.addi %mul3A_65, %add3A_341 : i32
        %get3A_343 = arith.index_cast %add3A_342 : i32 to index
        %get3A_344 = arith.constant 32 : index
        %get3A_345 = tpu.vector_load %arg7[%get3A_343, %get3A_344] {strides = array<i32>} : memref<80x128xf32, #tpu.memory_space<vmem>>, vector<1x16xf32>,
        %get3A_346 = vector.shape_cast %get3A_345 : vector<1x16xf32> to vector<16xf32>
        %mul3A_347 = vector.broadcast %squeeze3A_310 : f32 to vector<16xf32>
        %mul3A_348 = arith.mulf %get3A_346, %mul3A_347 : vector<16xf32>
        %add3A_349 = arith.constant 2 : i32
        %add3A_350 = arith.addi %mul3A_65, %add3A_349 : i32
        %swap3A_351 = arith.index_cast %add3A_350 : i32 to index
        %swap3A_352 = arith.constant 32 : index
        %swap3A_353 = tpu.vector_load %arg7[%swap3A_351, %swap3A_352] {strides = array<i32>} : memref<80x128xf32, #tpu.memory_space<vmem>>, vector<1x16xf32>,
        %swap3A_354 = vector.shape_cast %swap3A_353 : vector<1x16xf32> to vector<16xf32>
        %swap3A_355 = vector.shape_cast %mul3A_348 : vector<16xf32> to vector<1x16xf32>
        tpu.vector_store %arg7[%swap3A_351, %swap3A_352], %swap3A_355 {strides = array<i32>} : memref<80x128xf32, #tpu.memory_space<vmem>>, vector<1x16xf32>,
        %add3A_356 = arith.constant 2 : i32
        %add3A_357 = arith.addi %mul3A_65, %add3A_356 : i32
        %get3A_358 = arith.index_cast %add3A_357 : i32 to index
        %get3A_359 = arith.constant 48 : index
        %get3A_360 = tpu.vector_load %arg7[%get3A_358, %get3A_359] {strides = array<i32>} : memref<80x128xf32, #tpu.memory_space<vmem>>, vector<1x16xf32>,
        %get3A_361 = vector.shape_cast %get3A_360 : vector<1x16xf32> to vector<16xf32>
        %mul3A_362 = vector.broadcast %squeeze3A_310 : f32 to vector<16xf32>
        %mul3A_363 = arith.mulf %get3A_361, %mul3A_362 : vector<16xf32>
        %add3A_364 = arith.constant 2 : i32
        %add3A_365 = arith.addi %mul3A_65, %add3A_364 : i32
        %swap3A_366 = arith.index_cast %add3A_365 : i32 to index
        %swap3A_367 = arith.constant 48 : index
        %swap3A_368 = tpu.vector_load %arg7[%swap3A_366, %swap3A_367] {strides = array<i32>} : memref<80x128xf32, #tpu.memory_space<vmem>>, vector<1x16xf32>,
        %swap3A_369 = vector.shape_cast %swap3A_368 : vector<1x16xf32> to vector<16xf32>
        %swap3A_370 = vector.shape_cast %mul3A_363 : vector<16xf32> to vector<1x16xf32>
        tpu.vector_store %arg7[%swap3A_366, %swap3A_367], %swap3A_370 {strides = array<i32>} : memref<80x128xf32, #tpu.memory_space<vmem>>, vector<1x16xf32>,
        %add3A_371 = arith.constant 2 : i32
        %add3A_372 = arith.addi %mul3A_65, %add3A_371 : i32
        %get3A_373 = arith.index_cast %add3A_372 : i32 to index
        %get3A_374 = arith.constant 64 : index
        %get3A_375 = tpu.vector_load %arg7[%get3A_373, %get3A_374] {strides = array<i32>} : memref<80x128xf32, #tpu.memory_space<vmem>>, vector<1x16xf32>,
        %get3A_376 = vector.shape_cast %get3A_375 : vector<1x16xf32> to vector<16xf32>
        %mul3A_377 = vector.broadcast %squeeze3A_310 : f32 to vector<16xf32>
        %mul3A_378 = arith.mulf %get3A_376, %mul3A_377 : vector<16xf32>
        %add3A_379 = arith.constant 2 : i32
        %add3A_380 = arith.addi %mul3A_65, %add3A_379 : i32
        %swap3A_381 = arith.index_cast %add3A_380 : i32 to index
        %swap3A_382 = arith.constant 64 : index
        %swap3A_383 = tpu.vector_load %arg7[%swap3A_381, %swap3A_382] {strides = array<i32>} : memref<80x128xf32, #tpu.memory_space<vmem>>, vector<1x16xf32>,
        %swap3A_384 = vector.shape_cast %swap3A_383 : vector<1x16xf32> to vector<16xf32>
        %swap3A_385 = vector.shape_cast %mul3A_378 : vector<16xf32> to vector<1x16xf32>
        tpu.vector_store %arg7[%swap3A_381, %swap3A_382], %swap3A_385 {strides = array<i32>} : memref<80x128xf32, #tpu.memory_space<vmem>>, vector<1x16xf32>,
        %add3A_386 = arith.constant 2 : i32
        %add3A_387 = arith.addi %mul3A_65, %add3A_386 : i32
        %get3A_388 = arith.index_cast %add3A_387 : i32 to index
        %get3A_389 = arith.constant 80 : index
        %get3A_390 = tpu.vector_load %arg7[%get3A_388, %get3A_389] {strides = array<i32>} : memref<80x128xf32, #tpu.memory_space<vmem>>, vector<1x16xf32>,
        %get3A_391 = vector.shape_cast %get3A_390 : vector<1x16xf32> to vector<16xf32>
        %mul3A_392 = vector.broadcast %squeeze3A_310 : f32 to vector<16xf32>
        %mul3A_393 = arith.mulf %get3A_391, %mul3A_392 : vector<16xf32>
        %add3A_394 = arith.constant 2 : i32
        %add3A_395 = arith.addi %mul3A_65, %add3A_394 : i32
        %swap3A_396 = arith.index_cast %add3A_395 : i32 to index
        %swap3A_397 = arith.constant 80 : index
        %swap3A_398 = tpu.vector_load %arg7[%swap3A_396, %swap3A_397] {strides = array<i32>} : memref<80x128xf32, #tpu.memory_space<vmem>>, vector<1x16xf32>,
        %swap3A_399 = vector.shape_cast %swap3A_398 : vector<1x16xf32> to vector<16xf32>
        %swap3A_400 = vector.shape_cast %mul3A_393 : vector<16xf32> to vector<1x16xf32>
        tpu.vector_store %arg7[%swap3A_396, %swap3A_397], %swap3A_400 {strides = array<i32>} : memref<80x128xf32, #tpu.memory_space<vmem>>, vector<1x16xf32>,
        %add3A_401 = arith.constant 2 : i32
        %add3A_402 = arith.addi %mul3A_65, %add3A_401 : i32
        %get3A_403 = arith.index_cast %add3A_402 : i32 to index
        %get3A_404 = arith.constant 96 : index
        %get3A_405 = tpu.vector_load %arg7[%get3A_403, %get3A_404] {strides = array<i32>} : memref<80x128xf32, #tpu.memory_space<vmem>>, vector<1x16xf32>,
        %get3A_406 = vector.shape_cast %get3A_405 : vector<1x16xf32> to vector<16xf32>
        %mul3A_407 = vector.broadcast %squeeze3A_310 : f32 to vector<16xf32>
        %mul3A_408 = arith.mulf %get3A_406, %mul3A_407 : vector<16xf32>
        %add3A_409 = arith.constant 2 : i32
        %add3A_410 = arith.addi %mul3A_65, %add3A_409 : i32
        %swap3A_411 = arith.index_cast %add3A_410 : i32 to index
        %swap3A_412 = arith.constant 96 : index
        %swap3A_413 = tpu.vector_load %arg7[%swap3A_411, %swap3A_412] {strides = array<i32>} : memref<80x128xf32, #tpu.memory_space<vmem>>, vector<1x16xf32>,
        %swap3A_414 = vector.shape_cast %swap3A_413 : vector<1x16xf32> to vector<16xf32>
        %swap3A_415 = vector.shape_cast %mul3A_408 : vector<16xf32> to vector<1x16xf32>
        tpu.vector_store %arg7[%swap3A_411, %swap3A_412], %swap3A_415 {strides = array<i32>} : memref<80x128xf32, #tpu.memory_space<vmem>>, vector<1x16xf32>,
        %add3A_416 = arith.constant 2 : i32
        %add3A_417 = arith.addi %mul3A_65, %add3A_416 : i32
        %get3A_418 = arith.index_cast %add3A_417 : i32 to index
        %get3A_419 = arith.constant 112 : index
        %get3A_420 = tpu.vector_load %arg7[%get3A_418, %get3A_419] {strides = array<i32>} : memref<80x128xf32, #tpu.memory_space<vmem>>, vector<1x16xf32>,
        %get3A_421 = vector.shape_cast %get3A_420 : vector<1x16xf32> to vector<16xf32>
        %mul3A_422 = vector.broadcast %squeeze3A_310 : f32 to vector<16xf32>
        %mul3A_423 = arith.mulf %get3A_421, %mul3A_422 : vector<16xf32>
        %add3A_424 = arith.constant 2 : i32
        %add3A_425 = arith.addi %mul3A_65, %add3A_424 : i32
        %swap3A_426 = arith.index_cast %add3A_425 : i32 to index
        %swap3A_427 = arith.constant 112 : index
        %swap3A_428 = tpu.vector_load %arg7[%swap3A_426, %swap3A_427] {strides = array<i32>} : memref<80x128xf32, #tpu.memory_space<vmem>>, vector<1x16xf32>,
        %swap3A_429 = vector.shape_cast %swap3A_428 : vector<1x16xf32> to vector<16xf32>
        %swap3A_430 = vector.shape_cast %mul3A_423 : vector<16xf32> to vector<1x16xf32>
        tpu.vector_store %arg7[%swap3A_426, %swap3A_427], %swap3A_430 {strides = array<i32>} : memref<80x128xf32, #tpu.memory_space<vmem>>, vector<1x16xf32>,
        %slice3A_431 = vector.extract_strided_slice %get3A_67 {offsets = [3], sizes = [1], strides = [1]} : vector<16xf32> to vector<1xf32>
        %squeeze3A_432 = vector.extract %slice3A_431[0] : f32 from vector<1xf32>
        %add3A_433 = arith.constant 3 : i32
        %add3A_434 = arith.addi %mul3A_65, %add3A_433 : i32
        %get3A_435 = arith.index_cast %add3A_434 : i32 to index
        %get3A_436 = arith.constant 0 : index
        %get3A_437 = tpu.vector_load %arg7[%get3A_435, %get3A_436] {strides = array<i32>} : memref<80x128xf32, #tpu.memory_space<vmem>>, vector<1x16xf32>,
        %get3A_438 = vector.shape_cast %get3A_437 : vector<1x16xf32> to vector<16xf32>
        %mul3A_439 = vector.broadcast %squeeze3A_432 : f32 to vector<16xf32>
        %mul3A_440 = arith.mulf %get3A_438, %mul3A_439 : vector<16xf32>
        %add3A_441 = arith.constant 3 : i32
        %add3A_442 = arith.addi %mul3A_65, %add3A_441 : i32
        %swap3A_443 = arith.index_cast %add3A_442 : i32 to index
        %swap3A_444 = arith.constant 0 : index
        %swap3A_445 = tpu.vector_load %arg7[%swap3A_443, %swap3A_444] {strides = array<i32>} : memref<80x128xf32, #tpu.memory_space<vmem>>, vector<1x16xf32>,
        %swap3A_446 = vector.shape_cast %swap3A_445 : vector<1x16xf32> to vector<16xf32>
        %swap3A_447 = vector.shape_cast %mul3A_440 : vector<16xf32> to vector<1x16xf32>
        tpu.vector_store %arg7[%swap3A_443, %swap3A_444], %swap3A_447 {strides = array<i32>} : memref<80x128xf32, #tpu.memory_space<vmem>>, vector<1x16xf32>,
        %add3A_448 = arith.constant 3 : i32
        %add3A_449 = arith.addi %mul3A_65, %add3A_448 : i32
        %get3A_450 = arith.index_cast %add3A_449 : i32 to index
        %get3A_451 = arith.constant 16 : index
        %get3A_452 = tpu.vector_load %arg7[%get3A_450, %get3A_451] {strides = array<i32>} : memref<80x128xf32, #tpu.memory_space<vmem>>, vector<1x16xf32>,
        %get3A_453 = vector.shape_cast %get3A_452 : vector<1x16xf32> to vector<16xf32>
        %mul3A_454 = vector.broadcast %squeeze3A_432 : f32 to vector<16xf32>
        %mul3A_455 = arith.mulf %get3A_453, %mul3A_454 : vector<16xf32>
        %add3A_456 = arith.constant 3 : i32
        %add3A_457 = arith.addi %mul3A_65, %add3A_456 : i32
        %swap3A_458 = arith.index_cast %add3A_457 : i32 to index
        %swap3A_459 = arith.constant 16 : index
        %swap3A_460 = tpu.vector_load %arg7[%swap3A_458, %swap3A_459] {strides = array<i32>} : memref<80x128xf32, #tpu.memory_space<vmem>>, vector<1x16xf32>,
        %swap3A_461 = vector.shape_cast %swap3A_460 : vector<1x16xf32> to vector<16xf32>
        %swap3A_462 = vector.shape_cast %mul3A_455 : vector<16xf32> to vector<1x16xf32>
        tpu.vector_store %arg7[%swap3A_458, %swap3A_459], %swap3A_462 {strides = array<i32>} : memref<80x128xf32, #tpu.memory_space<vmem>>, vector<1x16xf32>,
        %add3A_463 = arith.constant 3 : i32
        %add3A_464 = arith.addi %mul3A_65, %add3A_463 : i32
        %get3A_465 = arith.index_cast %add3A_464 : i32 to index
        %get3A_466 = arith.constant 32 : index
        %get3A_467 = tpu.vector_load %arg7[%get3A_465, %get3A_466] {strides = array<i32>} : memref<80x128xf32, #tpu.memory_space<vmem>>, vector<1x16xf32>,
        %get3A_468 = vector.shape_cast %get3A_467 : vector<1x16xf32> to vector<16xf32>
        %mul3A_469 = vector.broadcast %squeeze3A_432 : f32 to vector<16xf32>
        %mul3A_470 = arith.mulf %get3A_468, %mul3A_469 : vector<16xf32>
        %add3A_471 = arith.constant 3 : i32
        %add3A_472 = arith.addi %mul3A_65, %add3A_471 : i32
        %swap3A_473 = arith.index_cast %add3A_472 : i32 to index
        %swap3A_474 = arith.constant 32 : index
        %swap3A_475 = tpu.vector_load %arg7[%swap3A_473, %swap3A_474] {strides = array<i32>} : memref<80x128xf32, #tpu.memory_space<vmem>>, vector<1x16xf32>,
        %swap3A_476 = vector.shape_cast %swap3A_475 : vector<1x16xf32> to vector<16xf32>
        %swap3A_477 = vector.shape_cast %mul3A_470 : vector<16xf32> to vector<1x16xf32>
        tpu.vector_store %arg7[%swap3A_473, %swap3A_474], %swap3A_477 {strides = array<i32>} : memref<80x128xf32, #tpu.memory_space<vmem>>, vector<1x16xf32>,
        %add3A_478 = arith.constant 3 : i32
        %add3A_479 = arith.addi %mul3A_65, %add3A_478 : i32
        %get3A_480 = arith.index_cast %add3A_479 : i32 to index
        %get3A_481 = arith.constant 48 : index
        %get3A_482 = tpu.vector_load %arg7[%get3A_480, %get3A_481] {strides = array<i32>} : memref<80x128xf32, #tpu.memory_space<vmem>>, vector<1x16xf32>,
        %get3A_483 = vector.shape_cast %get3A_482 : vector<1x16xf32> to vector<16xf32>
        %mul3A_484 = vector.broadcast %squeeze3A_432 : f32 to vector<16xf32>
        %mul3A_485 = arith.mulf %get3A_483, %mul3A_484 : vector<16xf32>
        %add3A_486 = arith.constant 3 : i32
        %add3A_487 = arith.addi %mul3A_65, %add3A_486 : i32
        %swap3A_488 = arith.index_cast %add3A_487 : i32 to index
        %swap3A_489 = arith.constant 48 : index
        %swap3A_490 = tpu.vector_load %arg7[%swap3A_488, %swap3A_489] {strides = array<i32>} : memref<80x128xf32, #tpu.memory_space<vmem>>, vector<1x16xf32>,
        %swap3A_491 = vector.shape_cast %swap3A_490 : vector<1x16xf32> to vector<16xf32>
        %swap3A_492 = vector.shape_cast %mul3A_485 : vector<16xf32> to vector<1x16xf32>
        tpu.vector_store %arg7[%swap3A_488, %swap3A_489], %swap3A_492 {strides = array<i32>} : memref<80x128xf32, #tpu.memory_space<vmem>>, vector<1x16xf32>,
        %add3A_493 = arith.constant 3 : i32
        %add3A_494 = arith.addi %mul3A_65, %add3A_493 : i32
        %get3A_495 = arith.index_cast %add3A_494 : i32 to index
        %get3A_496 = arith.constant 64 : index
        %get3A_497 = tpu.vector_load %arg7[%get3A_495, %get3A_496] {strides = array<i32>} : memref<80x128xf32, #tpu.memory_space<vmem>>, vector<1x16xf32>,
        %get3A_498 = vector.shape_cast %get3A_497 : vector<1x16xf32> to vector<16xf32>
        %mul3A_499 = vector.broadcast %squeeze3A_432 : f32 to vector<16xf32>
        %mul3A_500 = arith.mulf %get3A_498, %mul3A_499 : vector<16xf32>
        %add3A_501 = arith.constant 3 : i32
        %add3A_502 = arith.addi %mul3A_65, %add3A_501 : i32
        %swap3A_503 = arith.index_cast %add3A_502 : i32 to index
        %swap3A_504 = arith.constant 64 : index
        %swap3A_505 = tpu.vector_load %arg7[%swap3A_503, %swap3A_504] {strides = array<i32>} : memref<80x128xf32, #tpu.memory_space<vmem>>, vector<1x16xf32>,
        %swap3A_506 = vector.shape_cast %swap3A_505 : vector<1x16xf32> to vector<16xf32>
        %swap3A_507 = vector.shape_cast %mul3A_500 : vector<16xf32> to vector<1x16xf32>
        tpu.vector_store %arg7[%swap3A_503, %swap3A_504], %swap3A_507 {strides = array<i32>} : memref<80x128xf32, #tpu.memory_space<vmem>>, vector<1x16xf32>,
        %add3A_508 = arith.constant 3 : i32
        %add3A_509 = arith.addi %mul3A_65, %add3A_508 : i32
        %get3A_510 = arith.index_cast %add3A_509 : i32 to index
        %get3A_511 = arith.constant 80 : index
        %get3A_512 = tpu.vector_load %arg7[%get3A_510, %get3A_511] {strides = array<i32>} : memref<80x128xf32, #tpu.memory_space<vmem>>, vector<1x16xf32>,
        %get3A_513 = vector.shape_cast %get3A_512 : vector<1x16xf32> to vector<16xf32>
        %mul3A_514 = vector.broadcast %squeeze3A_432 : f32 to vector<16xf32>
        %mul3A_515 = arith.mulf %get3A_513, %mul3A_514 : vector<16xf32>
        %add3A_516 = arith.constant 3 : i32
        %add3A_517 = arith.addi %mul3A_65, %add3A_516 : i32
        %swap3A_518 = arith.index_cast %add3A_517 : i32 to index
        %swap3A_519 = arith.constant 80 : index
        %swap3A_520 = tpu.vector_load %arg7[%swap3A_518, %swap3A_519] {strides = array<i32>} : memref<80x128xf32, #tpu.memory_space<vmem>>, vector<1x16xf32>,
        %swap3A_521 = vector.shape_cast %swap3A_520 : vector<1x16xf32> to vector<16xf32>
        %swap3A_522 = vector.shape_cast %mul3A_515 : vector<16xf32> to vector<1x16xf32>
        tpu.vector_store %arg7[%swap3A_518, %swap3A_519], %swap3A_522 {strides = array<i32>} : memref<80x128xf32, #tpu.memory_space<vmem>>, vector<1x16xf32>,
        %add3A_523 = arith.constant 3 : i32
        %add3A_524 = arith.addi %mul3A_65, %add3A_523 : i32
        %get3A_525 = arith.index_cast %add3A_524 : i32 to index
        %get3A_526 = arith.constant 96 : index
        %get3A_527 = tpu.vector_load %arg7[%get3A_525, %get3A_526] {strides = array<i32>} : memref<80x128xf32, #tpu.memory_space<vmem>>, vector<1x16xf32>,
        %get3A_528 = vector.shape_cast %get3A_527 : vector<1x16xf32> to vector<16xf32>
        %mul3A_529 = vector.broadcast %squeeze3A_432 : f32 to vector<16xf32>
        %mul3A_530 = arith.mulf %get3A_528, %mul3A_529 : vector<16xf32>
        %add3A_531 = arith.constant 3 : i32
        %add3A_532 = arith.addi %mul3A_65, %add3A_531 : i32
        %swap3A_533 = arith.index_cast %add3A_532 : i32 to index
        %swap3A_534 = arith.constant 96 : index
        %swap3A_535 = tpu.vector_load %arg7[%swap3A_533, %swap3A_534] {strides = array<i32>} : memref<80x128xf32, #tpu.memory_space<vmem>>, vector<1x16xf32>,
        %swap3A_536 = vector.shape_cast %swap3A_535 : vector<1x16xf32> to vector<16xf32>
        %swap3A_537 = vector.shape_cast %mul3A_530 : vector<16xf32> to vector<1x16xf32>
        tpu.vector_store %arg7[%swap3A_533, %swap3A_534], %swap3A_537 {strides = array<i32>} : memref<80x128xf32, #tpu.memory_space<vmem>>, vector<1x16xf32>,
        %add3A_538 = arith.constant 3 : i32
        %add3A_539 = arith.addi %mul3A_65, %add3A_538 : i32
        %get3A_540 = arith.index_cast %add3A_539 : i32 to index
        %get3A_541 = arith.constant 112 : index
        %get3A_542 = tpu.vector_load %arg7[%get3A_540, %get3A_541] {strides = array<i32>} : memref<80x128xf32, #tpu.memory_space<vmem>>, vector<1x16xf32>,
        %get3A_543 = vector.shape_cast %get3A_542 : vector<1x16xf32> to vector<16xf32>
        %mul3A_544 = vector.broadcast %squeeze3A_432 : f32 to vector<16xf32>
        %mul3A_545 = arith.mulf %get3A_543, %mul3A_544 : vector<16xf32>
        %add3A_546 = arith.constant 3 : i32
        %add3A_547 = arith.addi %mul3A_65, %add3A_546 : i32
        %swap3A_548 = arith.index_cast %add3A_547 : i32 to index
        %swap3A_549 = arith.constant 112 : index
        %swap3A_550 = tpu.vector_load %arg7[%swap3A_548, %swap3A_549] {strides = array<i32>} : memref<80x128xf32, #tpu.memory_space<vmem>>, vector<1x16xf32>,
        %swap3A_551 = vector.shape_cast %swap3A_550 : vector<1x16xf32> to vector<16xf32>
        %swap3A_552 = vector.shape_cast %mul3A_545 : vector<16xf32> to vector<1x16xf32>
        tpu.vector_store %arg7[%swap3A_548, %swap3A_549], %swap3A_552 {strides = array<i32>} : memref<80x128xf32, #tpu.memory_space<vmem>>, vector<1x16xf32>,
        %slice3A_553 = vector.extract_strided_slice %get3A_67 {offsets = [4], sizes = [1], strides = [1]} : vector<16xf32> to vector<1xf32>
        %squeeze3A_554 = vector.extract %slice3A_553[0] : f32 from vector<1xf32>
        %add3A_555 = arith.constant 4 : i32
        %add3A_556 = arith.addi %mul3A_65, %add3A_555 : i32
        %get3A_557 = arith.index_cast %add3A_556 : i32 to index
        %get3A_558 = arith.constant 0 : index
        %get3A_559 = tpu.vector_load %arg7[%get3A_557, %get3A_558] {strides = array<i32>} : memref<80x128xf32, #tpu.memory_space<vmem>>, vector<1x16xf32>,
        %get3A_560 = vector.shape_cast %get3A_559 : vector<1x16xf32> to vector<16xf32>
        %mul3A_561 = vector.broadcast %squeeze3A_554 : f32 to vector<16xf32>
        %mul3A_562 = arith.mulf %get3A_560, %mul3A_561 : vector<16xf32>
        %add3A_563 = arith.constant 4 : i32
        %add3A_564 = arith.addi %mul3A_65, %add3A_563 : i32
        %swap3A_565 = arith.index_cast %add3A_564 : i32 to index
        %swap3A_566 = arith.constant 0 : index
        %swap3A_567 = tpu.vector_load %arg7[%swap3A_565, %swap3A_566] {strides = array<i32>} : memref<80x128xf32, #tpu.memory_space<vmem>>, vector<1x16xf32>,
        %swap3A_568 = vector.shape_cast %swap3A_567 : vector<1x16xf32> to vector<16xf32>
        %swap3A_569 = vector.shape_cast %mul3A_562 : vector<16xf32> to vector<1x16xf32>
        tpu.vector_store %arg7[%swap3A_565, %swap3A_566], %swap3A_569 {strides = array<i32>} : memref<80x128xf32, #tpu.memory_space<vmem>>, vector<1x16xf32>,
        %add3A_570 = arith.constant 4 : i32
        %add3A_571 = arith.addi %mul3A_65, %add3A_570 : i32
        %get3A_572 = arith.index_cast %add3A_571 : i32 to index
        %get3A_573 = arith.constant 16 : index
        %get3A_574 = tpu.vector_load %arg7[%get3A_572, %get3A_573] {strides = array<i32>} : memref<80x128xf32, #tpu.memory_space<vmem>>, vector<1x16xf32>,
        %get3A_575 = vector.shape_cast %get3A_574 : vector<1x16xf32> to vector<16xf32>
        %mul3A_576 = vector.broadcast %squeeze3A_554 : f32 to vector<16xf32>
        %mul3A_577 = arith.mulf %get3A_575, %mul3A_576 : vector<16xf32>
        %add3A_578 = arith.constant 4 : i32
        %add3A_579 = arith.addi %mul3A_65, %add3A_578 : i32
        %swap3A_580 = arith.index_cast %add3A_579 : i32 to index
        %swap3A_581 = arith.constant 16 : index
        %swap3A_582 = tpu.vector_load %arg7[%swap3A_580, %swap3A_581] {strides = array<i32>} : memref<80x128xf32, #tpu.memory_space<vmem>>, vector<1x16xf32>,
        %swap3A_583 = vector.shape_cast %swap3A_582 : vector<1x16xf32> to vector<16xf32>
        %swap3A_584 = vector.shape_cast %mul3A_577 : vector<16xf32> to vector<1x16xf32>
        tpu.vector_store %arg7[%swap3A_580, %swap3A_581], %swap3A_584 {strides = array<i32>} : memref<80x128xf32, #tpu.memory_space<vmem>>, vector<1x16xf32>,
        %add3A_585 = arith.constant 4 : i32
        %add3A_586 = arith.addi %mul3A_65, %add3A_585 : i32
        %get3A_587 = arith.index_cast %add3A_586 : i32 to index
        %get3A_588 = arith.constant 32 : index
        %get3A_589 = tpu.vector_load %arg7[%get3A_587, %get3A_588] {strides = array<i32>} : memref<80x128xf32, #tpu.memory_space<vmem>>, vector<1x16xf32>,
        %get3A_590 = vector.shape_cast %get3A_589 : vector<1x16xf32> to vector<16xf32>
        %mul3A_591 = vector.broadcast %squeeze3A_554 : f32 to vector<16xf32>
        %mul3A_592 = arith.mulf %get3A_590, %mul3A_591 : vector<16xf32>
        %add3A_593 = arith.constant 4 : i32
        %add3A_594 = arith.addi %mul3A_65, %add3A_593 : i32
        %swap3A_595 = arith.index_cast %add3A_594 : i32 to index
        %swap3A_596 = arith.constant 32 : index
        %swap3A_597 = tpu.vector_load %arg7[%swap3A_595, %swap3A_596] {strides = array<i32>} : memref<80x128xf32, #tpu.memory_space<vmem>>, vector<1x16xf32>,
        %swap3A_598 = vector.shape_cast %swap3A_597 : vector<1x16xf32> to vector<16xf32>
        %swap3A_599 = vector.shape_cast %mul3A_592 : vector<16xf32> to vector<1x16xf32>
        tpu.vector_store %arg7[%swap3A_595, %swap3A_596], %swap3A_599 {strides = array<i32>} : memref<80x128xf32, #tpu.memory_space<vmem>>, vector<1x16xf32>,
        %add3A_600 = arith.constant 4 : i32
        %add3A_601 = arith.addi %mul3A_65, %add3A_600 : i32
        %get3A_602 = arith.index_cast %add3A_601 : i32 to index
        %get3A_603 = arith.constant 48 : index
        %get3A_604 = tpu.vector_load %arg7[%get3A_602, %get3A_603] {strides = array<i32>} : memref<80x128xf32, #tpu.memory_space<vmem>>, vector<1x16xf32>,
        %get3A_605 = vector.shape_cast %get3A_604 : vector<1x16xf32> to vector<16xf32>
        %mul3A_606 = vector.broadcast %squeeze3A_554 : f32 to vector<16xf32>
        %mul3A_607 = arith.mulf %get3A_605, %mul3A_606 : vector<16xf32>
        %add3A_608 = arith.constant 4 : i32
        %add3A_609 = arith.addi %mul3A_65, %add3A_608 : i32
        %swap3A_610 = arith.index_cast %add3A_609 : i32 to index
        %swap3A_611 = arith.constant 48 : index
        %swap3A_612 = tpu.vector_load %arg7[%swap3A_610, %swap3A_611] {strides = array<i32>} : memref<80x128xf32, #tpu.memory_space<vmem>>, vector<1x16xf32>,
        %swap3A_613 = vector.shape_cast %swap3A_612 : vector<1x16xf32> to vector<16xf32>
        %swap3A_614 = vector.shape_cast %mul3A_607 : vector<16xf32> to vector<1x16xf32>
        tpu.vector_store %arg7[%swap3A_610, %swap3A_611], %swap3A_614 {strides = array<i32>} : memref<80x128xf32, #tpu.memory_space<vmem>>, vector<1x16xf32>,
        %add3A_615 = arith.constant 4 : i32
        %add3A_616 = arith.addi %mul3A_65, %add3A_615 : i32
        %get3A_617 = arith.index_cast %add3A_616 : i32 to index
        %get3A_618 = arith.constant 64 : index
        %get3A_619 = tpu.vector_load %arg7[%get3A_617, %get3A_618] {strides = array<i32>} : memref<80x128xf32, #tpu.memory_space<vmem>>, vector<1x16xf32>,
        %get3A_620 = vector.shape_cast %get3A_619 : vector<1x16xf32> to vector<16xf32>
        %mul3A_621 = vector.broadcast %squeeze3A_554 : f32 to vector<16xf32>
        %mul3A_622 = arith.mulf %get3A_620, %mul3A_621 : vector<16xf32>
        %add3A_623 = arith.constant 4 : i32
        %add3A_624 = arith.addi %mul3A_65, %add3A_623 : i32
        %swap3A_625 = arith.index_cast %add3A_624 : i32 to index
        %swap3A_626 = arith.constant 64 : index
        %swap3A_627 = tpu.vector_load %arg7[%swap3A_625, %swap3A_626] {strides = array<i32>} : memref<80x128xf32, #tpu.memory_space<vmem>>, vector<1x16xf32>,
        %swap3A_628 = vector.shape_cast %swap3A_627 : vector<1x16xf32> to vector<16xf32>
        %swap3A_629 = vector.shape_cast %mul3A_622 : vector<16xf32> to vector<1x16xf32>
        tpu.vector_store %arg7[%swap3A_625, %swap3A_626], %swap3A_629 {strides = array<i32>} : memref<80x128xf32, #tpu.memory_space<vmem>>, vector<1x16xf32>,
        %add3A_630 = arith.constant 4 : i32
        %add3A_631 = arith.addi %mul3A_65, %add3A_630 : i32
        %get3A_632 = arith.index_cast %add3A_631 : i32 to index
        %get3A_633 = arith.constant 80 : index
        %get3A_634 = tpu.vector_load %arg7[%get3A_632, %get3A_633] {strides = array<i32>} : memref<80x128xf32, #tpu.memory_space<vmem>>, vector<1x16xf32>,
        %get3A_635 = vector.shape_cast %get3A_634 : vector<1x16xf32> to vector<16xf32>
        %mul3A_636 = vector.broadcast %squeeze3A_554 : f32 to vector<16xf32>
        %mul3A_637 = arith.mulf %get3A_635, %mul3A_636 : vector<16xf32>
        %add3A_638 = arith.constant 4 : i32
        %add3A_639 = arith.addi %mul3A_65, %add3A_638 : i32
        %swap3A_640 = arith.index_cast %add3A_639 : i32 to index
        %swap3A_641 = arith.constant 80 : index
        %swap3A_642 = tpu.vector_load %arg7[%swap3A_640, %swap3A_641] {strides = array<i32>} : memref<80x128xf32, #tpu.memory_space<vmem>>, vector<1x16xf32>,
        %swap3A_643 = vector.shape_cast %swap3A_642 : vector<1x16xf32> to vector<16xf32>
        %swap3A_644 = vector.shape_cast %mul3A_637 : vector<16xf32> to vector<1x16xf32>
        tpu.vector_store %arg7[%swap3A_640, %swap3A_641], %swap3A_644 {strides = array<i32>} : memref<80x128xf32, #tpu.memory_space<vmem>>, vector<1x16xf32>,
        %add3A_645 = arith.constant 4 : i32
        %add3A_646 = arith.addi %mul3A_65, %add3A_645 : i32
        %get3A_647 = arith.index_cast %add3A_646 : i32 to index
        %get3A_648 = arith.constant 96 : index
        %get3A_649 = tpu.vector_load %arg7[%get3A_647, %get3A_648] {strides = array<i32>} : memref<80x128xf32, #tpu.memory_space<vmem>>, vector<1x16xf32>,
        %get3A_650 = vector.shape_cast %get3A_649 : vector<1x16xf32> to vector<16xf32>
        %mul3A_651 = vector.broadcast %squeeze3A_554 : f32 to vector<16xf32>
        %mul3A_652 = arith.mulf %get3A_650, %mul3A_651 : vector<16xf32>
        %add3A_653 = arith.constant 4 : i32
        %add3A_654 = arith.addi %mul3A_65, %add3A_653 : i32
        %swap3A_655 = arith.index_cast %add3A_654 : i32 to index
        %swap3A_656 = arith.constant 96 : index
        %swap3A_657 = tpu.vector_load %arg7[%swap3A_655, %swap3A_656] {strides = array<i32>} : memref<80x128xf32, #tpu.memory_space<vmem>>, vector<1x16xf32>,
        %swap3A_658 = vector.shape_cast %swap3A_657 : vector<1x16xf32> to vector<16xf32>
        %swap3A_659 = vector.shape_cast %mul3A_652 : vector<16xf32> to vector<1x16xf32>
        tpu.vector_store %arg7[%swap3A_655, %swap3A_656], %swap3A_659 {strides = array<i32>} : memref<80x128xf32, #tpu.memory_space<vmem>>, vector<1x16xf32>,
        %add3A_660 = arith.constant 4 : i32
        %add3A_661 = arith.addi %mul3A_65, %add3A_660 : i32
        %get3A_662 = arith.index_cast %add3A_661 : i32 to index
        %get3A_663 = arith.constant 112 : index
        %get3A_664 = tpu.vector_load %arg7[%get3A_662, %get3A_663] {strides = array<i32>} : memref<80x128xf32, #tpu.memory_space<vmem>>, vector<1x16xf32>,
        %get3A_665 = vector.shape_cast %get3A_664 : vector<1x16xf32> to vector<16xf32>
        %mul3A_666 = vector.broadcast %squeeze3A_554 : f32 to vector<16xf32>
        %mul3A_667 = arith.mulf %get3A_665, %mul3A_666 : vector<16xf32>
        %add3A_668 = arith.constant 4 : i32
        %add3A_669 = arith.addi %mul3A_65, %add3A_668 : i32
        %swap3A_670 = arith.index_cast %add3A_669 : i32 to index
        %swap3A_671 = arith.constant 112 : index
        %swap3A_672 = tpu.vector_load %arg7[%swap3A_670, %swap3A_671] {strides = array<i32>} : memref<80x128xf32, #tpu.memory_space<vmem>>, vector<1x16xf32>,
        %swap3A_673 = vector.shape_cast %swap3A_672 : vector<1x16xf32> to vector<16xf32>
        %swap3A_674 = vector.shape_cast %mul3A_667 : vector<16xf32> to vector<1x16xf32>
        tpu.vector_store %arg7[%swap3A_670, %swap3A_671], %swap3A_674 {strides = array<i32>} : memref<80x128xf32, #tpu.memory_space<vmem>>, vector<1x16xf32>,
        %slice3A_675 = vector.extract_strided_slice %get3A_67 {offsets = [5], sizes = [1], strides = [1]} : vector<16xf32> to vector<1xf32>
        %squeeze3A_676 = vector.extract %slice3A_675[0] : f32 from vector<1xf32>
        %add3A_677 = arith.constant 5 : i32
        %add3A_678 = arith.addi %mul3A_65, %add3A_677 : i32
        %get3A_679 = arith.index_cast %add3A_678 : i32 to index
        %get3A_680 = arith.constant 0 : index
        %get3A_681 = tpu.vector_load %arg7[%get3A_679, %get3A_680] {strides = array<i32>} : memref<80x128xf32, #tpu.memory_space<vmem>>, vector<1x16xf32>,
        %get3A_682 = vector.shape_cast %get3A_681 : vector<1x16xf32> to vector<16xf32>
        %mul3A_683 = vector.broadcast %squeeze3A_676 : f32 to vector<16xf32>
        %mul3A_684 = arith.mulf %get3A_682, %mul3A_683 : vector<16xf32>
        %add3A_685 = arith.constant 5 : i32
        %add3A_686 = arith.addi %mul3A_65, %add3A_685 : i32
        %swap3A_687 = arith.index_cast %add3A_686 : i32 to index
        %swap3A_688 = arith.constant 0 : index
        %swap3A_689 = tpu.vector_load %arg7[%swap3A_687, %swap3A_688] {strides = array<i32>} : memref<80x128xf32, #tpu.memory_space<vmem>>, vector<1x16xf32>,
        %swap3A_690 = vector.shape_cast %swap3A_689 : vector<1x16xf32> to vector<16xf32>
        %swap3A_691 = vector.shape_cast %mul3A_684 : vector<16xf32> to vector<1x16xf32>
        tpu.vector_store %arg7[%swap3A_687, %swap3A_688], %swap3A_691 {strides = array<i32>} : memref<80x128xf32, #tpu.memory_space<vmem>>, vector<1x16xf32>,
        %add3A_692 = arith.constant 5 : i32
        %add3A_693 = arith.addi %mul3A_65, %add3A_692 : i32
        %get3A_694 = arith.index_cast %add3A_693 : i32 to index
        %get3A_695 = arith.constant 16 : index
        %get3A_696 = tpu.vector_load %arg7[%get3A_694, %get3A_695] {strides = array<i32>} : memref<80x128xf32, #tpu.memory_space<vmem>>, vector<1x16xf32>,
        %get3A_697 = vector.shape_cast %get3A_696 : vector<1x16xf32> to vector<16xf32>
        %mul3A_698 = vector.broadcast %squeeze3A_676 : f32 to vector<16xf32>
        %mul3A_699 = arith.mulf %get3A_697, %mul3A_698 : vector<16xf32>
        %add3A_700 = arith.constant 5 : i32
        %add3A_701 = arith.addi %mul3A_65, %add3A_700 : i32
        %swap3A_702 = arith.index_cast %add3A_701 : i32 to index
        %swap3A_703 = arith.constant 16 : index
        %swap3A_704 = tpu.vector_load %arg7[%swap3A_702, %swap3A_703] {strides = array<i32>} : memref<80x128xf32, #tpu.memory_space<vmem>>, vector<1x16xf32>,
        %swap3A_705 = vector.shape_cast %swap3A_704 : vector<1x16xf32> to vector<16xf32>
        %swap3A_706 = vector.shape_cast %mul3A_699 : vector<16xf32> to vector<1x16xf32>
        tpu.vector_store %arg7[%swap3A_702, %swap3A_703], %swap3A_706 {strides = array<i32>} : memref<80x128xf32, #tpu.memory_space<vmem>>, vector<1x16xf32>,
        %add3A_707 = arith.constant 5 : i32
        %add3A_708 = arith.addi %mul3A_65, %add3A_707 : i32
        %get3A_709 = arith.index_cast %add3A_708 : i32 to index
        %get3A_710 = arith.constant 32 : index
        %get3A_711 = tpu.vector_load %arg7[%get3A_709, %get3A_710] {strides = array<i32>} : memref<80x128xf32, #tpu.memory_space<vmem>>, vector<1x16xf32>,
        %get3A_712 = vector.shape_cast %get3A_711 : vector<1x16xf32> to vector<16xf32>
        %mul3A_713 = vector.broadcast %squeeze3A_676 : f32 to vector<16xf32>
        %mul3A_714 = arith.mulf %get3A_712, %mul3A_713 : vector<16xf32>
        %add3A_715 = arith.constant 5 : i32
        %add3A_716 = arith.addi %mul3A_65, %add3A_715 : i32
        %swap3A_717 = arith.index_cast %add3A_716 : i32 to index
        %swap3A_718 = arith.constant 32 : index
        %swap3A_719 = tpu.vector_load %arg7[%swap3A_717, %swap3A_718] {strides = array<i32>} : memref<80x128xf32, #tpu.memory_space<vmem>>, vector<1x16xf32>,
        %swap3A_720 = vector.shape_cast %swap3A_719 : vector<1x16xf32> to vector<16xf32>
        %swap3A_721 = vector.shape_cast %mul3A_714 : vector<16xf32> to vector<1x16xf32>
        tpu.vector_store %arg7[%swap3A_717, %swap3A_718], %swap3A_721 {strides = array<i32>} : memref<80x128xf32, #tpu.memory_space<vmem>>, vector<1x16xf32>,
        %add3A_722 = arith.constant 5 : i32
        %add3A_723 = arith.addi %mul3A_65, %add3A_722 : i32
        %get3A_724 = arith.index_cast %add3A_723 : i32 to index
        %get3A_725 = arith.constant 48 : index
        %get3A_726 = tpu.vector_load %arg7[%get3A_724, %get3A_725] {strides = array<i32>} : memref<80x128xf32, #tpu.memory_space<vmem>>, vector<1x16xf32>,
        %get3A_727 = vector.shape_cast %get3A_726 : vector<1x16xf32> to vector<16xf32>
        %mul3A_728 = vector.broadcast %squeeze3A_676 : f32 to vector<16xf32>
        %mul3A_729 = arith.mulf %get3A_727, %mul3A_728 : vector<16xf32>
        %add3A_730 = arith.constant 5 : i32
        %add3A_731 = arith.addi %mul3A_65, %add3A_730 : i32
        %swap3A_732 = arith.index_cast %add3A_731 : i32 to index
        %swap3A_733 = arith.constant 48 : index
        %swap3A_734 = tpu.vector_load %arg7[%swap3A_732, %swap3A_733] {strides = array<i32>} : memref<80x128xf32, #tpu.memory_space<vmem>>, vector<1x16xf32>,
        %swap3A_735 = vector.shape_cast %swap3A_734 : vector<1x16xf32> to vector<16xf32>
        %swap3A_736 = vector.shape_cast %mul3A_729 : vector<16xf32> to vector<1x16xf32>
        tpu.vector_store %arg7[%swap3A_732, %swap3A_733], %swap3A_736 {strides = array<i32>} : memref<80x128xf32, #tpu.memory_space<vmem>>, vector<1x16xf32>,
        %add3A_737 = arith.constant 5 : i32
        %add3A_738 = arith.addi %mul3A_65, %add3A_737 : i32
        %get3A_739 = arith.index_cast %add3A_738 : i32 to index
        %get3A_740 = arith.constant 64 : index
        %get3A_741 = tpu.vector_load %arg7[%get3A_739, %get3A_740] {strides = array<i32>} : memref<80x128xf32, #tpu.memory_space<vmem>>, vector<1x16xf32>,
        %get3A_742 = vector.shape_cast %get3A_741 : vector<1x16xf32> to vector<16xf32>
        %mul3A_743 = vector.broadcast %squeeze3A_676 : f32 to vector<16xf32>
        %mul3A_744 = arith.mulf %get3A_742, %mul3A_743 : vector<16xf32>
        %add3A_745 = arith.constant 5 : i32
        %add3A_746 = arith.addi %mul3A_65, %add3A_745 : i32
        %swap3A_747 = arith.index_cast %add3A_746 : i32 to index
        %swap3A_748 = arith.constant 64 : index
        %swap3A_749 = tpu.vector_load %arg7[%swap3A_747, %swap3A_748] {strides = array<i32>} : memref<80x128xf32, #tpu.memory_space<vmem>>, vector<1x16xf32>,
        %swap3A_750 = vector.shape_cast %swap3A_749 : vector<1x16xf32> to vector<16xf32>
        %swap3A_751 = vector.shape_cast %mul3A_744 : vector<16xf32> to vector<1x16xf32>
        tpu.vector_store %arg7[%swap3A_747, %swap3A_748], %swap3A_751 {strides = array<i32>} : memref<80x128xf32, #tpu.memory_space<vmem>>, vector<1x16xf32>,
        %add3A_752 = arith.constant 5 : i32
        %add3A_753 = arith.addi %mul3A_65, %add3A_752 : i32
        %get3A_754 = arith.index_cast %add3A_753 : i32 to index
        %get3A_755 = arith.constant 80 : index
        %get3A_756 = tpu.vector_load %arg7[%get3A_754, %get3A_755] {strides = array<i32>} : memref<80x128xf32, #tpu.memory_space<vmem>>, vector<1x16xf32>,
        %get3A_757 = vector.shape_cast %get3A_756 : vector<1x16xf32> to vector<16xf32>
        %mul3A_758 = vector.broadcast %squeeze3A_676 : f32 to vector<16xf32>
        %mul3A_759 = arith.mulf %get3A_757, %mul3A_758 : vector<16xf32>
        %add3A_760 = arith.constant 5 : i32
        %add3A_761 = arith.addi %mul3A_65, %add3A_760 : i32
        %swap3A_762 = arith.index_cast %add3A_761 : i32 to index
        %swap3A_763 = arith.constant 80 : index
        %swap3A_764 = tpu.vector_load %arg7[%swap3A_762, %swap3A_763] {strides = array<i32>} : memref<80x128xf32, #tpu.memory_space<vmem>>, vector<1x16xf32>,
        %swap3A_765 = vector.shape_cast %swap3A_764 : vector<1x16xf32> to vector<16xf32>
        %swap3A_766 = vector.shape_cast %mul3A_759 : vector<16xf32> to vector<1x16xf32>
        tpu.vector_store %arg7[%swap3A_762, %swap3A_763], %swap3A_766 {strides = array<i32>} : memref<80x128xf32, #tpu.memory_space<vmem>>, vector<1x16xf32>,
        %add3A_767 = arith.constant 5 : i32
        %add3A_768 = arith.addi %mul3A_65, %add3A_767 : i32
        %get3A_769 = arith.index_cast %add3A_768 : i32 to index
        %get3A_770 = arith.constant 96 : index
        %get3A_771 = tpu.vector_load %arg7[%get3A_769, %get3A_770] {strides = array<i32>} : memref<80x128xf32, #tpu.memory_space<vmem>>, vector<1x16xf32>,
        %get3A_772 = vector.shape_cast %get3A_771 : vector<1x16xf32> to vector<16xf32>
        %mul3A_773 = vector.broadcast %squeeze3A_676 : f32 to vector<16xf32>
        %mul3A_774 = arith.mulf %get3A_772, %mul3A_773 : vector<16xf32>
        %add3A_775 = arith.constant 5 : i32
        %add3A_776 = arith.addi %mul3A_65, %add3A_775 : i32
        %swap3A_777 = arith.index_cast %add3A_776 : i32 to index
        %swap3A_778 = arith.constant 96 : index
        %swap3A_779 = tpu.vector_load %arg7[%swap3A_777, %swap3A_778] {strides = array<i32>} : memref<80x128xf32, #tpu.memory_space<vmem>>, vector<1x16xf32>,
        %swap3A_780 = vector.shape_cast %swap3A_779 : vector<1x16xf32> to vector<16xf32>
        %swap3A_781 = vector.shape_cast %mul3A_774 : vector<16xf32> to vector<1x16xf32>
        tpu.vector_store %arg7[%swap3A_777, %swap3A_778], %swap3A_781 {strides = array<i32>} : memref<80x128xf32, #tpu.memory_space<vmem>>, vector<1x16xf32>,
        %add3A_782 = arith.constant 5 : i32
        %add3A_783 = arith.addi %mul3A_65, %add3A_782 : i32
        %get3A_784 = arith.index_cast %add3A_783 : i32 to index
        %get3A_785 = arith.constant 112 : index
        %get3A_786 = tpu.vector_load %arg7[%get3A_784, %get3A_785] {strides = array<i32>} : memref<80x128xf32, #tpu.memory_space<vmem>>, vector<1x16xf32>,
        %get3A_787 = vector.shape_cast %get3A_786 : vector<1x16xf32> to vector<16xf32>
        %mul3A_788 = vector.broadcast %squeeze3A_676 : f32 to vector<16xf32>
        %mul3A_789 = arith.mulf %get3A_787, %mul3A_788 : vector<16xf32>
        %add3A_790 = arith.constant 5 : i32
        %add3A_791 = arith.addi %mul3A_65, %add3A_790 : i32
        %swap3A_792 = arith.index_cast %add3A_791 : i32 to index
        %swap3A_793 = arith.constant 112 : index
        %swap3A_794 = tpu.vector_load %arg7[%swap3A_792, %swap3A_793] {strides = array<i32>} : memref<80x128xf32, #tpu.memory_space<vmem>>, vector<1x16xf32>,
        %swap3A_795 = vector.shape_cast %swap3A_794 : vector<1x16xf32> to vector<16xf32>
        %swap3A_796 = vector.shape_cast %mul3A_789 : vector<16xf32> to vector<1x16xf32>
        tpu.vector_store %arg7[%swap3A_792, %swap3A_793], %swap3A_796 {strides = array<i32>} : memref<80x128xf32, #tpu.memory_space<vmem>>, vector<1x16xf32>,
        %slice3A_797 = vector.extract_strided_slice %get3A_67 {offsets = [6], sizes = [1], strides = [1]} : vector<16xf32> to vector<1xf32>
        %squeeze3A_798 = vector.extract %slice3A_797[0] : f32 from vector<1xf32>
        %add3A_799 = arith.constant 6 : i32
        %add3A_800 = arith.addi %mul3A_65, %add3A_799 : i32
        %get3A_801 = arith.index_cast %add3A_800 : i32 to index
        %get3A_802 = arith.constant 0 : index
        %get3A_803 = tpu.vector_load %arg7[%get3A_801, %get3A_802] {strides = array<i32>} : memref<80x128xf32, #tpu.memory_space<vmem>>, vector<1x16xf32>,
        %get3A_804 = vector.shape_cast %get3A_803 : vector<1x16xf32> to vector<16xf32>
        %mul3A_805 = vector.broadcast %squeeze3A_798 : f32 to vector<16xf32>
        %mul3A_806 = arith.mulf %get3A_804, %mul3A_805 : vector<16xf32>
        %add3A_807 = arith.constant 6 : i32
        %add3A_808 = arith.addi %mul3A_65, %add3A_807 : i32
        %swap3A_809 = arith.index_cast %add3A_808 : i32 to index
        %swap3A_810 = arith.constant 0 : index
        %swap3A_811 = tpu.vector_load %arg7[%swap3A_809, %swap3A_810] {strides = array<i32>} : memref<80x128xf32, #tpu.memory_space<vmem>>, vector<1x16xf32>,
        %swap3A_812 = vector.shape_cast %swap3A_811 : vector<1x16xf32> to vector<16xf32>
        %swap3A_813 = vector.shape_cast %mul3A_806 : vector<16xf32> to vector<1x16xf32>
        tpu.vector_store %arg7[%swap3A_809, %swap3A_810], %swap3A_813 {strides = array<i32>} : memref<80x128xf32, #tpu.memory_space<vmem>>, vector<1x16xf32>,
        %add3A_814 = arith.constant 6 : i32
        %add3A_815 = arith.addi %mul3A_65, %add3A_814 : i32
        %get3A_816 = arith.index_cast %add3A_815 : i32 to index
        %get3A_817 = arith.constant 16 : index
        %get3A_818 = tpu.vector_load %arg7[%get3A_816, %get3A_817] {strides = array<i32>} : memref<80x128xf32, #tpu.memory_space<vmem>>, vector<1x16xf32>,
        %get3A_819 = vector.shape_cast %get3A_818 : vector<1x16xf32> to vector<16xf32>
        %mul3A_820 = vector.broadcast %squeeze3A_798 : f32 to vector<16xf32>
        %mul3A_821 = arith.mulf %get3A_819, %mul3A_820 : vector<16xf32>
        %add3A_822 = arith.constant 6 : i32
        %add3A_823 = arith.addi %mul3A_65, %add3A_822 : i32
        %swap3A_824 = arith.index_cast %add3A_823 : i32 to index
        %swap3A_825 = arith.constant 16 : index
        %swap3A_826 = tpu.vector_load %arg7[%swap3A_824, %swap3A_825] {strides = array<i32>} : memref<80x128xf32, #tpu.memory_space<vmem>>, vector<1x16xf32>,
        %swap3A_827 = vector.shape_cast %swap3A_826 : vector<1x16xf32> to vector<16xf32>
        %swap3A_828 = vector.shape_cast %mul3A_821 : vector<16xf32> to vector<1x16xf32>
        tpu.vector_store %arg7[%swap3A_824, %swap3A_825], %swap3A_828 {strides = array<i32>} : memref<80x128xf32, #tpu.memory_space<vmem>>, vector<1x16xf32>,
        %add3A_829 = arith.constant 6 : i32
        %add3A_830 = arith.addi %mul3A_65, %add3A_829 : i32
        %get3A_831 = arith.index_cast %add3A_830 : i32 to index
        %get3A_832 = arith.constant 32 : index
        %get3A_833 = tpu.vector_load %arg7[%get3A_831, %get3A_832] {strides = array<i32>} : memref<80x128xf32, #tpu.memory_space<vmem>>, vector<1x16xf32>,
        %get3A_834 = vector.shape_cast %get3A_833 : vector<1x16xf32> to vector<16xf32>
        %mul3A_835 = vector.broadcast %squeeze3A_798 : f32 to vector<16xf32>
        %mul3A_836 = arith.mulf %get3A_834, %mul3A_835 : vector<16xf32>
        %add3A_837 = arith.constant 6 : i32
        %add3A_838 = arith.addi %mul3A_65, %add3A_837 : i32
        %swap3A_839 = arith.index_cast %add3A_838 : i32 to index
        %swap3A_840 = arith.constant 32 : index
        %swap3A_841 = tpu.vector_load %arg7[%swap3A_839, %swap3A_840] {strides = array<i32>} : memref<80x128xf32, #tpu.memory_space<vmem>>, vector<1x16xf32>,
        %swap3A_842 = vector.shape_cast %swap3A_841 : vector<1x16xf32> to vector<16xf32>
        %swap3A_843 = vector.shape_cast %mul3A_836 : vector<16xf32> to vector<1x16xf32>
        tpu.vector_store %arg7[%swap3A_839, %swap3A_840], %swap3A_843 {strides = array<i32>} : memref<80x128xf32, #tpu.memory_space<vmem>>, vector<1x16xf32>,
        %add3A_844 = arith.constant 6 : i32
        %add3A_845 = arith.addi %mul3A_65, %add3A_844 : i32
        %get3A_846 = arith.index_cast %add3A_845 : i32 to index
        %get3A_847 = arith.constant 48 : index
        %get3A_848 = tpu.vector_load %arg7[%get3A_846, %get3A_847] {strides = array<i32>} : memref<80x128xf32, #tpu.memory_space<vmem>>, vector<1x16xf32>,
        %get3A_849 = vector.shape_cast %get3A_848 : vector<1x16xf32> to vector<16xf32>
        %mul3A_850 = vector.broadcast %squeeze3A_798 : f32 to vector<16xf32>
        %mul3A_851 = arith.mulf %get3A_849, %mul3A_850 : vector<16xf32>
        %add3A_852 = arith.constant 6 : i32
        %add3A_853 = arith.addi %mul3A_65, %add3A_852 : i32
        %swap3A_854 = arith.index_cast %add3A_853 : i32 to index
        %swap3A_855 = arith.constant 48 : index
        %swap3A_856 = tpu.vector_load %arg7[%swap3A_854, %swap3A_855] {strides = array<i32>} : memref<80x128xf32, #tpu.memory_space<vmem>>, vector<1x16xf32>,
        %swap3A_857 = vector.shape_cast %swap3A_856 : vector<1x16xf32> to vector<16xf32>
        %swap3A_858 = vector.shape_cast %mul3A_851 : vector<16xf32> to vector<1x16xf32>
        tpu.vector_store %arg7[%swap3A_854, %swap3A_855], %swap3A_858 {strides = array<i32>} : memref<80x128xf32, #tpu.memory_space<vmem>>, vector<1x16xf32>,
        %add3A_859 = arith.constant 6 : i32
        %add3A_860 = arith.addi %mul3A_65, %add3A_859 : i32
        %get3A_861 = arith.index_cast %add3A_860 : i32 to index
        %get3A_862 = arith.constant 64 : index
        %get3A_863 = tpu.vector_load %arg7[%get3A_861, %get3A_862] {strides = array<i32>} : memref<80x128xf32, #tpu.memory_space<vmem>>, vector<1x16xf32>,
        %get3A_864 = vector.shape_cast %get3A_863 : vector<1x16xf32> to vector<16xf32>
        %mul3A_865 = vector.broadcast %squeeze3A_798 : f32 to vector<16xf32>
        %mul3A_866 = arith.mulf %get3A_864, %mul3A_865 : vector<16xf32>
        %add3A_867 = arith.constant 6 : i32
        %add3A_868 = arith.addi %mul3A_65, %add3A_867 : i32
        %swap3A_869 = arith.index_cast %add3A_868 : i32 to index
        %swap3A_870 = arith.constant 64 : index
        %swap3A_871 = tpu.vector_load %arg7[%swap3A_869, %swap3A_870] {strides = array<i32>} : memref<80x128xf32, #tpu.memory_space<vmem>>, vector<1x16xf32>,
        %swap3A_872 = vector.shape_cast %swap3A_871 : vector<1x16xf32> to vector<16xf32>
        %swap3A_873 = vector.shape_cast %mul3A_866 : vector<16xf32> to vector<1x16xf32>
        tpu.vector_store %arg7[%swap3A_869, %swap3A_870], %swap3A_873 {strides = array<i32>} : memref<80x128xf32, #tpu.memory_space<vmem>>, vector<1x16xf32>,
        %add3A_874 = arith.constant 6 : i32
        %add3A_875 = arith.addi %mul3A_65, %add3A_874 : i32
        %get3A_876 = arith.index_cast %add3A_875 : i32 to index
        %get3A_877 = arith.constant 80 : index
        %get3A_878 = tpu.vector_load %arg7[%get3A_876, %get3A_877] {strides = array<i32>} : memref<80x128xf32, #tpu.memory_space<vmem>>, vector<1x16xf32>,
        %get3A_879 = vector.shape_cast %get3A_878 : vector<1x16xf32> to vector<16xf32>
        %mul3A_880 = vector.broadcast %squeeze3A_798 : f32 to vector<16xf32>
        %mul3A_881 = arith.mulf %get3A_879, %mul3A_880 : vector<16xf32>
        %add3A_882 = arith.constant 6 : i32
        %add3A_883 = arith.addi %mul3A_65, %add3A_882 : i32
        %swap3A_884 = arith.index_cast %add3A_883 : i32 to index
        %swap3A_885 = arith.constant 80 : index
        %swap3A_886 = tpu.vector_load %arg7[%swap3A_884, %swap3A_885] {strides = array<i32>} : memref<80x128xf32, #tpu.memory_space<vmem>>, vector<1x16xf32>,
        %swap3A_887 = vector.shape_cast %swap3A_886 : vector<1x16xf32> to vector<16xf32>
        %swap3A_888 = vector.shape_cast %mul3A_881 : vector<16xf32> to vector<1x16xf32>
        tpu.vector_store %arg7[%swap3A_884, %swap3A_885], %swap3A_888 {strides = array<i32>} : memref<80x128xf32, #tpu.memory_space<vmem>>, vector<1x16xf32>,
        %add3A_889 = arith.constant 6 : i32
        %add3A_890 = arith.addi %mul3A_65, %add3A_889 : i32
        %get3A_891 = arith.index_cast %add3A_890 : i32 to index
        %get3A_892 = arith.constant 96 : index
        %get3A_893 = tpu.vector_load %arg7[%get3A_891, %get3A_892] {strides = array<i32>} : memref<80x128xf32, #tpu.memory_space<vmem>>, vector<1x16xf32>,
        %get3A_894 = vector.shape_cast %get3A_893 : vector<1x16xf32> to vector<16xf32>
        %mul3A_895 = vector.broadcast %squeeze3A_798 : f32 to vector<16xf32>
        %mul3A_896 = arith.mulf %get3A_894, %mul3A_895 : vector<16xf32>
        %add3A_897 = arith.constant 6 : i32
        %add3A_898 = arith.addi %mul3A_65, %add3A_897 : i32
        %swap3A_899 = arith.index_cast %add3A_898 : i32 to index
        %swap3A_900 = arith.constant 96 : index
        %swap3A_901 = tpu.vector_load %arg7[%swap3A_899, %swap3A_900] {strides = array<i32>} : memref<80x128xf32, #tpu.memory_space<vmem>>, vector<1x16xf32>,
        %swap3A_902 = vector.shape_cast %swap3A_901 : vector<1x16xf32> to vector<16xf32>
        %swap3A_903 = vector.shape_cast %mul3A_896 : vector<16xf32> to vector<1x16xf32>
        tpu.vector_store %arg7[%swap3A_899, %swap3A_900], %swap3A_903 {strides = array<i32>} : memref<80x128xf32, #tpu.memory_space<vmem>>, vector<1x16xf32>,
        %add3A_904 = arith.constant 6 : i32
        %add3A_905 = arith.addi %mul3A_65, %add3A_904 : i32
        %get3A_906 = arith.index_cast %add3A_905 : i32 to index
        %get3A_907 = arith.constant 112 : index
        %get3A_908 = tpu.vector_load %arg7[%get3A_906, %get3A_907] {strides = array<i32>} : memref<80x128xf32, #tpu.memory_space<vmem>>, vector<1x16xf32>,
        %get3A_909 = vector.shape_cast %get3A_908 : vector<1x16xf32> to vector<16xf32>
        %mul3A_910 = vector.broadcast %squeeze3A_798 : f32 to vector<16xf32>
        %mul3A_911 = arith.mulf %get3A_909, %mul3A_910 : vector<16xf32>
        %add3A_912 = arith.constant 6 : i32
        %add3A_913 = arith.addi %mul3A_65, %add3A_912 : i32
        %swap3A_914 = arith.index_cast %add3A_913 : i32 to index
        %swap3A_915 = arith.constant 112 : index
        %swap3A_916 = tpu.vector_load %arg7[%swap3A_914, %swap3A_915] {strides = array<i32>} : memref<80x128xf32, #tpu.memory_space<vmem>>, vector<1x16xf32>,
        %swap3A_917 = vector.shape_cast %swap3A_916 : vector<1x16xf32> to vector<16xf32>
        %swap3A_918 = vector.shape_cast %mul3A_911 : vector<16xf32> to vector<1x16xf32>
        tpu.vector_store %arg7[%swap3A_914, %swap3A_915], %swap3A_918 {strides = array<i32>} : memref<80x128xf32, #tpu.memory_space<vmem>>, vector<1x16xf32>,
        %slice3A_919 = vector.extract_strided_slice %get3A_67 {offsets = [7], sizes = [1], strides = [1]} : vector<16xf32> to vector<1xf32>
        %squeeze3A_920 = vector.extract %slice3A_919[0] : f32 from vector<1xf32>
        %add3A_921 = arith.constant 7 : i32
        %add3A_922 = arith.addi %mul3A_65, %add3A_921 : i32
        %get3A_923 = arith.index_cast %add3A_922 : i32 to index
        %get3A_924 = arith.constant 0 : index
        %get3A_925 = tpu.vector_load %arg7[%get3A_923, %get3A_924] {strides = array<i32>} : memref<80x128xf32, #tpu.memory_space<vmem>>, vector<1x16xf32>,
        %get3A_926 = vector.shape_cast %get3A_925 : vector<1x16xf32> to vector<16xf32>
        %mul3A_927 = vector.broadcast %squeeze3A_920 : f32 to vector<16xf32>
        %mul3A_928 = arith.mulf %get3A_926, %mul3A_927 : vector<16xf32>
        %add3A_929 = arith.constant 7 : i32
        %add3A_930 = arith.addi %mul3A_65, %add3A_929 : i32
        %swap3A_931 = arith.index_cast %add3A_930 : i32 to index
        %swap3A_932 = arith.constant 0 : index
        %swap3A_933 = tpu.vector_load %arg7[%swap3A_931, %swap3A_932] {strides = array<i32>} : memref<80x128xf32, #tpu.memory_space<vmem>>, vector<1x16xf32>,
        %swap3A_934 = vector.shape_cast %swap3A_933 : vector<1x16xf32> to vector<16xf32>
        %swap3A_935 = vector.shape_cast %mul3A_928 : vector<16xf32> to vector<1x16xf32>
        tpu.vector_store %arg7[%swap3A_931, %swap3A_932], %swap3A_935 {strides = array<i32>} : memref<80x128xf32, #tpu.memory_space<vmem>>, vector<1x16xf32>,
        %add3A_936 = arith.constant 7 : i32
        %add3A_937 = arith.addi %mul3A_65, %add3A_936 : i32
        %get3A_938 = arith.index_cast %add3A_937 : i32 to index
        %get3A_939 = arith.constant 16 : index
        %get3A_940 = tpu.vector_load %arg7[%get3A_938, %get3A_939] {strides = array<i32>} : memref<80x128xf32, #tpu.memory_space<vmem>>, vector<1x16xf32>,
        %get3A_941 = vector.shape_cast %get3A_940 : vector<1x16xf32> to vector<16xf32>
        %mul3A_942 = vector.broadcast %squeeze3A_920 : f32 to vector<16xf32>
        %mul3A_943 = arith.mulf %get3A_941, %mul3A_942 : vector<16xf32>
        %add3A_944 = arith.constant 7 : i32
        %add3A_945 = arith.addi %mul3A_65, %add3A_944 : i32
        %swap3A_946 = arith.index_cast %add3A_945 : i32 to index
        %swap3A_947 = arith.constant 16 : index
        %swap3A_948 = tpu.vector_load %arg7[%swap3A_946, %swap3A_947] {strides = array<i32>} : memref<80x128xf32, #tpu.memory_space<vmem>>, vector<1x16xf32>,
        %swap3A_949 = vector.shape_cast %swap3A_948 : vector<1x16xf32> to vector<16xf32>
        %swap3A_950 = vector.shape_cast %mul3A_943 : vector<16xf32> to vector<1x16xf32>
        tpu.vector_store %arg7[%swap3A_946, %swap3A_947], %swap3A_950 {strides = array<i32>} : memref<80x128xf32, #tpu.memory_space<vmem>>, vector<1x16xf32>,
        %add3A_951 = arith.constant 7 : i32
        %add3A_952 = arith.addi %mul3A_65, %add3A_951 : i32
        %get3A_953 = arith.index_cast %add3A_952 : i32 to index
        %get3A_954 = arith.constant 32 : index
        %get3A_955 = tpu.vector_load %arg7[%get3A_953, %get3A_954] {strides = array<i32>} : memref<80x128xf32, #tpu.memory_space<vmem>>, vector<1x16xf32>,
        %get3A_956 = vector.shape_cast %get3A_955 : vector<1x16xf32> to vector<16xf32>
        %mul3A_957 = vector.broadcast %squeeze3A_920 : f32 to vector<16xf32>
        %mul3A_958 = arith.mulf %get3A_956, %mul3A_957 : vector<16xf32>
        %add3A_959 = arith.constant 7 : i32
        %add3A_960 = arith.addi %mul3A_65, %add3A_959 : i32
        %swap3A_961 = arith.index_cast %add3A_960 : i32 to index
        %swap3A_962 = arith.constant 32 : index
        %swap3A_963 = tpu.vector_load %arg7[%swap3A_961, %swap3A_962] {strides = array<i32>} : memref<80x128xf32, #tpu.memory_space<vmem>>, vector<1x16xf32>,
        %swap3A_964 = vector.shape_cast %swap3A_963 : vector<1x16xf32> to vector<16xf32>
        %swap3A_965 = vector.shape_cast %mul3A_958 : vector<16xf32> to vector<1x16xf32>
        tpu.vector_store %arg7[%swap3A_961, %swap3A_962], %swap3A_965 {strides = array<i32>} : memref<80x128xf32, #tpu.memory_space<vmem>>, vector<1x16xf32>,
        %add3A_966 = arith.constant 7 : i32
        %add3A_967 = arith.addi %mul3A_65, %add3A_966 : i32
        %get3A_968 = arith.index_cast %add3A_967 : i32 to index
        %get3A_969 = arith.constant 48 : index
        %get3A_970 = tpu.vector_load %arg7[%get3A_968, %get3A_969] {strides = array<i32>} : memref<80x128xf32, #tpu.memory_space<vmem>>, vector<1x16xf32>,
        %get3A_971 = vector.shape_cast %get3A_970 : vector<1x16xf32> to vector<16xf32>
        %mul3A_972 = vector.broadcast %squeeze3A_920 : f32 to vector<16xf32>
        %mul3A_973 = arith.mulf %get3A_971, %mul3A_972 : vector<16xf32>
        %add3A_974 = arith.constant 7 : i32
        %add3A_975 = arith.addi %mul3A_65, %add3A_974 : i32
        %swap3A_976 = arith.index_cast %add3A_975 : i32 to index
        %swap3A_977 = arith.constant 48 : index
        %swap3A_978 = tpu.vector_load %arg7[%swap3A_976, %swap3A_977] {strides = array<i32>} : memref<80x128xf32, #tpu.memory_space<vmem>>, vector<1x16xf32>,
        %swap3A_979 = vector.shape_cast %swap3A_978 : vector<1x16xf32> to vector<16xf32>
        %swap3A_980 = vector.shape_cast %mul3A_973 : vector<16xf32> to vector<1x16xf32>
        tpu.vector_store %arg7[%swap3A_976, %swap3A_977], %swap3A_980 {strides = array<i32>} : memref<80x128xf32, #tpu.memory_space<vmem>>, vector<1x16xf32>,
        %add3A_981 = arith.constant 7 : i32
        %add3A_982 = arith.addi %mul3A_65, %add3A_981 : i32
        %get3A_983 = arith.index_cast %add3A_982 : i32 to index
        %get3A_984 = arith.constant 64 : index
        %get3A_985 = tpu.vector_load %arg7[%get3A_983, %get3A_984] {strides = array<i32>} : memref<80x128xf32, #tpu.memory_space<vmem>>, vector<1x16xf32>,
        %get3A_986 = vector.shape_cast %get3A_985 : vector<1x16xf32> to vector<16xf32>
        %mul3A_987 = vector.broadcast %squeeze3A_920 : f32 to vector<16xf32>
        %mul3A_988 = arith.mulf %get3A_986, %mul3A_987 : vector<16xf32>
        %add3A_989 = arith.constant 7 : i32
        %add3A_990 = arith.addi %mul3A_65, %add3A_989 : i32
        %swap3A_991 = arith.index_cast %add3A_990 : i32 to index
        %swap3A_992 = arith.constant 64 : index
        %swap3A_993 = tpu.vector_load %arg7[%swap3A_991, %swap3A_992] {strides = array<i32>} : memref<80x128xf32, #tpu.memory_space<vmem>>, vector<1x16xf32>,
        %swap3A_994 = vector.shape_cast %swap3A_993 : vector<1x16xf32> to vector<16xf32>
        %swap3A_995 = vector.shape_cast %mul3A_988 : vector<16xf32> to vector<1x16xf32>
        tpu.vector_store %arg7[%swap3A_991, %swap3A_992], %swap3A_995 {strides = array<i32>} : memref<80x128xf32, #tpu.memory_space<vmem>>, vector<1x16xf32>,
        %add3A_996 = arith.constant 7 : i32
        %add3A_997 = arith.addi %mul3A_65, %add3A_996 : i32
        %get3A_998 = arith.index_cast %add3A_997 : i32 to index
        %get3A_999 = arith.constant 80 : index
        %get3A_1000 = tpu.vector_load %arg7[%get3A_998, %get3A_999] {strides = array<i32>} : memref<80x128xf32, #tpu.memory_space<vmem>>, vector<1x16xf32>,
        %get3A_1001 = vector.shape_cast %get3A_1000 : vector<1x16xf32> to vector<16xf32>
        %mul3A_1002 = vector.broadcast %squeeze3A_920 : f32 to vector<16xf32>
        %mul3A_1003 = arith.mulf %get3A_1001, %mul3A_1002 : vector<16xf32>
        %add3A_1004 = arith.constant 7 : i32
        %add3A_1005 = arith.addi %mul3A_65, %add3A_1004 : i32
        %swap3A_1006 = arith.index_cast %add3A_1005 : i32 to index
        %swap3A_1007 = arith.constant 80 : index
        %swap3A_1008 = tpu.vector_load %arg7[%swap3A_1006, %swap3A_1007] {strides = array<i32>} : memref<80x128xf32, #tpu.memory_space<vmem>>, vector<1x16xf32>,
        %swap3A_1009 = vector.shape_cast %swap3A_1008 : vector<1x16xf32> to vector<16xf32>
        %swap3A_1010 = vector.shape_cast %mul3A_1003 : vector<16xf32> to vector<1x16xf32>
        tpu.vector_store %arg7[%swap3A_1006, %swap3A_1007], %swap3A_1010 {strides = array<i32>} : memref<80x128xf32, #tpu.memory_space<vmem>>, vector<1x16xf32>,
        %add3A_1011 = arith.constant 7 : i32
        %add3A_1012 = arith.addi %mul3A_65, %add3A_1011 : i32
        %get3A_1013 = arith.index_cast %add3A_1012 : i32 to index
        %get3A_1014 = arith.constant 96 : index
        %get3A_1015 = tpu.vector_load %arg7[%get3A_1013, %get3A_1014] {strides = array<i32>} : memref<80x128xf32, #tpu.memory_space<vmem>>, vector<1x16xf32>,
        %get3A_1016 = vector.shape_cast %get3A_1015 : vector<1x16xf32> to vector<16xf32>
        %mul3A_1017 = vector.broadcast %squeeze3A_920 : f32 to vector<16xf32>
        %mul3A_1018 = arith.mulf %get3A_1016, %mul3A_1017 : vector<16xf32>
        %add3A_1019 = arith.constant 7 : i32
        %add3A_1020 = arith.addi %mul3A_65, %add3A_1019 : i32
        %swap3A_1021 = arith.index_cast %add3A_1020 : i32 to index
        %swap3A_1022 = arith.constant 96 : index
        %swap3A_1023 = tpu.vector_load %arg7[%swap3A_1021, %swap3A_1022] {strides = array<i32>} : memref<80x128xf32, #tpu.memory_space<vmem>>, vector<1x16xf32>,
        %swap3A_1024 = vector.shape_cast %swap3A_1023 : vector<1x16xf32> to vector<16xf32>
        %swap3A_1025 = vector.shape_cast %mul3A_1018 : vector<16xf32> to vector<1x16xf32>
        tpu.vector_store %arg7[%swap3A_1021, %swap3A_1022], %swap3A_1025 {strides = array<i32>} : memref<80x128xf32, #tpu.memory_space<vmem>>, vector<1x16xf32>,
        %add3A_1026 = arith.constant 7 : i32
        %add3A_1027 = arith.addi %mul3A_65, %add3A_1026 : i32
        %get3A_1028 = arith.index_cast %add3A_1027 : i32 to index
        %get3A_1029 = arith.constant 112 : index
        %get3A_1030 = tpu.vector_load %arg7[%get3A_1028, %get3A_1029] {strides = array<i32>} : memref<80x128xf32, #tpu.memory_space<vmem>>, vector<1x16xf32>,
        %get3A_1031 = vector.shape_cast %get3A_1030 : vector<1x16xf32> to vector<16xf32>
        %mul3A_1032 = vector.broadcast %squeeze3A_920 : f32 to vector<16xf32>
        %mul3A_1033 = arith.mulf %get3A_1031, %mul3A_1032 : vector<16xf32>
        %add3A_1034 = arith.constant 7 : i32
        %add3A_1035 = arith.addi %mul3A_65, %add3A_1034 : i32
        %swap3A_1036 = arith.index_cast %add3A_1035 : i32 to index
        %swap3A_1037 = arith.constant 112 : index
        %swap3A_1038 = tpu.vector_load %arg7[%swap3A_1036, %swap3A_1037] {strides = array<i32>} : memref<80x128xf32, #tpu.memory_space<vmem>>, vector<1x16xf32>,
        %swap3A_1039 = vector.shape_cast %swap3A_1038 : vector<1x16xf32> to vector<16xf32>
        %swap3A_1040 = vector.shape_cast %mul3A_1033 : vector<16xf32> to vector<1x16xf32>
        tpu.vector_store %arg7[%swap3A_1036, %swap3A_1037], %swap3A_1040 {strides = array<i32>} : memref<80x128xf32, #tpu.memory_space<vmem>>, vector<1x16xf32>,
        %slice3A_1041 = vector.extract_strided_slice %get3A_67 {offsets = [8], sizes = [1], strides = [1]} : vector<16xf32> to vector<1xf32>
        %squeeze3A_1042 = vector.extract %slice3A_1041[0] : f32 from vector<1xf32>
        %add3A_1043 = arith.constant 8 : i32
        %add3A_1044 = arith.addi %mul3A_65, %add3A_1043 : i32
        %get3A_1045 = arith.index_cast %add3A_1044 : i32 to index
        %get3A_1046 = arith.constant 0 : index
        %get3A_1047 = tpu.vector_load %arg7[%get3A_1045, %get3A_1046] {strides = array<i32>} : memref<80x128xf32, #tpu.memory_space<vmem>>, vector<1x16xf32>,
        %get3A_1048 = vector.shape_cast %get3A_1047 : vector<1x16xf32> to vector<16xf32>
        %mul3A_1049 = vector.broadcast %squeeze3A_1042 : f32 to vector<16xf32>
        %mul3A_1050 = arith.mulf %get3A_1048, %mul3A_1049 : vector<16xf32>
        %add3A_1051 = arith.constant 8 : i32
        %add3A_1052 = arith.addi %mul3A_65, %add3A_1051 : i32
        %swap3A_1053 = arith.index_cast %add3A_1052 : i32 to index
        %swap3A_1054 = arith.constant 0 : index
        %swap3A_1055 = tpu.vector_load %arg7[%swap3A_1053, %swap3A_1054] {strides = array<i32>} : memref<80x128xf32, #tpu.memory_space<vmem>>, vector<1x16xf32>,
        %swap3A_1056 = vector.shape_cast %swap3A_1055 : vector<1x16xf32> to vector<16xf32>
        %swap3A_1057 = vector.shape_cast %mul3A_1050 : vector<16xf32> to vector<1x16xf32>
        tpu.vector_store %arg7[%swap3A_1053, %swap3A_1054], %swap3A_1057 {strides = array<i32>} : memref<80x128xf32, #tpu.memory_space<vmem>>, vector<1x16xf32>,
        %add3A_1058 = arith.constant 8 : i32
        %add3A_1059 = arith.addi %mul3A_65, %add3A_1058 : i32
        %get3A_1060 = arith.index_cast %add3A_1059 : i32 to index
        %get3A_1061 = arith.constant 16 : index
        %get3A_1062 = tpu.vector_load %arg7[%get3A_1060, %get3A_1061] {strides = array<i32>} : memref<80x128xf32, #tpu.memory_space<vmem>>, vector<1x16xf32>,
        %get3A_1063 = vector.shape_cast %get3A_1062 : vector<1x16xf32> to vector<16xf32>
        %mul3A_1064 = vector.broadcast %squeeze3A_1042 : f32 to vector<16xf32>
        %mul3A_1065 = arith.mulf %get3A_1063, %mul3A_1064 : vector<16xf32>
        %add3A_1066 = arith.constant 8 : i32
        %add3A_1067 = arith.addi %mul3A_65, %add3A_1066 : i32
        %swap3A_1068 = arith.index_cast %add3A_1067 : i32 to index
        %swap3A_1069 = arith.constant 16 : index
        %swap3A_1070 = tpu.vector_load %arg7[%swap3A_1068, %swap3A_1069] {strides = array<i32>} : memref<80x128xf32, #tpu.memory_space<vmem>>, vector<1x16xf32>,
        %swap3A_1071 = vector.shape_cast %swap3A_1070 : vector<1x16xf32> to vector<16xf32>
        %swap3A_1072 = vector.shape_cast %mul3A_1065 : vector<16xf32> to vector<1x16xf32>
        tpu.vector_store %arg7[%swap3A_1068, %swap3A_1069], %swap3A_1072 {strides = array<i32>} : memref<80x128xf32, #tpu.memory_space<vmem>>, vector<1x16xf32>,
        %add3A_1073 = arith.constant 8 : i32
        %add3A_1074 = arith.addi %mul3A_65, %add3A_1073 : i32
        %get3A_1075 = arith.index_cast %add3A_1074 : i32 to index
        %get3A_1076 = arith.constant 32 : index
        %get3A_1077 = tpu.vector_load %arg7[%get3A_1075, %get3A_1076] {strides = array<i32>} : memref<80x128xf32, #tpu.memory_space<vmem>>, vector<1x16xf32>,
        %get3A_1078 = vector.shape_cast %get3A_1077 : vector<1x16xf32> to vector<16xf32>
        %mul3A_1079 = vector.broadcast %squeeze3A_1042 : f32 to vector<16xf32>
        %mul3A_1080 = arith.mulf %get3A_1078, %mul3A_1079 : vector<16xf32>
        %add3A_1081 = arith.constant 8 : i32
        %add3A_1082 = arith.addi %mul3A_65, %add3A_1081 : i32
        %swap3A_1083 = arith.index_cast %add3A_1082 : i32 to index
        %swap3A_1084 = arith.constant 32 : index
        %swap3A_1085 = tpu.vector_load %arg7[%swap3A_1083, %swap3A_1084] {strides = array<i32>} : memref<80x128xf32, #tpu.memory_space<vmem>>, vector<1x16xf32>,
        %swap3A_1086 = vector.shape_cast %swap3A_1085 : vector<1x16xf32> to vector<16xf32>
        %swap3A_1087 = vector.shape_cast %mul3A_1080 : vector<16xf32> to vector<1x16xf32>
        tpu.vector_store %arg7[%swap3A_1083, %swap3A_1084], %swap3A_1087 {strides = array<i32>} : memref<80x128xf32, #tpu.memory_space<vmem>>, vector<1x16xf32>,
        %add3A_1088 = arith.constant 8 : i32
        %add3A_1089 = arith.addi %mul3A_65, %add3A_1088 : i32
        %get3A_1090 = arith.index_cast %add3A_1089 : i32 to index
        %get3A_1091 = arith.constant 48 : index
        %get3A_1092 = tpu.vector_load %arg7[%get3A_1090, %get3A_1091] {strides = array<i32>} : memref<80x128xf32, #tpu.memory_space<vmem>>, vector<1x16xf32>,
        %get3A_1093 = vector.shape_cast %get3A_1092 : vector<1x16xf32> to vector<16xf32>
        %mul3A_1094 = vector.broadcast %squeeze3A_1042 : f32 to vector<16xf32>
        %mul3A_1095 = arith.mulf %get3A_1093, %mul3A_1094 : vector<16xf32>
        %add3A_1096 = arith.constant 8 : i32
        %add3A_1097 = arith.addi %mul3A_65, %add3A_1096 : i32
        %swap3A_1098 = arith.index_cast %add3A_1097 : i32 to index
        %swap3A_1099 = arith.constant 48 : index
        %swap3A_1100 = tpu.vector_load %arg7[%swap3A_1098, %swap3A_1099] {strides = array<i32>} : memref<80x128xf32, #tpu.memory_space<vmem>>, vector<1x16xf32>,
        %swap3A_1101 = vector.shape_cast %swap3A_1100 : vector<1x16xf32> to vector<16xf32>
        %swap3A_1102 = vector.shape_cast %mul3A_1095 : vector<16xf32> to vector<1x16xf32>
        tpu.vector_store %arg7[%swap3A_1098, %swap3A_1099], %swap3A_1102 {strides = array<i32>} : memref<80x128xf32, #tpu.memory_space<vmem>>, vector<1x16xf32>,
        %add3A_1103 = arith.constant 8 : i32
        %add3A_1104 = arith.addi %mul3A_65, %add3A_1103 : i32
        %get3A_1105 = arith.index_cast %add3A_1104 : i32 to index
        %get3A_1106 = arith.constant 64 : index
        %get3A_1107 = tpu.vector_load %arg7[%get3A_1105, %get3A_1106] {strides = array<i32>} : memref<80x128xf32, #tpu.memory_space<vmem>>, vector<1x16xf32>,
        %get3A_1108 = vector.shape_cast %get3A_1107 : vector<1x16xf32> to vector<16xf32>
        %mul3A_1109 = vector.broadcast %squeeze3A_1042 : f32 to vector<16xf32>
        %mul3A_1110 = arith.mulf %get3A_1108, %mul3A_1109 : vector<16xf32>
        %add3A_1111 = arith.constant 8 : i32
        %add3A_1112 = arith.addi %mul3A_65, %add3A_1111 : i32
        %swap3A_1113 = arith.index_cast %add3A_1112 : i32 to index
        %swap3A_1114 = arith.constant 64 : index
        %swap3A_1115 = tpu.vector_load %arg7[%swap3A_1113, %swap3A_1114] {strides = array<i32>} : memref<80x128xf32, #tpu.memory_space<vmem>>, vector<1x16xf32>,
        %swap3A_1116 = vector.shape_cast %swap3A_1115 : vector<1x16xf32> to vector<16xf32>
        %swap3A_1117 = vector.shape_cast %mul3A_1110 : vector<16xf32> to vector<1x16xf32>
        tpu.vector_store %arg7[%swap3A_1113, %swap3A_1114], %swap3A_1117 {strides = array<i32>} : memref<80x128xf32, #tpu.memory_space<vmem>>, vector<1x16xf32>,
        %add3A_1118 = arith.constant 8 : i32
        %add3A_1119 = arith.addi %mul3A_65, %add3A_1118 : i32
        %get3A_1120 = arith.index_cast %add3A_1119 : i32 to index
        %get3A_1121 = arith.constant 80 : index
        %get3A_1122 = tpu.vector_load %arg7[%get3A_1120, %get3A_1121] {strides = array<i32>} : memref<80x128xf32, #tpu.memory_space<vmem>>, vector<1x16xf32>,
        %get3A_1123 = vector.shape_cast %get3A_1122 : vector<1x16xf32> to vector<16xf32>
        %mul3A_1124 = vector.broadcast %squeeze3A_1042 : f32 to vector<16xf32>
        %mul3A_1125 = arith.mulf %get3A_1123, %mul3A_1124 : vector<16xf32>
        %add3A_1126 = arith.constant 8 : i32
        %add3A_1127 = arith.addi %mul3A_65, %add3A_1126 : i32
        %swap3A_1128 = arith.index_cast %add3A_1127 : i32 to index
        %swap3A_1129 = arith.constant 80 : index
        %swap3A_1130 = tpu.vector_load %arg7[%swap3A_1128, %swap3A_1129] {strides = array<i32>} : memref<80x128xf32, #tpu.memory_space<vmem>>, vector<1x16xf32>,
        %swap3A_1131 = vector.shape_cast %swap3A_1130 : vector<1x16xf32> to vector<16xf32>
        %swap3A_1132 = vector.shape_cast %mul3A_1125 : vector<16xf32> to vector<1x16xf32>
        tpu.vector_store %arg7[%swap3A_1128, %swap3A_1129], %swap3A_1132 {strides = array<i32>} : memref<80x128xf32, #tpu.memory_space<vmem>>, vector<1x16xf32>,
        %add3A_1133 = arith.constant 8 : i32
        %add3A_1134 = arith.addi %mul3A_65, %add3A_1133 : i32
        %get3A_1135 = arith.index_cast %add3A_1134 : i32 to index
        %get3A_1136 = arith.constant 96 : index
        %get3A_1137 = tpu.vector_load %arg7[%get3A_1135, %get3A_1136] {strides = array<i32>} : memref<80x128xf32, #tpu.memory_space<vmem>>, vector<1x16xf32>,
        %get3A_1138 = vector.shape_cast %get3A_1137 : vector<1x16xf32> to vector<16xf32>
        %mul3A_1139 = vector.broadcast %squeeze3A_1042 : f32 to vector<16xf32>
        %mul3A_1140 = arith.mulf %get3A_1138, %mul3A_1139 : vector<16xf32>
        %add3A_1141 = arith.constant 8 : i32
        %add3A_1142 = arith.addi %mul3A_65, %add3A_1141 : i32
        %swap3A_1143 = arith.index_cast %add3A_1142 : i32 to index
        %swap3A_1144 = arith.constant 96 : index
        %swap3A_1145 = tpu.vector_load %arg7[%swap3A_1143, %swap3A_1144] {strides = array<i32>} : memref<80x128xf32, #tpu.memory_space<vmem>>, vector<1x16xf32>,
        %swap3A_1146 = vector.shape_cast %swap3A_1145 : vector<1x16xf32> to vector<16xf32>
        %swap3A_1147 = vector.shape_cast %mul3A_1140 : vector<16xf32> to vector<1x16xf32>
        tpu.vector_store %arg7[%swap3A_1143, %swap3A_1144], %swap3A_1147 {strides = array<i32>} : memref<80x128xf32, #tpu.memory_space<vmem>>, vector<1x16xf32>,
        %add3A_1148 = arith.constant 8 : i32
        %add3A_1149 = arith.addi %mul3A_65, %add3A_1148 : i32
        %get3A_1150 = arith.index_cast %add3A_1149 : i32 to index
        %get3A_1151 = arith.constant 112 : index
        %get3A_1152 = tpu.vector_load %arg7[%get3A_1150, %get3A_1151] {strides = array<i32>} : memref<80x128xf32, #tpu.memory_space<vmem>>, vector<1x16xf32>,
        %get3A_1153 = vector.shape_cast %get3A_1152 : vector<1x16xf32> to vector<16xf32>
        %mul3A_1154 = vector.broadcast %squeeze3A_1042 : f32 to vector<16xf32>
        %mul3A_1155 = arith.mulf %get3A_1153, %mul3A_1154 : vector<16xf32>
        %add3A_1156 = arith.constant 8 : i32
        %add3A_1157 = arith.addi %mul3A_65, %add3A_1156 : i32
        %swap3A_1158 = arith.index_cast %add3A_1157 : i32 to index
        %swap3A_1159 = arith.constant 112 : index
        %swap3A_1160 = tpu.vector_load %arg7[%swap3A_1158, %swap3A_1159] {strides = array<i32>} : memref<80x128xf32, #tpu.memory_space<vmem>>, vector<1x16xf32>,
        %swap3A_1161 = vector.shape_cast %swap3A_1160 : vector<1x16xf32> to vector<16xf32>
        %swap3A_1162 = vector.shape_cast %mul3A_1155 : vector<16xf32> to vector<1x16xf32>
        tpu.vector_store %arg7[%swap3A_1158, %swap3A_1159], %swap3A_1162 {strides = array<i32>} : memref<80x128xf32, #tpu.memory_space<vmem>>, vector<1x16xf32>,
        %slice3A_1163 = vector.extract_strided_slice %get3A_67 {offsets = [9], sizes = [1], strides = [1]} : vector<16xf32> to vector<1xf32>
        %squeeze3A_1164 = vector.extract %slice3A_1163[0] : f32 from vector<1xf32>
        %add3A_1165 = arith.constant 9 : i32
        %add3A_1166 = arith.addi %mul3A_65, %add3A_1165 : i32
        %get3A_1167 = arith.index_cast %add3A_1166 : i32 to index
        %get3A_1168 = arith.constant 0 : index
        %get3A_1169 = tpu.vector_load %arg7[%get3A_1167, %get3A_1168] {strides = array<i32>} : memref<80x128xf32, #tpu.memory_space<vmem>>, vector<1x16xf32>,
        %get3A_1170 = vector.shape_cast %get3A_1169 : vector<1x16xf32> to vector<16xf32>
        %mul3A_1171 = vector.broadcast %squeeze3A_1164 : f32 to vector<16xf32>
        %mul3A_1172 = arith.mulf %get3A_1170, %mul3A_1171 : vector<16xf32>
        %add3A_1173 = arith.constant 9 : i32
        %add3A_1174 = arith.addi %mul3A_65, %add3A_1173 : i32
        %swap3A_1175 = arith.index_cast %add3A_1174 : i32 to index
        %swap3A_1176 = arith.constant 0 : index
        %swap3A_1177 = tpu.vector_load %arg7[%swap3A_1175, %swap3A_1176] {strides = array<i32>} : memref<80x128xf32, #tpu.memory_space<vmem>>, vector<1x16xf32>,
        %swap3A_1178 = vector.shape_cast %swap3A_1177 : vector<1x16xf32> to vector<16xf32>
        %swap3A_1179 = vector.shape_cast %mul3A_1172 : vector<16xf32> to vector<1x16xf32>
        tpu.vector_store %arg7[%swap3A_1175, %swap3A_1176], %swap3A_1179 {strides = array<i32>} : memref<80x128xf32, #tpu.memory_space<vmem>>, vector<1x16xf32>,
        %add3A_1180 = arith.constant 9 : i32
        %add3A_1181 = arith.addi %mul3A_65, %add3A_1180 : i32
        %get3A_1182 = arith.index_cast %add3A_1181 : i32 to index
        %get3A_1183 = arith.constant 16 : index
        %get3A_1184 = tpu.vector_load %arg7[%get3A_1182, %get3A_1183] {strides = array<i32>} : memref<80x128xf32, #tpu.memory_space<vmem>>, vector<1x16xf32>,
        %get3A_1185 = vector.shape_cast %get3A_1184 : vector<1x16xf32> to vector<16xf32>
        %mul3A_1186 = vector.broadcast %squeeze3A_1164 : f32 to vector<16xf32>
        %mul3A_1187 = arith.mulf %get3A_1185, %mul3A_1186 : vector<16xf32>
        %add3A_1188 = arith.constant 9 : i32
        %add3A_1189 = arith.addi %mul3A_65, %add3A_1188 : i32
        %swap3A_1190 = arith.index_cast %add3A_1189 : i32 to index
        %swap3A_1191 = arith.constant 16 : index
        %swap3A_1192 = tpu.vector_load %arg7[%swap3A_1190, %swap3A_1191] {strides = array<i32>} : memref<80x128xf32, #tpu.memory_space<vmem>>, vector<1x16xf32>,
        %swap3A_1193 = vector.shape_cast %swap3A_1192 : vector<1x16xf32> to vector<16xf32>
        %swap3A_1194 = vector.shape_cast %mul3A_1187 : vector<16xf32> to vector<1x16xf32>
        tpu.vector_store %arg7[%swap3A_1190, %swap3A_1191], %swap3A_1194 {strides = array<i32>} : memref<80x128xf32, #tpu.memory_space<vmem>>, vector<1x16xf32>,
        %add3A_1195 = arith.constant 9 : i32
        %add3A_1196 = arith.addi %mul3A_65, %add3A_1195 : i32
        %get3A_1197 = arith.index_cast %add3A_1196 : i32 to index
        %get3A_1198 = arith.constant 32 : index
        %get3A_1199 = tpu.vector_load %arg7[%get3A_1197, %get3A_1198] {strides = array<i32>} : memref<80x128xf32, #tpu.memory_space<vmem>>, vector<1x16xf32>,
        %get3A_1200 = vector.shape_cast %get3A_1199 : vector<1x16xf32> to vector<16xf32>
        %mul3A_1201 = vector.broadcast %squeeze3A_1164 : f32 to vector<16xf32>
        %mul3A_1202 = arith.mulf %get3A_1200, %mul3A_1201 : vector<16xf32>
        %add3A_1203 = arith.constant 9 : i32
        %add3A_1204 = arith.addi %mul3A_65, %add3A_1203 : i32
        %swap3A_1205 = arith.index_cast %add3A_1204 : i32 to index
        %swap3A_1206 = arith.constant 32 : index
        %swap3A_1207 = tpu.vector_load %arg7[%swap3A_1205, %swap3A_1206] {strides = array<i32>} : memref<80x128xf32, #tpu.memory_space<vmem>>, vector<1x16xf32>,
        %swap3A_1208 = vector.shape_cast %swap3A_1207 : vector<1x16xf32> to vector<16xf32>
        %swap3A_1209 = vector.shape_cast %mul3A_1202 : vector<16xf32> to vector<1x16xf32>
        tpu.vector_store %arg7[%swap3A_1205, %swap3A_1206], %swap3A_1209 {strides = array<i32>} : memref<80x128xf32, #tpu.memory_space<vmem>>, vector<1x16xf32>,
        %add3A_1210 = arith.constant 9 : i32
        %add3A_1211 = arith.addi %mul3A_65, %add3A_1210 : i32
        %get3A_1212 = arith.index_cast %add3A_1211 : i32 to index
        %get3A_1213 = arith.constant 48 : index
        %get3A_1214 = tpu.vector_load %arg7[%get3A_1212, %get3A_1213] {strides = array<i32>} : memref<80x128xf32, #tpu.memory_space<vmem>>, vector<1x16xf32>,
        %get3A_1215 = vector.shape_cast %get3A_1214 : vector<1x16xf32> to vector<16xf32>
        %mul3A_1216 = vector.broadcast %squeeze3A_1164 : f32 to vector<16xf32>
        %mul3A_1217 = arith.mulf %get3A_1215, %mul3A_1216 : vector<16xf32>
        %add3A_1218 = arith.constant 9 : i32
        %add3A_1219 = arith.addi %mul3A_65, %add3A_1218 : i32
        %swap3A_1220 = arith.index_cast %add3A_1219 : i32 to index
        %swap3A_1221 = arith.constant 48 : index
        %swap3A_1222 = tpu.vector_load %arg7[%swap3A_1220, %swap3A_1221] {strides = array<i32>} : memref<80x128xf32, #tpu.memory_space<vmem>>, vector<1x16xf32>,
        %swap3A_1223 = vector.shape_cast %swap3A_1222 : vector<1x16xf32> to vector<16xf32>
        %swap3A_1224 = vector.shape_cast %mul3A_1217 : vector<16xf32> to vector<1x16xf32>
        tpu.vector_store %arg7[%swap3A_1220, %swap3A_1221], %swap3A_1224 {strides = array<i32>} : memref<80x128xf32, #tpu.memory_space<vmem>>, vector<1x16xf32>,
        %add3A_1225 = arith.constant 9 : i32
        %add3A_1226 = arith.addi %mul3A_65, %add3A_1225 : i32
        %get3A_1227 = arith.index_cast %add3A_1226 : i32 to index
        %get3A_1228 = arith.constant 64 : index
        %get3A_1229 = tpu.vector_load %arg7[%get3A_1227, %get3A_1228] {strides = array<i32>} : memref<80x128xf32, #tpu.memory_space<vmem>>, vector<1x16xf32>,
        %get3A_1230 = vector.shape_cast %get3A_1229 : vector<1x16xf32> to vector<16xf32>
        %mul3A_1231 = vector.broadcast %squeeze3A_1164 : f32 to vector<16xf32>
        %mul3A_1232 = arith.mulf %get3A_1230, %mul3A_1231 : vector<16xf32>
        %add3A_1233 = arith.constant 9 : i32
        %add3A_1234 = arith.addi %mul3A_65, %add3A_1233 : i32
        %swap3A_1235 = arith.index_cast %add3A_1234 : i32 to index
        %swap3A_1236 = arith.constant 64 : index
        %swap3A_1237 = tpu.vector_load %arg7[%swap3A_1235, %swap3A_1236] {strides = array<i32>} : memref<80x128xf32, #tpu.memory_space<vmem>>, vector<1x16xf32>,
        %swap3A_1238 = vector.shape_cast %swap3A_1237 : vector<1x16xf32> to vector<16xf32>
        %swap3A_1239 = vector.shape_cast %mul3A_1232 : vector<16xf32> to vector<1x16xf32>
        tpu.vector_store %arg7[%swap3A_1235, %swap3A_1236], %swap3A_1239 {strides = array<i32>} : memref<80x128xf32, #tpu.memory_space<vmem>>, vector<1x16xf32>,
        %add3A_1240 = arith.constant 9 : i32
        %add3A_1241 = arith.addi %mul3A_65, %add3A_1240 : i32
        %get3A_1242 = arith.index_cast %add3A_1241 : i32 to index
        %get3A_1243 = arith.constant 80 : index
        %get3A_1244 = tpu.vector_load %arg7[%get3A_1242, %get3A_1243] {strides = array<i32>} : memref<80x128xf32, #tpu.memory_space<vmem>>, vector<1x16xf32>,
        %get3A_1245 = vector.shape_cast %get3A_1244 : vector<1x16xf32> to vector<16xf32>
        %mul3A_1246 = vector.broadcast %squeeze3A_1164 : f32 to vector<16xf32>
        %mul3A_1247 = arith.mulf %get3A_1245, %mul3A_1246 : vector<16xf32>
        %add3A_1248 = arith.constant 9 : i32
        %add3A_1249 = arith.addi %mul3A_65, %add3A_1248 : i32
        %swap3A_1250 = arith.index_cast %add3A_1249 : i32 to index
        %swap3A_1251 = arith.constant 80 : index
        %swap3A_1252 = tpu.vector_load %arg7[%swap3A_1250, %swap3A_1251] {strides = array<i32>} : memref<80x128xf32, #tpu.memory_space<vmem>>, vector<1x16xf32>,
        %swap3A_1253 = vector.shape_cast %swap3A_1252 : vector<1x16xf32> to vector<16xf32>
        %swap3A_1254 = vector.shape_cast %mul3A_1247 : vector<16xf32> to vector<1x16xf32>
        tpu.vector_store %arg7[%swap3A_1250, %swap3A_1251], %swap3A_1254 {strides = array<i32>} : memref<80x128xf32, #tpu.memory_space<vmem>>, vector<1x16xf32>,
        %add3A_1255 = arith.constant 9 : i32
        %add3A_1256 = arith.addi %mul3A_65, %add3A_1255 : i32
        %get3A_1257 = arith.index_cast %add3A_1256 : i32 to index
        %get3A_1258 = arith.constant 96 : index
        %get3A_1259 = tpu.vector_load %arg7[%get3A_1257, %get3A_1258] {strides = array<i32>} : memref<80x128xf32, #tpu.memory_space<vmem>>, vector<1x16xf32>,
        %get3A_1260 = vector.shape_cast %get3A_1259 : vector<1x16xf32> to vector<16xf32>
        %mul3A_1261 = vector.broadcast %squeeze3A_1164 : f32 to vector<16xf32>
        %mul3A_1262 = arith.mulf %get3A_1260, %mul3A_1261 : vector<16xf32>
        %add3A_1263 = arith.constant 9 : i32
        %add3A_1264 = arith.addi %mul3A_65, %add3A_1263 : i32
        %swap3A_1265 = arith.index_cast %add3A_1264 : i32 to index
        %swap3A_1266 = arith.constant 96 : index
        %swap3A_1267 = tpu.vector_load %arg7[%swap3A_1265, %swap3A_1266] {strides = array<i32>} : memref<80x128xf32, #tpu.memory_space<vmem>>, vector<1x16xf32>,
        %swap3A_1268 = vector.shape_cast %swap3A_1267 : vector<1x16xf32> to vector<16xf32>
        %swap3A_1269 = vector.shape_cast %mul3A_1262 : vector<16xf32> to vector<1x16xf32>
        tpu.vector_store %arg7[%swap3A_1265, %swap3A_1266], %swap3A_1269 {strides = array<i32>} : memref<80x128xf32, #tpu.memory_space<vmem>>, vector<1x16xf32>,
        %add3A_1270 = arith.constant 9 : i32
        %add3A_1271 = arith.addi %mul3A_65, %add3A_1270 : i32
        %get3A_1272 = arith.index_cast %add3A_1271 : i32 to index
        %get3A_1273 = arith.constant 112 : index
        %get3A_1274 = tpu.vector_load %arg7[%get3A_1272, %get3A_1273] {strides = array<i32>} : memref<80x128xf32, #tpu.memory_space<vmem>>, vector<1x16xf32>,
        %get3A_1275 = vector.shape_cast %get3A_1274 : vector<1x16xf32> to vector<16xf32>
        %mul3A_1276 = vector.broadcast %squeeze3A_1164 : f32 to vector<16xf32>
        %mul3A_1277 = arith.mulf %get3A_1275, %mul3A_1276 : vector<16xf32>
        %add3A_1278 = arith.constant 9 : i32
        %add3A_1279 = arith.addi %mul3A_65, %add3A_1278 : i32
        %swap3A_1280 = arith.index_cast %add3A_1279 : i32 to index
        %swap3A_1281 = arith.constant 112 : index
        %swap3A_1282 = tpu.vector_load %arg7[%swap3A_1280, %swap3A_1281] {strides = array<i32>} : memref<80x128xf32, #tpu.memory_space<vmem>>, vector<1x16xf32>,
        %swap3A_1283 = vector.shape_cast %swap3A_1282 : vector<1x16xf32> to vector<16xf32>
        %swap3A_1284 = vector.shape_cast %mul3A_1277 : vector<16xf32> to vector<1x16xf32>
        tpu.vector_store %arg7[%swap3A_1280, %swap3A_1281], %swap3A_1284 {strides = array<i32>} : memref<80x128xf32, #tpu.memory_space<vmem>>, vector<1x16xf32>,
        %slice3A_1285 = vector.extract_strided_slice %get3A_67 {offsets = [10], sizes = [1], strides = [1]} : vector<16xf32> to vector<1xf32>
        %squeeze3A_1286 = vector.extract %slice3A_1285[0] : f32 from vector<1xf32>
        %add3A_1287 = arith.constant 10 : i32
        %add3A_1288 = arith.addi %mul3A_65, %add3A_1287 : i32
        %get3A_1289 = arith.index_cast %add3A_1288 : i32 to index
        %get3A_1290 = arith.constant 0 : index
        %get3A_1291 = tpu.vector_load %arg7[%get3A_1289, %get3A_1290] {strides = array<i32>} : memref<80x128xf32, #tpu.memory_space<vmem>>, vector<1x16xf32>,
        %get3A_1292 = vector.shape_cast %get3A_1291 : vector<1x16xf32> to vector<16xf32>
        %mul3A_1293 = vector.broadcast %squeeze3A_1286 : f32 to vector<16xf32>
        %mul3A_1294 = arith.mulf %get3A_1292, %mul3A_1293 : vector<16xf32>
        %add3A_1295 = arith.constant 10 : i32
        %add3A_1296 = arith.addi %mul3A_65, %add3A_1295 : i32
        %swap3A_1297 = arith.index_cast %add3A_1296 : i32 to index
        %swap3A_1298 = arith.constant 0 : index
        %swap3A_1299 = tpu.vector_load %arg7[%swap3A_1297, %swap3A_1298] {strides = array<i32>} : memref<80x128xf32, #tpu.memory_space<vmem>>, vector<1x16xf32>,
        %swap3A_1300 = vector.shape_cast %swap3A_1299 : vector<1x16xf32> to vector<16xf32>
        %swap3A_1301 = vector.shape_cast %mul3A_1294 : vector<16xf32> to vector<1x16xf32>
        tpu.vector_store %arg7[%swap3A_1297, %swap3A_1298], %swap3A_1301 {strides = array<i32>} : memref<80x128xf32, #tpu.memory_space<vmem>>, vector<1x16xf32>,
        %add3A_1302 = arith.constant 10 : i32
        %add3A_1303 = arith.addi %mul3A_65, %add3A_1302 : i32
        %get3A_1304 = arith.index_cast %add3A_1303 : i32 to index
        %get3A_1305 = arith.constant 16 : index
        %get3A_1306 = tpu.vector_load %arg7[%get3A_1304, %get3A_1305] {strides = array<i32>} : memref<80x128xf32, #tpu.memory_space<vmem>>, vector<1x16xf32>,
        %get3A_1307 = vector.shape_cast %get3A_1306 : vector<1x16xf32> to vector<16xf32>
        %mul3A_1308 = vector.broadcast %squeeze3A_1286 : f32 to vector<16xf32>
        %mul3A_1309 = arith.mulf %get3A_1307, %mul3A_1308 : vector<16xf32>
        %add3A_1310 = arith.constant 10 : i32
        %add3A_1311 = arith.addi %mul3A_65, %add3A_1310 : i32
        %swap3A_1312 = arith.index_cast %add3A_1311 : i32 to index
        %swap3A_1313 = arith.constant 16 : index
        %swap3A_1314 = tpu.vector_load %arg7[%swap3A_1312, %swap3A_1313] {strides = array<i32>} : memref<80x128xf32, #tpu.memory_space<vmem>>, vector<1x16xf32>,
        %swap3A_1315 = vector.shape_cast %swap3A_1314 : vector<1x16xf32> to vector<16xf32>
        %swap3A_1316 = vector.shape_cast %mul3A_1309 : vector<16xf32> to vector<1x16xf32>
        tpu.vector_store %arg7[%swap3A_1312, %swap3A_1313], %swap3A_1316 {strides = array<i32>} : memref<80x128xf32, #tpu.memory_space<vmem>>, vector<1x16xf32>,
        %add3A_1317 = arith.constant 10 : i32
        %add3A_1318 = arith.addi %mul3A_65, %add3A_1317 : i32
        %get3A_1319 = arith.index_cast %add3A_1318 : i32 to index
        %get3A_1320 = arith.constant 32 : index
        %get3A_1321 = tpu.vector_load %arg7[%get3A_1319, %get3A_1320] {strides = array<i32>} : memref<80x128xf32, #tpu.memory_space<vmem>>, vector<1x16xf32>,
        %get3A_1322 = vector.shape_cast %get3A_1321 : vector<1x16xf32> to vector<16xf32>
        %mul3A_1323 = vector.broadcast %squeeze3A_1286 : f32 to vector<16xf32>
        %mul3A_1324 = arith.mulf %get3A_1322, %mul3A_1323 : vector<16xf32>
        %add3A_1325 = arith.constant 10 : i32
        %add3A_1326 = arith.addi %mul3A_65, %add3A_1325 : i32
        %swap3A_1327 = arith.index_cast %add3A_1326 : i32 to index
        %swap3A_1328 = arith.constant 32 : index
        %swap3A_1329 = tpu.vector_load %arg7[%swap3A_1327, %swap3A_1328] {strides = array<i32>} : memref<80x128xf32, #tpu.memory_space<vmem>>, vector<1x16xf32>,
        %swap3A_1330 = vector.shape_cast %swap3A_1329 : vector<1x16xf32> to vector<16xf32>
        %swap3A_1331 = vector.shape_cast %mul3A_1324 : vector<16xf32> to vector<1x16xf32>
        tpu.vector_store %arg7[%swap3A_1327, %swap3A_1328], %swap3A_1331 {strides = array<i32>} : memref<80x128xf32, #tpu.memory_space<vmem>>, vector<1x16xf32>,
        %add3A_1332 = arith.constant 10 : i32
        %add3A_1333 = arith.addi %mul3A_65, %add3A_1332 : i32
        %get3A_1334 = arith.index_cast %add3A_1333 : i32 to index
        %get3A_1335 = arith.constant 48 : index
        %get3A_1336 = tpu.vector_load %arg7[%get3A_1334, %get3A_1335] {strides = array<i32>} : memref<80x128xf32, #tpu.memory_space<vmem>>, vector<1x16xf32>,
        %get3A_1337 = vector.shape_cast %get3A_1336 : vector<1x16xf32> to vector<16xf32>
        %mul3A_1338 = vector.broadcast %squeeze3A_1286 : f32 to vector<16xf32>
        %mul3A_1339 = arith.mulf %get3A_1337, %mul3A_1338 : vector<16xf32>
        %add3A_1340 = arith.constant 10 : i32
        %add3A_1341 = arith.addi %mul3A_65, %add3A_1340 : i32
        %swap3A_1342 = arith.index_cast %add3A_1341 : i32 to index
        %swap3A_1343 = arith.constant 48 : index
        %swap3A_1344 = tpu.vector_load %arg7[%swap3A_1342, %swap3A_1343] {strides = array<i32>} : memref<80x128xf32, #tpu.memory_space<vmem>>, vector<1x16xf32>,
        %swap3A_1345 = vector.shape_cast %swap3A_1344 : vector<1x16xf32> to vector<16xf32>
        %swap3A_1346 = vector.shape_cast %mul3A_1339 : vector<16xf32> to vector<1x16xf32>
        tpu.vector_store %arg7[%swap3A_1342, %swap3A_1343], %swap3A_1346 {strides = array<i32>} : memref<80x128xf32, #tpu.memory_space<vmem>>, vector<1x16xf32>,
        %add3A_1347 = arith.constant 10 : i32
        %add3A_1348 = arith.addi %mul3A_65, %add3A_1347 : i32
        %get3A_1349 = arith.index_cast %add3A_1348 : i32 to index
        %get3A_1350 = arith.constant 64 : index
        %get3A_1351 = tpu.vector_load %arg7[%get3A_1349, %get3A_1350] {strides = array<i32>} : memref<80x128xf32, #tpu.memory_space<vmem>>, vector<1x16xf32>,
        %get3A_1352 = vector.shape_cast %get3A_1351 : vector<1x16xf32> to vector<16xf32>
        %mul3A_1353 = vector.broadcast %squeeze3A_1286 : f32 to vector<16xf32>
        %mul3A_1354 = arith.mulf %get3A_1352, %mul3A_1353 : vector<16xf32>
        %add3A_1355 = arith.constant 10 : i32
        %add3A_1356 = arith.addi %mul3A_65, %add3A_1355 : i32
        %swap3A_1357 = arith.index_cast %add3A_1356 : i32 to index
        %swap3A_1358 = arith.constant 64 : index
        %swap3A_1359 = tpu.vector_load %arg7[%swap3A_1357, %swap3A_1358] {strides = array<i32>} : memref<80x128xf32, #tpu.memory_space<vmem>>, vector<1x16xf32>,
        %swap3A_1360 = vector.shape_cast %swap3A_1359 : vector<1x16xf32> to vector<16xf32>
        %swap3A_1361 = vector.shape_cast %mul3A_1354 : vector<16xf32> to vector<1x16xf32>
        tpu.vector_store %arg7[%swap3A_1357, %swap3A_1358], %swap3A_1361 {strides = array<i32>} : memref<80x128xf32, #tpu.memory_space<vmem>>, vector<1x16xf32>,
        %add3A_1362 = arith.constant 10 : i32
        %add3A_1363 = arith.addi %mul3A_65, %add3A_1362 : i32
        %get3A_1364 = arith.index_cast %add3A_1363 : i32 to index
        %get3A_1365 = arith.constant 80 : index
        %get3A_1366 = tpu.vector_load %arg7[%get3A_1364, %get3A_1365] {strides = array<i32>} : memref<80x128xf32, #tpu.memory_space<vmem>>, vector<1x16xf32>,
        %get3A_1367 = vector.shape_cast %get3A_1366 : vector<1x16xf32> to vector<16xf32>
        %mul3A_1368 = vector.broadcast %squeeze3A_1286 : f32 to vector<16xf32>
        %mul3A_1369 = arith.mulf %get3A_1367, %mul3A_1368 : vector<16xf32>
        %add3A_1370 = arith.constant 10 : i32
        %add3A_1371 = arith.addi %mul3A_65, %add3A_1370 : i32
        %swap3A_1372 = arith.index_cast %add3A_1371 : i32 to index
        %swap3A_1373 = arith.constant 80 : index
        %swap3A_1374 = tpu.vector_load %arg7[%swap3A_1372, %swap3A_1373] {strides = array<i32>} : memref<80x128xf32, #tpu.memory_space<vmem>>, vector<1x16xf32>,
        %swap3A_1375 = vector.shape_cast %swap3A_1374 : vector<1x16xf32> to vector<16xf32>
        %swap3A_1376 = vector.shape_cast %mul3A_1369 : vector<16xf32> to vector<1x16xf32>
        tpu.vector_store %arg7[%swap3A_1372, %swap3A_1373], %swap3A_1376 {strides = array<i32>} : memref<80x128xf32, #tpu.memory_space<vmem>>, vector<1x16xf32>,
        %add3A_1377 = arith.constant 10 : i32
        %add3A_1378 = arith.addi %mul3A_65, %add3A_1377 : i32
        %get3A_1379 = arith.index_cast %add3A_1378 : i32 to index
        %get3A_1380 = arith.constant 96 : index
        %get3A_1381 = tpu.vector_load %arg7[%get3A_1379, %get3A_1380] {strides = array<i32>} : memref<80x128xf32, #tpu.memory_space<vmem>>, vector<1x16xf32>,
        %get3A_1382 = vector.shape_cast %get3A_1381 : vector<1x16xf32> to vector<16xf32>
        %mul3A_1383 = vector.broadcast %squeeze3A_1286 : f32 to vector<16xf32>
        %mul3A_1384 = arith.mulf %get3A_1382, %mul3A_1383 : vector<16xf32>
        %add3A_1385 = arith.constant 10 : i32
        %add3A_1386 = arith.addi %mul3A_65, %add3A_1385 : i32
        %swap3A_1387 = arith.index_cast %add3A_1386 : i32 to index
        %swap3A_1388 = arith.constant 96 : index
        %swap3A_1389 = tpu.vector_load %arg7[%swap3A_1387, %swap3A_1388] {strides = array<i32>} : memref<80x128xf32, #tpu.memory_space<vmem>>, vector<1x16xf32>,
        %swap3A_1390 = vector.shape_cast %swap3A_1389 : vector<1x16xf32> to vector<16xf32>
        %swap3A_1391 = vector.shape_cast %mul3A_1384 : vector<16xf32> to vector<1x16xf32>
        tpu.vector_store %arg7[%swap3A_1387, %swap3A_1388], %swap3A_1391 {strides = array<i32>} : memref<80x128xf32, #tpu.memory_space<vmem>>, vector<1x16xf32>,
        %add3A_1392 = arith.constant 10 : i32
        %add3A_1393 = arith.addi %mul3A_65, %add3A_1392 : i32
        %get3A_1394 = arith.index_cast %add3A_1393 : i32 to index
        %get3A_1395 = arith.constant 112 : index
        %get3A_1396 = tpu.vector_load %arg7[%get3A_1394, %get3A_1395] {strides = array<i32>} : memref<80x128xf32, #tpu.memory_space<vmem>>, vector<1x16xf32>,
        %get3A_1397 = vector.shape_cast %get3A_1396 : vector<1x16xf32> to vector<16xf32>
        %mul3A_1398 = vector.broadcast %squeeze3A_1286 : f32 to vector<16xf32>
        %mul3A_1399 = arith.mulf %get3A_1397, %mul3A_1398 : vector<16xf32>
        %add3A_1400 = arith.constant 10 : i32
        %add3A_1401 = arith.addi %mul3A_65, %add3A_1400 : i32
        %swap3A_1402 = arith.index_cast %add3A_1401 : i32 to index
        %swap3A_1403 = arith.constant 112 : index
        %swap3A_1404 = tpu.vector_load %arg7[%swap3A_1402, %swap3A_1403] {strides = array<i32>} : memref<80x128xf32, #tpu.memory_space<vmem>>, vector<1x16xf32>,
        %swap3A_1405 = vector.shape_cast %swap3A_1404 : vector<1x16xf32> to vector<16xf32>
        %swap3A_1406 = vector.shape_cast %mul3A_1399 : vector<16xf32> to vector<1x16xf32>
        tpu.vector_store %arg7[%swap3A_1402, %swap3A_1403], %swap3A_1406 {strides = array<i32>} : memref<80x128xf32, #tpu.memory_space<vmem>>, vector<1x16xf32>,
        %slice3A_1407 = vector.extract_strided_slice %get3A_67 {offsets = [11], sizes = [1], strides = [1]} : vector<16xf32> to vector<1xf32>
        %squeeze3A_1408 = vector.extract %slice3A_1407[0] : f32 from vector<1xf32>
        %add3A_1409 = arith.constant 11 : i32
        %add3A_1410 = arith.addi %mul3A_65, %add3A_1409 : i32
        %get3A_1411 = arith.index_cast %add3A_1410 : i32 to index
        %get3A_1412 = arith.constant 0 : index
        %get3A_1413 = tpu.vector_load %arg7[%get3A_1411, %get3A_1412] {strides = array<i32>} : memref<80x128xf32, #tpu.memory_space<vmem>>, vector<1x16xf32>,
        %get3A_1414 = vector.shape_cast %get3A_1413 : vector<1x16xf32> to vector<16xf32>
        %mul3A_1415 = vector.broadcast %squeeze3A_1408 : f32 to vector<16xf32>
        %mul3A_1416 = arith.mulf %get3A_1414, %mul3A_1415 : vector<16xf32>
        %add3A_1417 = arith.constant 11 : i32
        %add3A_1418 = arith.addi %mul3A_65, %add3A_1417 : i32
        %swap3A_1419 = arith.index_cast %add3A_1418 : i32 to index
        %swap3A_1420 = arith.constant 0 : index
        %swap3A_1421 = tpu.vector_load %arg7[%swap3A_1419, %swap3A_1420] {strides = array<i32>} : memref<80x128xf32, #tpu.memory_space<vmem>>, vector<1x16xf32>,
        %swap3A_1422 = vector.shape_cast %swap3A_1421 : vector<1x16xf32> to vector<16xf32>
        %swap3A_1423 = vector.shape_cast %mul3A_1416 : vector<16xf32> to vector<1x16xf32>
        tpu.vector_store %arg7[%swap3A_1419, %swap3A_1420], %swap3A_1423 {strides = array<i32>} : memref<80x128xf32, #tpu.memory_space<vmem>>, vector<1x16xf32>,
        %add3A_1424 = arith.constant 11 : i32
        %add3A_1425 = arith.addi %mul3A_65, %add3A_1424 : i32
        %get3A_1426 = arith.index_cast %add3A_1425 : i32 to index
        %get3A_1427 = arith.constant 16 : index
        %get3A_1428 = tpu.vector_load %arg7[%get3A_1426, %get3A_1427] {strides = array<i32>} : memref<80x128xf32, #tpu.memory_space<vmem>>, vector<1x16xf32>,
        %get3A_1429 = vector.shape_cast %get3A_1428 : vector<1x16xf32> to vector<16xf32>
        %mul3A_1430 = vector.broadcast %squeeze3A_1408 : f32 to vector<16xf32>
        %mul3A_1431 = arith.mulf %get3A_1429, %mul3A_1430 : vector<16xf32>
        %add3A_1432 = arith.constant 11 : i32
        %add3A_1433 = arith.addi %mul3A_65, %add3A_1432 : i32
        %swap3A_1434 = arith.index_cast %add3A_1433 : i32 to index
        %swap3A_1435 = arith.constant 16 : index
        %swap3A_1436 = tpu.vector_load %arg7[%swap3A_1434, %swap3A_1435] {strides = array<i32>} : memref<80x128xf32, #tpu.memory_space<vmem>>, vector<1x16xf32>,
        %swap3A_1437 = vector.shape_cast %swap3A_1436 : vector<1x16xf32> to vector<16xf32>
        %swap3A_1438 = vector.shape_cast %mul3A_1431 : vector<16xf32> to vector<1x16xf32>
        tpu.vector_store %arg7[%swap3A_1434, %swap3A_1435], %swap3A_1438 {strides = array<i32>} : memref<80x128xf32, #tpu.memory_space<vmem>>, vector<1x16xf32>,
        %add3A_1439 = arith.constant 11 : i32
        %add3A_1440 = arith.addi %mul3A_65, %add3A_1439 : i32
        %get3A_1441 = arith.index_cast %add3A_1440 : i32 to index
        %get3A_1442 = arith.constant 32 : index
        %get3A_1443 = tpu.vector_load %arg7[%get3A_1441, %get3A_1442] {strides = array<i32>} : memref<80x128xf32, #tpu.memory_space<vmem>>, vector<1x16xf32>,
        %get3A_1444 = vector.shape_cast %get3A_1443 : vector<1x16xf32> to vector<16xf32>
        %mul3A_1445 = vector.broadcast %squeeze3A_1408 : f32 to vector<16xf32>
        %mul3A_1446 = arith.mulf %get3A_1444, %mul3A_1445 : vector<16xf32>
        %add3A_1447 = arith.constant 11 : i32
        %add3A_1448 = arith.addi %mul3A_65, %add3A_1447 : i32
        %swap3A_1449 = arith.index_cast %add3A_1448 : i32 to index
        %swap3A_1450 = arith.constant 32 : index
        %swap3A_1451 = tpu.vector_load %arg7[%swap3A_1449, %swap3A_1450] {strides = array<i32>} : memref<80x128xf32, #tpu.memory_space<vmem>>, vector<1x16xf32>,
        %swap3A_1452 = vector.shape_cast %swap3A_1451 : vector<1x16xf32> to vector<16xf32>
        %swap3A_1453 = vector.shape_cast %mul3A_1446 : vector<16xf32> to vector<1x16xf32>
        tpu.vector_store %arg7[%swap3A_1449, %swap3A_1450], %swap3A_1453 {strides = array<i32>} : memref<80x128xf32, #tpu.memory_space<vmem>>, vector<1x16xf32>,
        %add3A_1454 = arith.constant 11 : i32
        %add3A_1455 = arith.addi %mul3A_65, %add3A_1454 : i32
        %get3A_1456 = arith.index_cast %add3A_1455 : i32 to index
        %get3A_1457 = arith.constant 48 : index
        %get3A_1458 = tpu.vector_load %arg7[%get3A_1456, %get3A_1457] {strides = array<i32>} : memref<80x128xf32, #tpu.memory_space<vmem>>, vector<1x16xf32>,
        %get3A_1459 = vector.shape_cast %get3A_1458 : vector<1x16xf32> to vector<16xf32>
        %mul3A_1460 = vector.broadcast %squeeze3A_1408 : f32 to vector<16xf32>
        %mul3A_1461 = arith.mulf %get3A_1459, %mul3A_1460 : vector<16xf32>
        %add3A_1462 = arith.constant 11 : i32
        %add3A_1463 = arith.addi %mul3A_65, %add3A_1462 : i32
        %swap3A_1464 = arith.index_cast %add3A_1463 : i32 to index
        %swap3A_1465 = arith.constant 48 : index
        %swap3A_1466 = tpu.vector_load %arg7[%swap3A_1464, %swap3A_1465] {strides = array<i32>} : memref<80x128xf32, #tpu.memory_space<vmem>>, vector<1x16xf32>,
        %swap3A_1467 = vector.shape_cast %swap3A_1466 : vector<1x16xf32> to vector<16xf32>
        %swap3A_1468 = vector.shape_cast %mul3A_1461 : vector<16xf32> to vector<1x16xf32>
        tpu.vector_store %arg7[%swap3A_1464, %swap3A_1465], %swap3A_1468 {strides = array<i32>} : memref<80x128xf32, #tpu.memory_space<vmem>>, vector<1x16xf32>,
        %add3A_1469 = arith.constant 11 : i32
        %add3A_1470 = arith.addi %mul3A_65, %add3A_1469 : i32
        %get3A_1471 = arith.index_cast %add3A_1470 : i32 to index
        %get3A_1472 = arith.constant 64 : index
        %get3A_1473 = tpu.vector_load %arg7[%get3A_1471, %get3A_1472] {strides = array<i32>} : memref<80x128xf32, #tpu.memory_space<vmem>>, vector<1x16xf32>,
        %get3A_1474 = vector.shape_cast %get3A_1473 : vector<1x16xf32> to vector<16xf32>
        %mul3A_1475 = vector.broadcast %squeeze3A_1408 : f32 to vector<16xf32>
        %mul3A_1476 = arith.mulf %get3A_1474, %mul3A_1475 : vector<16xf32>
        %add3A_1477 = arith.constant 11 : i32
        %add3A_1478 = arith.addi %mul3A_65, %add3A_1477 : i32
        %swap3A_1479 = arith.index_cast %add3A_1478 : i32 to index
        %swap3A_1480 = arith.constant 64 : index
        %swap3A_1481 = tpu.vector_load %arg7[%swap3A_1479, %swap3A_1480] {strides = array<i32>} : memref<80x128xf32, #tpu.memory_space<vmem>>, vector<1x16xf32>,
        %swap3A_1482 = vector.shape_cast %swap3A_1481 : vector<1x16xf32> to vector<16xf32>
        %swap3A_1483 = vector.shape_cast %mul3A_1476 : vector<16xf32> to vector<1x16xf32>
        tpu.vector_store %arg7[%swap3A_1479, %swap3A_1480], %swap3A_1483 {strides = array<i32>} : memref<80x128xf32, #tpu.memory_space<vmem>>, vector<1x16xf32>,
        %add3A_1484 = arith.constant 11 : i32
        %add3A_1485 = arith.addi %mul3A_65, %add3A_1484 : i32
        %get3A_1486 = arith.index_cast %add3A_1485 : i32 to index
        %get3A_1487 = arith.constant 80 : index
        %get3A_1488 = tpu.vector_load %arg7[%get3A_1486, %get3A_1487] {strides = array<i32>} : memref<80x128xf32, #tpu.memory_space<vmem>>, vector<1x16xf32>,
        %get3A_1489 = vector.shape_cast %get3A_1488 : vector<1x16xf32> to vector<16xf32>
        %mul3A_1490 = vector.broadcast %squeeze3A_1408 : f32 to vector<16xf32>
        %mul3A_1491 = arith.mulf %get3A_1489, %mul3A_1490 : vector<16xf32>
        %add3A_1492 = arith.constant 11 : i32
        %add3A_1493 = arith.addi %mul3A_65, %add3A_1492 : i32
        %swap3A_1494 = arith.index_cast %add3A_1493 : i32 to index
        %swap3A_1495 = arith.constant 80 : index
        %swap3A_1496 = tpu.vector_load %arg7[%swap3A_1494, %swap3A_1495] {strides = array<i32>} : memref<80x128xf32, #tpu.memory_space<vmem>>, vector<1x16xf32>,
        %swap3A_1497 = vector.shape_cast %swap3A_1496 : vector<1x16xf32> to vector<16xf32>
        %swap3A_1498 = vector.shape_cast %mul3A_1491 : vector<16xf32> to vector<1x16xf32>
        tpu.vector_store %arg7[%swap3A_1494, %swap3A_1495], %swap3A_1498 {strides = array<i32>} : memref<80x128xf32, #tpu.memory_space<vmem>>, vector<1x16xf32>,
        %add3A_1499 = arith.constant 11 : i32
        %add3A_1500 = arith.addi %mul3A_65, %add3A_1499 : i32
        %get3A_1501 = arith.index_cast %add3A_1500 : i32 to index
        %get3A_1502 = arith.constant 96 : index
        %get3A_1503 = tpu.vector_load %arg7[%get3A_1501, %get3A_1502] {strides = array<i32>} : memref<80x128xf32, #tpu.memory_space<vmem>>, vector<1x16xf32>,
        %get3A_1504 = vector.shape_cast %get3A_1503 : vector<1x16xf32> to vector<16xf32>
        %mul3A_1505 = vector.broadcast %squeeze3A_1408 : f32 to vector<16xf32>
        %mul3A_1506 = arith.mulf %get3A_1504, %mul3A_1505 : vector<16xf32>
        %add3A_1507 = arith.constant 11 : i32
        %add3A_1508 = arith.addi %mul3A_65, %add3A_1507 : i32
        %swap3A_1509 = arith.index_cast %add3A_1508 : i32 to index
        %swap3A_1510 = arith.constant 96 : index
        %swap3A_1511 = tpu.vector_load %arg7[%swap3A_1509, %swap3A_1510] {strides = array<i32>} : memref<80x128xf32, #tpu.memory_space<vmem>>, vector<1x16xf32>,
        %swap3A_1512 = vector.shape_cast %swap3A_1511 : vector<1x16xf32> to vector<16xf32>
        %swap3A_1513 = vector.shape_cast %mul3A_1506 : vector<16xf32> to vector<1x16xf32>
        tpu.vector_store %arg7[%swap3A_1509, %swap3A_1510], %swap3A_1513 {strides = array<i32>} : memref<80x128xf32, #tpu.memory_space<vmem>>, vector<1x16xf32>,
        %add3A_1514 = arith.constant 11 : i32
        %add3A_1515 = arith.addi %mul3A_65, %add3A_1514 : i32
        %get3A_1516 = arith.index_cast %add3A_1515 : i32 to index
        %get3A_1517 = arith.constant 112 : index
        %get3A_1518 = tpu.vector_load %arg7[%get3A_1516, %get3A_1517] {strides = array<i32>} : memref<80x128xf32, #tpu.memory_space<vmem>>, vector<1x16xf32>,
        %get3A_1519 = vector.shape_cast %get3A_1518 : vector<1x16xf32> to vector<16xf32>
        %mul3A_1520 = vector.broadcast %squeeze3A_1408 : f32 to vector<16xf32>
        %mul3A_1521 = arith.mulf %get3A_1519, %mul3A_1520 : vector<16xf32>
        %add3A_1522 = arith.constant 11 : i32
        %add3A_1523 = arith.addi %mul3A_65, %add3A_1522 : i32
        %swap3A_1524 = arith.index_cast %add3A_1523 : i32 to index
        %swap3A_1525 = arith.constant 112 : index
        %swap3A_1526 = tpu.vector_load %arg7[%swap3A_1524, %swap3A_1525] {strides = array<i32>} : memref<80x128xf32, #tpu.memory_space<vmem>>, vector<1x16xf32>,
        %swap3A_1527 = vector.shape_cast %swap3A_1526 : vector<1x16xf32> to vector<16xf32>
        %swap3A_1528 = vector.shape_cast %mul3A_1521 : vector<16xf32> to vector<1x16xf32>
        tpu.vector_store %arg7[%swap3A_1524, %swap3A_1525], %swap3A_1528 {strides = array<i32>} : memref<80x128xf32, #tpu.memory_space<vmem>>, vector<1x16xf32>,
        %slice3A_1529 = vector.extract_strided_slice %get3A_67 {offsets = [12], sizes = [1], strides = [1]} : vector<16xf32> to vector<1xf32>
        %squeeze3A_1530 = vector.extract %slice3A_1529[0] : f32 from vector<1xf32>
        %add3A_1531 = arith.constant 12 : i32
        %add3A_1532 = arith.addi %mul3A_65, %add3A_1531 : i32
        %get3A_1533 = arith.index_cast %add3A_1532 : i32 to index
        %get3A_1534 = arith.constant 0 : index
        %get3A_1535 = tpu.vector_load %arg7[%get3A_1533, %get3A_1534] {strides = array<i32>} : memref<80x128xf32, #tpu.memory_space<vmem>>, vector<1x16xf32>,
        %get3A_1536 = vector.shape_cast %get3A_1535 : vector<1x16xf32> to vector<16xf32>
        %mul3A_1537 = vector.broadcast %squeeze3A_1530 : f32 to vector<16xf32>
        %mul3A_1538 = arith.mulf %get3A_1536, %mul3A_1537 : vector<16xf32>
        %add3A_1539 = arith.constant 12 : i32
        %add3A_1540 = arith.addi %mul3A_65, %add3A_1539 : i32
        %swap3A_1541 = arith.index_cast %add3A_1540 : i32 to index
        %swap3A_1542 = arith.constant 0 : index
        %swap3A_1543 = tpu.vector_load %arg7[%swap3A_1541, %swap3A_1542] {strides = array<i32>} : memref<80x128xf32, #tpu.memory_space<vmem>>, vector<1x16xf32>,
        %swap3A_1544 = vector.shape_cast %swap3A_1543 : vector<1x16xf32> to vector<16xf32>
        %swap3A_1545 = vector.shape_cast %mul3A_1538 : vector<16xf32> to vector<1x16xf32>
        tpu.vector_store %arg7[%swap3A_1541, %swap3A_1542], %swap3A_1545 {strides = array<i32>} : memref<80x128xf32, #tpu.memory_space<vmem>>, vector<1x16xf32>,
        %add3A_1546 = arith.constant 12 : i32
        %add3A_1547 = arith.addi %mul3A_65, %add3A_1546 : i32
        %get3A_1548 = arith.index_cast %add3A_1547 : i32 to index
        %get3A_1549 = arith.constant 16 : index
        %get3A_1550 = tpu.vector_load %arg7[%get3A_1548, %get3A_1549] {strides = array<i32>} : memref<80x128xf32, #tpu.memory_space<vmem>>, vector<1x16xf32>,
        %get3A_1551 = vector.shape_cast %get3A_1550 : vector<1x16xf32> to vector<16xf32>
        %mul3A_1552 = vector.broadcast %squeeze3A_1530 : f32 to vector<16xf32>
        %mul3A_1553 = arith.mulf %get3A_1551, %mul3A_1552 : vector<16xf32>
        %add3A_1554 = arith.constant 12 : i32
        %add3A_1555 = arith.addi %mul3A_65, %add3A_1554 : i32
        %swap3A_1556 = arith.index_cast %add3A_1555 : i32 to index
        %swap3A_1557 = arith.constant 16 : index
        %swap3A_1558 = tpu.vector_load %arg7[%swap3A_1556, %swap3A_1557] {strides = array<i32>} : memref<80x128xf32, #tpu.memory_space<vmem>>, vector<1x16xf32>,
        %swap3A_1559 = vector.shape_cast %swap3A_1558 : vector<1x16xf32> to vector<16xf32>
        %swap3A_1560 = vector.shape_cast %mul3A_1553 : vector<16xf32> to vector<1x16xf32>
        tpu.vector_store %arg7[%swap3A_1556, %swap3A_1557], %swap3A_1560 {strides = array<i32>} : memref<80x128xf32, #tpu.memory_space<vmem>>, vector<1x16xf32>,
        %add3A_1561 = arith.constant 12 : i32
        %add3A_1562 = arith.addi %mul3A_65, %add3A_1561 : i32
        %get3A_1563 = arith.index_cast %add3A_1562 : i32 to index
        %get3A_1564 = arith.constant 32 : index
        %get3A_1565 = tpu.vector_load %arg7[%get3A_1563, %get3A_1564] {strides = array<i32>} : memref<80x128xf32, #tpu.memory_space<vmem>>, vector<1x16xf32>,
        %get3A_1566 = vector.shape_cast %get3A_1565 : vector<1x16xf32> to vector<16xf32>
        %mul3A_1567 = vector.broadcast %squeeze3A_1530 : f32 to vector<16xf32>
        %mul3A_1568 = arith.mulf %get3A_1566, %mul3A_1567 : vector<16xf32>
        %add3A_1569 = arith.constant 12 : i32
        %add3A_1570 = arith.addi %mul3A_65, %add3A_1569 : i32
        %swap3A_1571 = arith.index_cast %add3A_1570 : i32 to index
        %swap3A_1572 = arith.constant 32 : index
        %swap3A_1573 = tpu.vector_load %arg7[%swap3A_1571, %swap3A_1572] {strides = array<i32>} : memref<80x128xf32, #tpu.memory_space<vmem>>, vector<1x16xf32>,
        %swap3A_1574 = vector.shape_cast %swap3A_1573 : vector<1x16xf32> to vector<16xf32>
        %swap3A_1575 = vector.shape_cast %mul3A_1568 : vector<16xf32> to vector<1x16xf32>
        tpu.vector_store %arg7[%swap3A_1571, %swap3A_1572], %swap3A_1575 {strides = array<i32>} : memref<80x128xf32, #tpu.memory_space<vmem>>, vector<1x16xf32>,
        %add3A_1576 = arith.constant 12 : i32
        %add3A_1577 = arith.addi %mul3A_65, %add3A_1576 : i32
        %get3A_1578 = arith.index_cast %add3A_1577 : i32 to index
        %get3A_1579 = arith.constant 48 : index
        %get3A_1580 = tpu.vector_load %arg7[%get3A_1578, %get3A_1579] {strides = array<i32>} : memref<80x128xf32, #tpu.memory_space<vmem>>, vector<1x16xf32>,
        %get3A_1581 = vector.shape_cast %get3A_1580 : vector<1x16xf32> to vector<16xf32>
        %mul3A_1582 = vector.broadcast %squeeze3A_1530 : f32 to vector<16xf32>
        %mul3A_1583 = arith.mulf %get3A_1581, %mul3A_1582 : vector<16xf32>
        %add3A_1584 = arith.constant 12 : i32
        %add3A_1585 = arith.addi %mul3A_65, %add3A_1584 : i32
        %swap3A_1586 = arith.index_cast %add3A_1585 : i32 to index
        %swap3A_1587 = arith.constant 48 : index
        %swap3A_1588 = tpu.vector_load %arg7[%swap3A_1586, %swap3A_1587] {strides = array<i32>} : memref<80x128xf32, #tpu.memory_space<vmem>>, vector<1x16xf32>,
        %swap3A_1589 = vector.shape_cast %swap3A_1588 : vector<1x16xf32> to vector<16xf32>
        %swap3A_1590 = vector.shape_cast %mul3A_1583 : vector<16xf32> to vector<1x16xf32>
        tpu.vector_store %arg7[%swap3A_1586, %swap3A_1587], %swap3A_1590 {strides = array<i32>} : memref<80x128xf32, #tpu.memory_space<vmem>>, vector<1x16xf32>,
        %add3A_1591 = arith.constant 12 : i32
        %add3A_1592 = arith.addi %mul3A_65, %add3A_1591 : i32
        %get3A_1593 = arith.index_cast %add3A_1592 : i32 to index
        %get3A_1594 = arith.constant 64 : index
        %get3A_1595 = tpu.vector_load %arg7[%get3A_1593, %get3A_1594] {strides = array<i32>} : memref<80x128xf32, #tpu.memory_space<vmem>>, vector<1x16xf32>,
        %get3A_1596 = vector.shape_cast %get3A_1595 : vector<1x16xf32> to vector<16xf32>
        %mul3A_1597 = vector.broadcast %squeeze3A_1530 : f32 to vector<16xf32>
        %mul3A_1598 = arith.mulf %get3A_1596, %mul3A_1597 : vector<16xf32>
        %add3A_1599 = arith.constant 12 : i32
        %add3A_1600 = arith.addi %mul3A_65, %add3A_1599 : i32
        %swap3A_1601 = arith.index_cast %add3A_1600 : i32 to index
        %swap3A_1602 = arith.constant 64 : index
        %swap3A_1603 = tpu.vector_load %arg7[%swap3A_1601, %swap3A_1602] {strides = array<i32>} : memref<80x128xf32, #tpu.memory_space<vmem>>, vector<1x16xf32>,
        %swap3A_1604 = vector.shape_cast %swap3A_1603 : vector<1x16xf32> to vector<16xf32>
        %swap3A_1605 = vector.shape_cast %mul3A_1598 : vector<16xf32> to vector<1x16xf32>
        tpu.vector_store %arg7[%swap3A_1601, %swap3A_1602], %swap3A_1605 {strides = array<i32>} : memref<80x128xf32, #tpu.memory_space<vmem>>, vector<1x16xf32>,
        %add3A_1606 = arith.constant 12 : i32
        %add3A_1607 = arith.addi %mul3A_65, %add3A_1606 : i32
        %get3A_1608 = arith.index_cast %add3A_1607 : i32 to index
        %get3A_1609 = arith.constant 80 : index
        %get3A_1610 = tpu.vector_load %arg7[%get3A_1608, %get3A_1609] {strides = array<i32>} : memref<80x128xf32, #tpu.memory_space<vmem>>, vector<1x16xf32>,
        %get3A_1611 = vector.shape_cast %get3A_1610 : vector<1x16xf32> to vector<16xf32>
        %mul3A_1612 = vector.broadcast %squeeze3A_1530 : f32 to vector<16xf32>
        %mul3A_1613 = arith.mulf %get3A_1611, %mul3A_1612 : vector<16xf32>
        %add3A_1614 = arith.constant 12 : i32
        %add3A_1615 = arith.addi %mul3A_65, %add3A_1614 : i32
        %swap3A_1616 = arith.index_cast %add3A_1615 : i32 to index
        %swap3A_1617 = arith.constant 80 : index
        %swap3A_1618 = tpu.vector_load %arg7[%swap3A_1616, %swap3A_1617] {strides = array<i32>} : memref<80x128xf32, #tpu.memory_space<vmem>>, vector<1x16xf32>,
        %swap3A_1619 = vector.shape_cast %swap3A_1618 : vector<1x16xf32> to vector<16xf32>
        %swap3A_1620 = vector.shape_cast %mul3A_1613 : vector<16xf32> to vector<1x16xf32>
        tpu.vector_store %arg7[%swap3A_1616, %swap3A_1617], %swap3A_1620 {strides = array<i32>} : memref<80x128xf32, #tpu.memory_space<vmem>>, vector<1x16xf32>,
        %add3A_1621 = arith.constant 12 : i32
        %add3A_1622 = arith.addi %mul3A_65, %add3A_1621 : i32
        %get3A_1623 = arith.index_cast %add3A_1622 : i32 to index
        %get3A_1624 = arith.constant 96 : index
        %get3A_1625 = tpu.vector_load %arg7[%get3A_1623, %get3A_1624] {strides = array<i32>} : memref<80x128xf32, #tpu.memory_space<vmem>>, vector<1x16xf32>,
        %get3A_1626 = vector.shape_cast %get3A_1625 : vector<1x16xf32> to vector<16xf32>
        %mul3A_1627 = vector.broadcast %squeeze3A_1530 : f32 to vector<16xf32>
        %mul3A_1628 = arith.mulf %get3A_1626, %mul3A_1627 : vector<16xf32>
        %add3A_1629 = arith.constant 12 : i32
        %add3A_1630 = arith.addi %mul3A_65, %add3A_1629 : i32
        %swap3A_1631 = arith.index_cast %add3A_1630 : i32 to index
        %swap3A_1632 = arith.constant 96 : index
        %swap3A_1633 = tpu.vector_load %arg7[%swap3A_1631, %swap3A_1632] {strides = array<i32>} : memref<80x128xf32, #tpu.memory_space<vmem>>, vector<1x16xf32>,
        %swap3A_1634 = vector.shape_cast %swap3A_1633 : vector<1x16xf32> to vector<16xf32>
        %swap3A_1635 = vector.shape_cast %mul3A_1628 : vector<16xf32> to vector<1x16xf32>
        tpu.vector_store %arg7[%swap3A_1631, %swap3A_1632], %swap3A_1635 {strides = array<i32>} : memref<80x128xf32, #tpu.memory_space<vmem>>, vector<1x16xf32>,
        %add3A_1636 = arith.constant 12 : i32
        %add3A_1637 = arith.addi %mul3A_65, %add3A_1636 : i32
        %get3A_1638 = arith.index_cast %add3A_1637 : i32 to index
        %get3A_1639 = arith.constant 112 : index
        %get3A_1640 = tpu.vector_load %arg7[%get3A_1638, %get3A_1639] {strides = array<i32>} : memref<80x128xf32, #tpu.memory_space<vmem>>, vector<1x16xf32>,
        %get3A_1641 = vector.shape_cast %get3A_1640 : vector<1x16xf32> to vector<16xf32>
        %mul3A_1642 = vector.broadcast %squeeze3A_1530 : f32 to vector<16xf32>
        %mul3A_1643 = arith.mulf %get3A_1641, %mul3A_1642 : vector<16xf32>
        %add3A_1644 = arith.constant 12 : i32
        %add3A_1645 = arith.addi %mul3A_65, %add3A_1644 : i32
        %swap3A_1646 = arith.index_cast %add3A_1645 : i32 to index
        %swap3A_1647 = arith.constant 112 : index
        %swap3A_1648 = tpu.vector_load %arg7[%swap3A_1646, %swap3A_1647] {strides = array<i32>} : memref<80x128xf32, #tpu.memory_space<vmem>>, vector<1x16xf32>,
        %swap3A_1649 = vector.shape_cast %swap3A_1648 : vector<1x16xf32> to vector<16xf32>
        %swap3A_1650 = vector.shape_cast %mul3A_1643 : vector<16xf32> to vector<1x16xf32>
        tpu.vector_store %arg7[%swap3A_1646, %swap3A_1647], %swap3A_1650 {strides = array<i32>} : memref<80x128xf32, #tpu.memory_space<vmem>>, vector<1x16xf32>,
        %slice3A_1651 = vector.extract_strided_slice %get3A_67 {offsets = [13], sizes = [1], strides = [1]} : vector<16xf32> to vector<1xf32>
        %squeeze3A_1652 = vector.extract %slice3A_1651[0] : f32 from vector<1xf32>
        %add3A_1653 = arith.constant 13 : i32
        %add3A_1654 = arith.addi %mul3A_65, %add3A_1653 : i32
        %get3A_1655 = arith.index_cast %add3A_1654 : i32 to index
        %get3A_1656 = arith.constant 0 : index
        %get3A_1657 = tpu.vector_load %arg7[%get3A_1655, %get3A_1656] {strides = array<i32>} : memref<80x128xf32, #tpu.memory_space<vmem>>, vector<1x16xf32>,
        %get3A_1658 = vector.shape_cast %get3A_1657 : vector<1x16xf32> to vector<16xf32>
        %mul3A_1659 = vector.broadcast %squeeze3A_1652 : f32 to vector<16xf32>
        %mul3A_1660 = arith.mulf %get3A_1658, %mul3A_1659 : vector<16xf32>
        %add3A_1661 = arith.constant 13 : i32
        %add3A_1662 = arith.addi %mul3A_65, %add3A_1661 : i32
        %swap3A_1663 = arith.index_cast %add3A_1662 : i32 to index
        %swap3A_1664 = arith.constant 0 : index
        %swap3A_1665 = tpu.vector_load %arg7[%swap3A_1663, %swap3A_1664] {strides = array<i32>} : memref<80x128xf32, #tpu.memory_space<vmem>>, vector<1x16xf32>,
        %swap3A_1666 = vector.shape_cast %swap3A_1665 : vector<1x16xf32> to vector<16xf32>
        %swap3A_1667 = vector.shape_cast %mul3A_1660 : vector<16xf32> to vector<1x16xf32>
        tpu.vector_store %arg7[%swap3A_1663, %swap3A_1664], %swap3A_1667 {strides = array<i32>} : memref<80x128xf32, #tpu.memory_space<vmem>>, vector<1x16xf32>,
        %add3A_1668 = arith.constant 13 : i32
        %add3A_1669 = arith.addi %mul3A_65, %add3A_1668 : i32
        %get3A_1670 = arith.index_cast %add3A_1669 : i32 to index
        %get3A_1671 = arith.constant 16 : index
        %get3A_1672 = tpu.vector_load %arg7[%get3A_1670, %get3A_1671] {strides = array<i32>} : memref<80x128xf32, #tpu.memory_space<vmem>>, vector<1x16xf32>,
        %get3A_1673 = vector.shape_cast %get3A_1672 : vector<1x16xf32> to vector<16xf32>
        %mul3A_1674 = vector.broadcast %squeeze3A_1652 : f32 to vector<16xf32>
        %mul3A_1675 = arith.mulf %get3A_1673, %mul3A_1674 : vector<16xf32>
        %add3A_1676 = arith.constant 13 : i32
        %add3A_1677 = arith.addi %mul3A_65, %add3A_1676 : i32
        %swap3A_1678 = arith.index_cast %add3A_1677 : i32 to index
        %swap3A_1679 = arith.constant 16 : index
        %swap3A_1680 = tpu.vector_load %arg7[%swap3A_1678, %swap3A_1679] {strides = array<i32>} : memref<80x128xf32, #tpu.memory_space<vmem>>, vector<1x16xf32>,
        %swap3A_1681 = vector.shape_cast %swap3A_1680 : vector<1x16xf32> to vector<16xf32>
        %swap3A_1682 = vector.shape_cast %mul3A_1675 : vector<16xf32> to vector<1x16xf32>
        tpu.vector_store %arg7[%swap3A_1678, %swap3A_1679], %swap3A_1682 {strides = array<i32>} : memref<80x128xf32, #tpu.memory_space<vmem>>, vector<1x16xf32>,
        %add3A_1683 = arith.constant 13 : i32
        %add3A_1684 = arith.addi %mul3A_65, %add3A_1683 : i32
        %get3A_1685 = arith.index_cast %add3A_1684 : i32 to index
        %get3A_1686 = arith.constant 32 : index
        %get3A_1687 = tpu.vector_load %arg7[%get3A_1685, %get3A_1686] {strides = array<i32>} : memref<80x128xf32, #tpu.memory_space<vmem>>, vector<1x16xf32>,
        %get3A_1688 = vector.shape_cast %get3A_1687 : vector<1x16xf32> to vector<16xf32>
        %mul3A_1689 = vector.broadcast %squeeze3A_1652 : f32 to vector<16xf32>
        %mul3A_1690 = arith.mulf %get3A_1688, %mul3A_1689 : vector<16xf32>
        %add3A_1691 = arith.constant 13 : i32
        %add3A_1692 = arith.addi %mul3A_65, %add3A_1691 : i32
        %swap3A_1693 = arith.index_cast %add3A_1692 : i32 to index
        %swap3A_1694 = arith.constant 32 : index
        %swap3A_1695 = tpu.vector_load %arg7[%swap3A_1693, %swap3A_1694] {strides = array<i32>} : memref<80x128xf32, #tpu.memory_space<vmem>>, vector<1x16xf32>,
        %swap3A_1696 = vector.shape_cast %swap3A_1695 : vector<1x16xf32> to vector<16xf32>
        %swap3A_1697 = vector.shape_cast %mul3A_1690 : vector<16xf32> to vector<1x16xf32>
        tpu.vector_store %arg7[%swap3A_1693, %swap3A_1694], %swap3A_1697 {strides = array<i32>} : memref<80x128xf32, #tpu.memory_space<vmem>>, vector<1x16xf32>,
        %add3A_1698 = arith.constant 13 : i32
        %add3A_1699 = arith.addi %mul3A_65, %add3A_1698 : i32
        %get3A_1700 = arith.index_cast %add3A_1699 : i32 to index
        %get3A_1701 = arith.constant 48 : index
        %get3A_1702 = tpu.vector_load %arg7[%get3A_1700, %get3A_1701] {strides = array<i32>} : memref<80x128xf32, #tpu.memory_space<vmem>>, vector<1x16xf32>,
        %get3A_1703 = vector.shape_cast %get3A_1702 : vector<1x16xf32> to vector<16xf32>
        %mul3A_1704 = vector.broadcast %squeeze3A_1652 : f32 to vector<16xf32>
        %mul3A_1705 = arith.mulf %get3A_1703, %mul3A_1704 : vector<16xf32>
        %add3A_1706 = arith.constant 13 : i32
        %add3A_1707 = arith.addi %mul3A_65, %add3A_1706 : i32
        %swap3A_1708 = arith.index_cast %add3A_1707 : i32 to index
        %swap3A_1709 = arith.constant 48 : index
        %swap3A_1710 = tpu.vector_load %arg7[%swap3A_1708, %swap3A_1709] {strides = array<i32>} : memref<80x128xf32, #tpu.memory_space<vmem>>, vector<1x16xf32>,
        %swap3A_1711 = vector.shape_cast %swap3A_1710 : vector<1x16xf32> to vector<16xf32>
        %swap3A_1712 = vector.shape_cast %mul3A_1705 : vector<16xf32> to vector<1x16xf32>
        tpu.vector_store %arg7[%swap3A_1708, %swap3A_1709], %swap3A_1712 {strides = array<i32>} : memref<80x128xf32, #tpu.memory_space<vmem>>, vector<1x16xf32>,
        %add3A_1713 = arith.constant 13 : i32
        %add3A_1714 = arith.addi %mul3A_65, %add3A_1713 : i32
        %get3A_1715 = arith.index_cast %add3A_1714 : i32 to index
        %get3A_1716 = arith.constant 64 : index
        %get3A_1717 = tpu.vector_load %arg7[%get3A_1715, %get3A_1716] {strides = array<i32>} : memref<80x128xf32, #tpu.memory_space<vmem>>, vector<1x16xf32>,
        %get3A_1718 = vector.shape_cast %get3A_1717 : vector<1x16xf32> to vector<16xf32>
        %mul3A_1719 = vector.broadcast %squeeze3A_1652 : f32 to vector<16xf32>
        %mul3A_1720 = arith.mulf %get3A_1718, %mul3A_1719 : vector<16xf32>
        %add3A_1721 = arith.constant 13 : i32
        %add3A_1722 = arith.addi %mul3A_65, %add3A_1721 : i32
        %swap3A_1723 = arith.index_cast %add3A_1722 : i32 to index
        %swap3A_1724 = arith.constant 64 : index
        %swap3A_1725 = tpu.vector_load %arg7[%swap3A_1723, %swap3A_1724] {strides = array<i32>} : memref<80x128xf32, #tpu.memory_space<vmem>>, vector<1x16xf32>,
        %swap3A_1726 = vector.shape_cast %swap3A_1725 : vector<1x16xf32> to vector<16xf32>
        %swap3A_1727 = vector.shape_cast %mul3A_1720 : vector<16xf32> to vector<1x16xf32>
        tpu.vector_store %arg7[%swap3A_1723, %swap3A_1724], %swap3A_1727 {strides = array<i32>} : memref<80x128xf32, #tpu.memory_space<vmem>>, vector<1x16xf32>,
        %add3A_1728 = arith.constant 13 : i32
        %add3A_1729 = arith.addi %mul3A_65, %add3A_1728 : i32
        %get3A_1730 = arith.index_cast %add3A_1729 : i32 to index
        %get3A_1731 = arith.constant 80 : index
        %get3A_1732 = tpu.vector_load %arg7[%get3A_1730, %get3A_1731] {strides = array<i32>} : memref<80x128xf32, #tpu.memory_space<vmem>>, vector<1x16xf32>,
        %get3A_1733 = vector.shape_cast %get3A_1732 : vector<1x16xf32> to vector<16xf32>
        %mul3A_1734 = vector.broadcast %squeeze3A_1652 : f32 to vector<16xf32>
        %mul3A_1735 = arith.mulf %get3A_1733, %mul3A_1734 : vector<16xf32>
        %add3A_1736 = arith.constant 13 : i32
        %add3A_1737 = arith.addi %mul3A_65, %add3A_1736 : i32
        %swap3A_1738 = arith.index_cast %add3A_1737 : i32 to index
        %swap3A_1739 = arith.constant 80 : index
        %swap3A_1740 = tpu.vector_load %arg7[%swap3A_1738, %swap3A_1739] {strides = array<i32>} : memref<80x128xf32, #tpu.memory_space<vmem>>, vector<1x16xf32>,
        %swap3A_1741 = vector.shape_cast %swap3A_1740 : vector<1x16xf32> to vector<16xf32>
        %swap3A_1742 = vector.shape_cast %mul3A_1735 : vector<16xf32> to vector<1x16xf32>
        tpu.vector_store %arg7[%swap3A_1738, %swap3A_1739], %swap3A_1742 {strides = array<i32>} : memref<80x128xf32, #tpu.memory_space<vmem>>, vector<1x16xf32>,
        %add3A_1743 = arith.constant 13 : i32
        %add3A_1744 = arith.addi %mul3A_65, %add3A_1743 : i32
        %get3A_1745 = arith.index_cast %add3A_1744 : i32 to index
        %get3A_1746 = arith.constant 96 : index
        %get3A_1747 = tpu.vector_load %arg7[%get3A_1745, %get3A_1746] {strides = array<i32>} : memref<80x128xf32, #tpu.memory_space<vmem>>, vector<1x16xf32>,
        %get3A_1748 = vector.shape_cast %get3A_1747 : vector<1x16xf32> to vector<16xf32>
        %mul3A_1749 = vector.broadcast %squeeze3A_1652 : f32 to vector<16xf32>
        %mul3A_1750 = arith.mulf %get3A_1748, %mul3A_1749 : vector<16xf32>
        %add3A_1751 = arith.constant 13 : i32
        %add3A_1752 = arith.addi %mul3A_65, %add3A_1751 : i32
        %swap3A_1753 = arith.index_cast %add3A_1752 : i32 to index
        %swap3A_1754 = arith.constant 96 : index
        %swap3A_1755 = tpu.vector_load %arg7[%swap3A_1753, %swap3A_1754] {strides = array<i32>} : memref<80x128xf32, #tpu.memory_space<vmem>>, vector<1x16xf32>,
        %swap3A_1756 = vector.shape_cast %swap3A_1755 : vector<1x16xf32> to vector<16xf32>
        %swap3A_1757 = vector.shape_cast %mul3A_1750 : vector<16xf32> to vector<1x16xf32>
        tpu.vector_store %arg7[%swap3A_1753, %swap3A_1754], %swap3A_1757 {strides = array<i32>} : memref<80x128xf32, #tpu.memory_space<vmem>>, vector<1x16xf32>,
        %add3A_1758 = arith.constant 13 : i32
        %add3A_1759 = arith.addi %mul3A_65, %add3A_1758 : i32
        %get3A_1760 = arith.index_cast %add3A_1759 : i32 to index
        %get3A_1761 = arith.constant 112 : index
        %get3A_1762 = tpu.vector_load %arg7[%get3A_1760, %get3A_1761] {strides = array<i32>} : memref<80x128xf32, #tpu.memory_space<vmem>>, vector<1x16xf32>,
        %get3A_1763 = vector.shape_cast %get3A_1762 : vector<1x16xf32> to vector<16xf32>
        %mul3A_1764 = vector.broadcast %squeeze3A_1652 : f32 to vector<16xf32>
        %mul3A_1765 = arith.mulf %get3A_1763, %mul3A_1764 : vector<16xf32>
        %add3A_1766 = arith.constant 13 : i32
        %add3A_1767 = arith.addi %mul3A_65, %add3A_1766 : i32
        %swap3A_1768 = arith.index_cast %add3A_1767 : i32 to index
        %swap3A_1769 = arith.constant 112 : index
        %swap3A_1770 = tpu.vector_load %arg7[%swap3A_1768, %swap3A_1769] {strides = array<i32>} : memref<80x128xf32, #tpu.memory_space<vmem>>, vector<1x16xf32>,
        %swap3A_1771 = vector.shape_cast %swap3A_1770 : vector<1x16xf32> to vector<16xf32>
        %swap3A_1772 = vector.shape_cast %mul3A_1765 : vector<16xf32> to vector<1x16xf32>
        tpu.vector_store %arg7[%swap3A_1768, %swap3A_1769], %swap3A_1772 {strides = array<i32>} : memref<80x128xf32, #tpu.memory_space<vmem>>, vector<1x16xf32>,
        %slice3A_1773 = vector.extract_strided_slice %get3A_67 {offsets = [14], sizes = [1], strides = [1]} : vector<16xf32> to vector<1xf32>
        %squeeze3A_1774 = vector.extract %slice3A_1773[0] : f32 from vector<1xf32>
        %add3A_1775 = arith.constant 14 : i32
        %add3A_1776 = arith.addi %mul3A_65, %add3A_1775 : i32
        %get3A_1777 = arith.index_cast %add3A_1776 : i32 to index
        %get3A_1778 = arith.constant 0 : index
        %get3A_1779 = tpu.vector_load %arg7[%get3A_1777, %get3A_1778] {strides = array<i32>} : memref<80x128xf32, #tpu.memory_space<vmem>>, vector<1x16xf32>,
        %get3A_1780 = vector.shape_cast %get3A_1779 : vector<1x16xf32> to vector<16xf32>
        %mul3A_1781 = vector.broadcast %squeeze3A_1774 : f32 to vector<16xf32>
        %mul3A_1782 = arith.mulf %get3A_1780, %mul3A_1781 : vector<16xf32>
        %add3A_1783 = arith.constant 14 : i32
        %add3A_1784 = arith.addi %mul3A_65, %add3A_1783 : i32
        %swap3A_1785 = arith.index_cast %add3A_1784 : i32 to index
        %swap3A_1786 = arith.constant 0 : index
        %swap3A_1787 = tpu.vector_load %arg7[%swap3A_1785, %swap3A_1786] {strides = array<i32>} : memref<80x128xf32, #tpu.memory_space<vmem>>, vector<1x16xf32>,
        %swap3A_1788 = vector.shape_cast %swap3A_1787 : vector<1x16xf32> to vector<16xf32>
        %swap3A_1789 = vector.shape_cast %mul3A_1782 : vector<16xf32> to vector<1x16xf32>
        tpu.vector_store %arg7[%swap3A_1785, %swap3A_1786], %swap3A_1789 {strides = array<i32>} : memref<80x128xf32, #tpu.memory_space<vmem>>, vector<1x16xf32>,
        %add3A_1790 = arith.constant 14 : i32
        %add3A_1791 = arith.addi %mul3A_65, %add3A_1790 : i32
        %get3A_1792 = arith.index_cast %add3A_1791 : i32 to index
        %get3A_1793 = arith.constant 16 : index
        %get3A_1794 = tpu.vector_load %arg7[%get3A_1792, %get3A_1793] {strides = array<i32>} : memref<80x128xf32, #tpu.memory_space<vmem>>, vector<1x16xf32>,
        %get3A_1795 = vector.shape_cast %get3A_1794 : vector<1x16xf32> to vector<16xf32>
        %mul3A_1796 = vector.broadcast %squeeze3A_1774 : f32 to vector<16xf32>
        %mul3A_1797 = arith.mulf %get3A_1795, %mul3A_1796 : vector<16xf32>
        %add3A_1798 = arith.constant 14 : i32
        %add3A_1799 = arith.addi %mul3A_65, %add3A_1798 : i32
        %swap3A_1800 = arith.index_cast %add3A_1799 : i32 to index
        %swap3A_1801 = arith.constant 16 : index
        %swap3A_1802 = tpu.vector_load %arg7[%swap3A_1800, %swap3A_1801] {strides = array<i32>} : memref<80x128xf32, #tpu.memory_space<vmem>>, vector<1x16xf32>,
        %swap3A_1803 = vector.shape_cast %swap3A_1802 : vector<1x16xf32> to vector<16xf32>
        %swap3A_1804 = vector.shape_cast %mul3A_1797 : vector<16xf32> to vector<1x16xf32>
        tpu.vector_store %arg7[%swap3A_1800, %swap3A_1801], %swap3A_1804 {strides = array<i32>} : memref<80x128xf32, #tpu.memory_space<vmem>>, vector<1x16xf32>,
        %add3A_1805 = arith.constant 14 : i32
        %add3A_1806 = arith.addi %mul3A_65, %add3A_1805 : i32
        %get3A_1807 = arith.index_cast %add3A_1806 : i32 to index
        %get3A_1808 = arith.constant 32 : index
        %get3A_1809 = tpu.vector_load %arg7[%get3A_1807, %get3A_1808] {strides = array<i32>} : memref<80x128xf32, #tpu.memory_space<vmem>>, vector<1x16xf32>,
        %get3A_1810 = vector.shape_cast %get3A_1809 : vector<1x16xf32> to vector<16xf32>
        %mul3A_1811 = vector.broadcast %squeeze3A_1774 : f32 to vector<16xf32>
        %mul3A_1812 = arith.mulf %get3A_1810, %mul3A_1811 : vector<16xf32>
        %add3A_1813 = arith.constant 14 : i32
        %add3A_1814 = arith.addi %mul3A_65, %add3A_1813 : i32
        %swap3A_1815 = arith.index_cast %add3A_1814 : i32 to index
        %swap3A_1816 = arith.constant 32 : index
        %swap3A_1817 = tpu.vector_load %arg7[%swap3A_1815, %swap3A_1816] {strides = array<i32>} : memref<80x128xf32, #tpu.memory_space<vmem>>, vector<1x16xf32>,
        %swap3A_1818 = vector.shape_cast %swap3A_1817 : vector<1x16xf32> to vector<16xf32>
        %swap3A_1819 = vector.shape_cast %mul3A_1812 : vector<16xf32> to vector<1x16xf32>
        tpu.vector_store %arg7[%swap3A_1815, %swap3A_1816], %swap3A_1819 {strides = array<i32>} : memref<80x128xf32, #tpu.memory_space<vmem>>, vector<1x16xf32>,
        %add3A_1820 = arith.constant 14 : i32
        %add3A_1821 = arith.addi %mul3A_65, %add3A_1820 : i32
        %get3A_1822 = arith.index_cast %add3A_1821 : i32 to index
        %get3A_1823 = arith.constant 48 : index
        %get3A_1824 = tpu.vector_load %arg7[%get3A_1822, %get3A_1823] {strides = array<i32>} : memref<80x128xf32, #tpu.memory_space<vmem>>, vector<1x16xf32>,
        %get3A_1825 = vector.shape_cast %get3A_1824 : vector<1x16xf32> to vector<16xf32>
        %mul3A_1826 = vector.broadcast %squeeze3A_1774 : f32 to vector<16xf32>
        %mul3A_1827 = arith.mulf %get3A_1825, %mul3A_1826 : vector<16xf32>
        %add3A_1828 = arith.constant 14 : i32
        %add3A_1829 = arith.addi %mul3A_65, %add3A_1828 : i32
        %swap3A_1830 = arith.index_cast %add3A_1829 : i32 to index
        %swap3A_1831 = arith.constant 48 : index
        %swap3A_1832 = tpu.vector_load %arg7[%swap3A_1830, %swap3A_1831] {strides = array<i32>} : memref<80x128xf32, #tpu.memory_space<vmem>>, vector<1x16xf32>,
        %swap3A_1833 = vector.shape_cast %swap3A_1832 : vector<1x16xf32> to vector<16xf32>
        %swap3A_1834 = vector.shape_cast %mul3A_1827 : vector<16xf32> to vector<1x16xf32>
        tpu.vector_store %arg7[%swap3A_1830, %swap3A_1831], %swap3A_1834 {strides = array<i32>} : memref<80x128xf32, #tpu.memory_space<vmem>>, vector<1x16xf32>,
        %add3A_1835 = arith.constant 14 : i32
        %add3A_1836 = arith.addi %mul3A_65, %add3A_1835 : i32
        %get3A_1837 = arith.index_cast %add3A_1836 : i32 to index
        %get3A_1838 = arith.constant 64 : index
        %get3A_1839 = tpu.vector_load %arg7[%get3A_1837, %get3A_1838] {strides = array<i32>} : memref<80x128xf32, #tpu.memory_space<vmem>>, vector<1x16xf32>,
        %get3A_1840 = vector.shape_cast %get3A_1839 : vector<1x16xf32> to vector<16xf32>
        %mul3A_1841 = vector.broadcast %squeeze3A_1774 : f32 to vector<16xf32>
        %mul3A_1842 = arith.mulf %get3A_1840, %mul3A_1841 : vector<16xf32>
        %add3A_1843 = arith.constant 14 : i32
        %add3A_1844 = arith.addi %mul3A_65, %add3A_1843 : i32
        %swap3A_1845 = arith.index_cast %add3A_1844 : i32 to index
        %swap3A_1846 = arith.constant 64 : index
        %swap3A_1847 = tpu.vector_load %arg7[%swap3A_1845, %swap3A_1846] {strides = array<i32>} : memref<80x128xf32, #tpu.memory_space<vmem>>, vector<1x16xf32>,
        %swap3A_1848 = vector.shape_cast %swap3A_1847 : vector<1x16xf32> to vector<16xf32>
        %swap3A_1849 = vector.shape_cast %mul3A_1842 : vector<16xf32> to vector<1x16xf32>
        tpu.vector_store %arg7[%swap3A_1845, %swap3A_1846], %swap3A_1849 {strides = array<i32>} : memref<80x128xf32, #tpu.memory_space<vmem>>, vector<1x16xf32>,
        %add3A_1850 = arith.constant 14 : i32
        %add3A_1851 = arith.addi %mul3A_65, %add3A_1850 : i32
        %get3A_1852 = arith.index_cast %add3A_1851 : i32 to index
        %get3A_1853 = arith.constant 80 : index
        %get3A_1854 = tpu.vector_load %arg7[%get3A_1852, %get3A_1853] {strides = array<i32>} : memref<80x128xf32, #tpu.memory_space<vmem>>, vector<1x16xf32>,
        %get3A_1855 = vector.shape_cast %get3A_1854 : vector<1x16xf32> to vector<16xf32>
        %mul3A_1856 = vector.broadcast %squeeze3A_1774 : f32 to vector<16xf32>
        %mul3A_1857 = arith.mulf %get3A_1855, %mul3A_1856 : vector<16xf32>
        %add3A_1858 = arith.constant 14 : i32
        %add3A_1859 = arith.addi %mul3A_65, %add3A_1858 : i32
        %swap3A_1860 = arith.index_cast %add3A_1859 : i32 to index
        %swap3A_1861 = arith.constant 80 : index
        %swap3A_1862 = tpu.vector_load %arg7[%swap3A_1860, %swap3A_1861] {strides = array<i32>} : memref<80x128xf32, #tpu.memory_space<vmem>>, vector<1x16xf32>,
        %swap3A_1863 = vector.shape_cast %swap3A_1862 : vector<1x16xf32> to vector<16xf32>
        %swap3A_1864 = vector.shape_cast %mul3A_1857 : vector<16xf32> to vector<1x16xf32>
        tpu.vector_store %arg7[%swap3A_1860, %swap3A_1861], %swap3A_1864 {strides = array<i32>} : memref<80x128xf32, #tpu.memory_space<vmem>>, vector<1x16xf32>,
        %add3A_1865 = arith.constant 14 : i32
        %add3A_1866 = arith.addi %mul3A_65, %add3A_1865 : i32
        %get3A_1867 = arith.index_cast %add3A_1866 : i32 to index
        %get3A_1868 = arith.constant 96 : index
        %get3A_1869 = tpu.vector_load %arg7[%get3A_1867, %get3A_1868] {strides = array<i32>} : memref<80x128xf32, #tpu.memory_space<vmem>>, vector<1x16xf32>,
        %get3A_1870 = vector.shape_cast %get3A_1869 : vector<1x16xf32> to vector<16xf32>
        %mul3A_1871 = vector.broadcast %squeeze3A_1774 : f32 to vector<16xf32>
        %mul3A_1872 = arith.mulf %get3A_1870, %mul3A_1871 : vector<16xf32>
        %add3A_1873 = arith.constant 14 : i32
        %add3A_1874 = arith.addi %mul3A_65, %add3A_1873 : i32
        %swap3A_1875 = arith.index_cast %add3A_1874 : i32 to index
        %swap3A_1876 = arith.constant 96 : index
        %swap3A_1877 = tpu.vector_load %arg7[%swap3A_1875, %swap3A_1876] {strides = array<i32>} : memref<80x128xf32, #tpu.memory_space<vmem>>, vector<1x16xf32>,
        %swap3A_1878 = vector.shape_cast %swap3A_1877 : vector<1x16xf32> to vector<16xf32>
        %swap3A_1879 = vector.shape_cast %mul3A_1872 : vector<16xf32> to vector<1x16xf32>
        tpu.vector_store %arg7[%swap3A_1875, %swap3A_1876], %swap3A_1879 {strides = array<i32>} : memref<80x128xf32, #tpu.memory_space<vmem>>, vector<1x16xf32>,
        %add3A_1880 = arith.constant 14 : i32
        %add3A_1881 = arith.addi %mul3A_65, %add3A_1880 : i32
        %get3A_1882 = arith.index_cast %add3A_1881 : i32 to index
        %get3A_1883 = arith.constant 112 : index
        %get3A_1884 = tpu.vector_load %arg7[%get3A_1882, %get3A_1883] {strides = array<i32>} : memref<80x128xf32, #tpu.memory_space<vmem>>, vector<1x16xf32>,
        %get3A_1885 = vector.shape_cast %get3A_1884 : vector<1x16xf32> to vector<16xf32>
        %mul3A_1886 = vector.broadcast %squeeze3A_1774 : f32 to vector<16xf32>
        %mul3A_1887 = arith.mulf %get3A_1885, %mul3A_1886 : vector<16xf32>
        %add3A_1888 = arith.constant 14 : i32
        %add3A_1889 = arith.addi %mul3A_65, %add3A_1888 : i32
        %swap3A_1890 = arith.index_cast %add3A_1889 : i32 to index
        %swap3A_1891 = arith.constant 112 : index
        %swap3A_1892 = tpu.vector_load %arg7[%swap3A_1890, %swap3A_1891] {strides = array<i32>} : memref<80x128xf32, #tpu.memory_space<vmem>>, vector<1x16xf32>,
        %swap3A_1893 = vector.shape_cast %swap3A_1892 : vector<1x16xf32> to vector<16xf32>
        %swap3A_1894 = vector.shape_cast %mul3A_1887 : vector<16xf32> to vector<1x16xf32>
        tpu.vector_store %arg7[%swap3A_1890, %swap3A_1891], %swap3A_1894 {strides = array<i32>} : memref<80x128xf32, #tpu.memory_space<vmem>>, vector<1x16xf32>,
        %slice3A_1895 = vector.extract_strided_slice %get3A_67 {offsets = [15], sizes = [1], strides = [1]} : vector<16xf32> to vector<1xf32>
        %squeeze3A_1896 = vector.extract %slice3A_1895[0] : f32 from vector<1xf32>
        %add3A_1897 = arith.constant 15 : i32
        %add3A_1898 = arith.addi %mul3A_65, %add3A_1897 : i32
        %get3A_1899 = arith.index_cast %add3A_1898 : i32 to index
        %get3A_1900 = arith.constant 0 : index
        %get3A_1901 = tpu.vector_load %arg7[%get3A_1899, %get3A_1900] {strides = array<i32>} : memref<80x128xf32, #tpu.memory_space<vmem>>, vector<1x16xf32>,
        %get3A_1902 = vector.shape_cast %get3A_1901 : vector<1x16xf32> to vector<16xf32>
        %mul3A_1903 = vector.broadcast %squeeze3A_1896 : f32 to vector<16xf32>
        %mul3A_1904 = arith.mulf %get3A_1902, %mul3A_1903 : vector<16xf32>
        %add3A_1905 = arith.constant 15 : i32
        %add3A_1906 = arith.addi %mul3A_65, %add3A_1905 : i32
        %swap3A_1907 = arith.index_cast %add3A_1906 : i32 to index
        %swap3A_1908 = arith.constant 0 : index
        %swap3A_1909 = tpu.vector_load %arg7[%swap3A_1907, %swap3A_1908] {strides = array<i32>} : memref<80x128xf32, #tpu.memory_space<vmem>>, vector<1x16xf32>,
        %swap3A_1910 = vector.shape_cast %swap3A_1909 : vector<1x16xf32> to vector<16xf32>
        %swap3A_1911 = vector.shape_cast %mul3A_1904 : vector<16xf32> to vector<1x16xf32>
        tpu.vector_store %arg7[%swap3A_1907, %swap3A_1908], %swap3A_1911 {strides = array<i32>} : memref<80x128xf32, #tpu.memory_space<vmem>>, vector<1x16xf32>,
        %add3A_1912 = arith.constant 15 : i32
        %add3A_1913 = arith.addi %mul3A_65, %add3A_1912 : i32
        %get3A_1914 = arith.index_cast %add3A_1913 : i32 to index
        %get3A_1915 = arith.constant 16 : index
        %get3A_1916 = tpu.vector_load %arg7[%get3A_1914, %get3A_1915] {strides = array<i32>} : memref<80x128xf32, #tpu.memory_space<vmem>>, vector<1x16xf32>,
        %get3A_1917 = vector.shape_cast %get3A_1916 : vector<1x16xf32> to vector<16xf32>
        %mul3A_1918 = vector.broadcast %squeeze3A_1896 : f32 to vector<16xf32>
        %mul3A_1919 = arith.mulf %get3A_1917, %mul3A_1918 : vector<16xf32>
        %add3A_1920 = arith.constant 15 : i32
        %add3A_1921 = arith.addi %mul3A_65, %add3A_1920 : i32
        %swap3A_1922 = arith.index_cast %add3A_1921 : i32 to index
        %swap3A_1923 = arith.constant 16 : index
        %swap3A_1924 = tpu.vector_load %arg7[%swap3A_1922, %swap3A_1923] {strides = array<i32>} : memref<80x128xf32, #tpu.memory_space<vmem>>, vector<1x16xf32>,
        %swap3A_1925 = vector.shape_cast %swap3A_1924 : vector<1x16xf32> to vector<16xf32>
        %swap3A_1926 = vector.shape_cast %mul3A_1919 : vector<16xf32> to vector<1x16xf32>
        tpu.vector_store %arg7[%swap3A_1922, %swap3A_1923], %swap3A_1926 {strides = array<i32>} : memref<80x128xf32, #tpu.memory_space<vmem>>, vector<1x16xf32>,
        %add3A_1927 = arith.constant 15 : i32
        %add3A_1928 = arith.addi %mul3A_65, %add3A_1927 : i32
        %get3A_1929 = arith.index_cast %add3A_1928 : i32 to index
        %get3A_1930 = arith.constant 32 : index
        %get3A_1931 = tpu.vector_load %arg7[%get3A_1929, %get3A_1930] {strides = array<i32>} : memref<80x128xf32, #tpu.memory_space<vmem>>, vector<1x16xf32>,
        %get3A_1932 = vector.shape_cast %get3A_1931 : vector<1x16xf32> to vector<16xf32>
        %mul3A_1933 = vector.broadcast %squeeze3A_1896 : f32 to vector<16xf32>
        %mul3A_1934 = arith.mulf %get3A_1932, %mul3A_1933 : vector<16xf32>
        %add3A_1935 = arith.constant 15 : i32
        %add3A_1936 = arith.addi %mul3A_65, %add3A_1935 : i32
        %swap3A_1937 = arith.index_cast %add3A_1936 : i32 to index
        %swap3A_1938 = arith.constant 32 : index
        %swap3A_1939 = tpu.vector_load %arg7[%swap3A_1937, %swap3A_1938] {strides = array<i32>} : memref<80x128xf32, #tpu.memory_space<vmem>>, vector<1x16xf32>,
        %swap3A_1940 = vector.shape_cast %swap3A_1939 : vector<1x16xf32> to vector<16xf32>
        %swap3A_1941 = vector.shape_cast %mul3A_1934 : vector<16xf32> to vector<1x16xf32>
        tpu.vector_store %arg7[%swap3A_1937, %swap3A_1938], %swap3A_1941 {strides = array<i32>} : memref<80x128xf32, #tpu.memory_space<vmem>>, vector<1x16xf32>,
        %add3A_1942 = arith.constant 15 : i32
        %add3A_1943 = arith.addi %mul3A_65, %add3A_1942 : i32
        %get3A_1944 = arith.index_cast %add3A_1943 : i32 to index
        %get3A_1945 = arith.constant 48 : index
        %get3A_1946 = tpu.vector_load %arg7[%get3A_1944, %get3A_1945] {strides = array<i32>} : memref<80x128xf32, #tpu.memory_space<vmem>>, vector<1x16xf32>,
        %get3A_1947 = vector.shape_cast %get3A_1946 : vector<1x16xf32> to vector<16xf32>
        %mul3A_1948 = vector.broadcast %squeeze3A_1896 : f32 to vector<16xf32>
        %mul3A_1949 = arith.mulf %get3A_1947, %mul3A_1948 : vector<16xf32>
        %add3A_1950 = arith.constant 15 : i32
        %add3A_1951 = arith.addi %mul3A_65, %add3A_1950 : i32
        %swap3A_1952 = arith.index_cast %add3A_1951 : i32 to index
        %swap3A_1953 = arith.constant 48 : index
        %swap3A_1954 = tpu.vector_load %arg7[%swap3A_1952, %swap3A_1953] {strides = array<i32>} : memref<80x128xf32, #tpu.memory_space<vmem>>, vector<1x16xf32>,
        %swap3A_1955 = vector.shape_cast %swap3A_1954 : vector<1x16xf32> to vector<16xf32>
        %swap3A_1956 = vector.shape_cast %mul3A_1949 : vector<16xf32> to vector<1x16xf32>
        tpu.vector_store %arg7[%swap3A_1952, %swap3A_1953], %swap3A_1956 {strides = array<i32>} : memref<80x128xf32, #tpu.memory_space<vmem>>, vector<1x16xf32>,
        %add3A_1957 = arith.constant 15 : i32
        %add3A_1958 = arith.addi %mul3A_65, %add3A_1957 : i32
        %get3A_1959 = arith.index_cast %add3A_1958 : i32 to index
        %get3A_1960 = arith.constant 64 : index
        %get3A_1961 = tpu.vector_load %arg7[%get3A_1959, %get3A_1960] {strides = array<i32>} : memref<80x128xf32, #tpu.memory_space<vmem>>, vector<1x16xf32>,
        %get3A_1962 = vector.shape_cast %get3A_1961 : vector<1x16xf32> to vector<16xf32>
        %mul3A_1963 = vector.broadcast %squeeze3A_1896 : f32 to vector<16xf32>
        %mul3A_1964 = arith.mulf %get3A_1962, %mul3A_1963 : vector<16xf32>
        %add3A_1965 = arith.constant 15 : i32
        %add3A_1966 = arith.addi %mul3A_65, %add3A_1965 : i32
        %swap3A_1967 = arith.index_cast %add3A_1966 : i32 to index
        %swap3A_1968 = arith.constant 64 : index
        %swap3A_1969 = tpu.vector_load %arg7[%swap3A_1967, %swap3A_1968] {strides = array<i32>} : memref<80x128xf32, #tpu.memory_space<vmem>>, vector<1x16xf32>,
        %swap3A_1970 = vector.shape_cast %swap3A_1969 : vector<1x16xf32> to vector<16xf32>
        %swap3A_1971 = vector.shape_cast %mul3A_1964 : vector<16xf32> to vector<1x16xf32>
        tpu.vector_store %arg7[%swap3A_1967, %swap3A_1968], %swap3A_1971 {strides = array<i32>} : memref<80x128xf32, #tpu.memory_space<vmem>>, vector<1x16xf32>,
        %add3A_1972 = arith.constant 15 : i32
        %add3A_1973 = arith.addi %mul3A_65, %add3A_1972 : i32
        %get3A_1974 = arith.index_cast %add3A_1973 : i32 to index
        %get3A_1975 = arith.constant 80 : index
        %get3A_1976 = tpu.vector_load %arg7[%get3A_1974, %get3A_1975] {strides = array<i32>} : memref<80x128xf32, #tpu.memory_space<vmem>>, vector<1x16xf32>,
        %get3A_1977 = vector.shape_cast %get3A_1976 : vector<1x16xf32> to vector<16xf32>
        %mul3A_1978 = vector.broadcast %squeeze3A_1896 : f32 to vector<16xf32>
        %mul3A_1979 = arith.mulf %get3A_1977, %mul3A_1978 : vector<16xf32>
        %add3A_1980 = arith.constant 15 : i32
        %add3A_1981 = arith.addi %mul3A_65, %add3A_1980 : i32
        %swap3A_1982 = arith.index_cast %add3A_1981 : i32 to index
        %swap3A_1983 = arith.constant 80 : index
        %swap3A_1984 = tpu.vector_load %arg7[%swap3A_1982, %swap3A_1983] {strides = array<i32>} : memref<80x128xf32, #tpu.memory_space<vmem>>, vector<1x16xf32>,
        %swap3A_1985 = vector.shape_cast %swap3A_1984 : vector<1x16xf32> to vector<16xf32>
        %swap3A_1986 = vector.shape_cast %mul3A_1979 : vector<16xf32> to vector<1x16xf32>
        tpu.vector_store %arg7[%swap3A_1982, %swap3A_1983], %swap3A_1986 {strides = array<i32>} : memref<80x128xf32, #tpu.memory_space<vmem>>, vector<1x16xf32>,
        %add3A_1987 = arith.constant 15 : i32
        %add3A_1988 = arith.addi %mul3A_65, %add3A_1987 : i32
        %get3A_1989 = arith.index_cast %add3A_1988 : i32 to index
        %get3A_1990 = arith.constant 96 : index
        %get3A_1991 = tpu.vector_load %arg7[%get3A_1989, %get3A_1990] {strides = array<i32>} : memref<80x128xf32, #tpu.memory_space<vmem>>, vector<1x16xf32>,
        %get3A_1992 = vector.shape_cast %get3A_1991 : vector<1x16xf32> to vector<16xf32>
        %mul3A_1993 = vector.broadcast %squeeze3A_1896 : f32 to vector<16xf32>
        %mul3A_1994 = arith.mulf %get3A_1992, %mul3A_1993 : vector<16xf32>
        %add3A_1995 = arith.constant 15 : i32
        %add3A_1996 = arith.addi %mul3A_65, %add3A_1995 : i32
        %swap3A_1997 = arith.index_cast %add3A_1996 : i32 to index
        %swap3A_1998 = arith.constant 96 : index
        %swap3A_1999 = tpu.vector_load %arg7[%swap3A_1997, %swap3A_1998] {strides = array<i32>} : memref<80x128xf32, #tpu.memory_space<vmem>>, vector<1x16xf32>,
        %swap3A_2000 = vector.shape_cast %swap3A_1999 : vector<1x16xf32> to vector<16xf32>
        %swap3A_2001 = vector.shape_cast %mul3A_1994 : vector<16xf32> to vector<1x16xf32>
        tpu.vector_store %arg7[%swap3A_1997, %swap3A_1998], %swap3A_2001 {strides = array<i32>} : memref<80x128xf32, #tpu.memory_space<vmem>>, vector<1x16xf32>,
        %add3A_2002 = arith.constant 15 : i32
        %add3A_2003 = arith.addi %mul3A_65, %add3A_2002 : i32
        %get3A_2004 = arith.index_cast %add3A_2003 : i32 to index
        %get3A_2005 = arith.constant 112 : index
        %get3A_2006 = tpu.vector_load %arg7[%get3A_2004, %get3A_2005] {strides = array<i32>} : memref<80x128xf32, #tpu.memory_space<vmem>>, vector<1x16xf32>,
        %get3A_2007 = vector.shape_cast %get3A_2006 : vector<1x16xf32> to vector<16xf32>
        %mul3A_2008 = vector.broadcast %squeeze3A_1896 : f32 to vector<16xf32>
        %mul3A_2009 = arith.mulf %get3A_2007, %mul3A_2008 : vector<16xf32>
        %add3A_2010 = arith.constant 15 : i32
        %add3A_2011 = arith.addi %mul3A_65, %add3A_2010 : i32
        %swap3A_2012 = arith.index_cast %add3A_2011 : i32 to index
        %swap3A_2013 = arith.constant 112 : index
        %swap3A_2014 = tpu.vector_load %arg7[%swap3A_2012, %swap3A_2013] {strides = array<i32>} : memref<80x128xf32, #tpu.memory_space<vmem>>, vector<1x16xf32>,
        %swap3A_2015 = vector.shape_cast %swap3A_2014 : vector<1x16xf32> to vector<16xf32>
        %swap3A_2016 = vector.shape_cast %mul3A_2009 : vector<16xf32> to vector<1x16xf32>
        tpu.vector_store %arg7[%swap3A_2012, %swap3A_2013], %swap3A_2016 {strides = array<i32>} : memref<80x128xf32, #tpu.memory_space<vmem>>, vector<1x16xf32>,
      }
      %scan3A_62 = arith.constant 5 : i32
      "tpu.region"() ({
        %run_scoped3A = tpu.sem_alloc : memref<!tpu.dma_semaphore, #tpu.memory_space<semaphore_mem>>
        %dma_start3A_63 = arith.constant 0 : i32
        %dma_start3A_64 = arith.constant 0 : i32
        %dma_start3A_65 = tpu.memref_slice %arg11[%dma_start3A_63, %dma_start3A_64] : memref<10240x128xf32, #tpu.memory_space<vmem_shared>> -> memref<10240x128xf32, #tpu.memory_space<vmem_shared>>
        tpu.enqueue_indirect_dma source(%arg7 : memref<80x128xf32, #tpu.memory_space<vmem>>) target(%dma_start3A_65 : memref<10240x128xf32, #tpu.memory_space<vmem_shared>>) offsets(%arg9 : memref<80xi32, #tpu.memory_space<vmem>>) semaphore(%run_scoped3A : memref<!tpu.dma_semaphore, #tpu.memory_space<semaphore_mem>>) {add = true}
        %dma_wait3A_66 = arith.constant 0 : i32
        %dma_wait3A_67 = arith.constant 0 : i32
        %dma_wait3A_68 = tpu.memref_slice %arg11[%dma_wait3A_66, %dma_wait3A_67] : memref<10240x128xf32, #tpu.memory_space<vmem_shared>> -> memref<10240x128xf32, #tpu.memory_space<vmem_shared>>
        tpu.wait_indirect_dma semaphore(%run_scoped3A : memref<!tpu.dma_semaphore, #tpu.memory_space<semaphore_mem>>) src(%arg7 : memref<80x128xf32, #tpu.memory_space<vmem>>) dst(%dma_wait3A_68 : memref<10240x128xf32, #tpu.memory_space<vmem_shared>>)
        tpu.yield
      }) : () -> ()
    }
    %scan3A_29 = arith.constant 125 : i32
    %barrier3A_30 = arith.constant 0 : index
    tpu.barrier barrier_id(%barrier3A_30)
    %add3A_31 = arith.constant 0 : i32
    %add3A_32 = arith.addi %mul3A_7, %add3A_31 : i32
    "tpu.region"() ({
      %run_scoped3A = tpu.sem_alloc : memref<!tpu.dma_semaphore, #tpu.memory_space<semaphore_mem>>
      %dma_start3A = arith.constant 0 : i32
      %dma_start3A_47 = tpu.memref_slice %arg6[%arg0, %add3A_32, %dma_start3A] : memref<2x10240x128xf32, #tpu.memory_space<hbm>> -> memref<1x80x128xf32, #tpu.memory_space<hbm>>
      %dma_start3A_48 = tpu.memref_squeeze %dma_start3A_47 : memref<1x80x128xf32, #tpu.memory_space<hbm>> -> memref<80x128xf32, #tpu.memory_space<hbm>>
      %dma_start3A_49 = arith.constant 0 : i32
      %dma_start3A_50 = tpu.memref_slice %arg11[%add3A_32, %dma_start3A_49] : memref<10240x128xf32, #tpu.memory_space<vmem_shared>> -> memref<80x128xf32, #tpu.memory_space<vmem_shared>>
      tpu.enqueue_dma source(%dma_start3A_50 : memref<80x128xf32, #tpu.memory_space<vmem_shared>>) target(%dma_start3A_48 : memref<80x128xf32, #tpu.memory_space<hbm>>) target_semaphore(%run_scoped3A : memref<!tpu.dma_semaphore, #tpu.memory_space<semaphore_mem>>)
      %dma_wait3A = arith.constant 0 : i32
      %dma_wait3A_51 = tpu.memref_slice %arg6[%arg0, %add3A_32, %dma_wait3A] : memref<2x10240x128xf32, #tpu.memory_space<hbm>> -> memref<1x80x128xf32, #tpu.memory_space<hbm>>
      %dma_wait3A_52 = tpu.memref_squeeze %dma_wait3A_51 : memref<1x80x128xf32, #tpu.memory_space<hbm>> -> memref<80x128xf32, #tpu.memory_space<hbm>>
      %dma_wait3A_53 = arith.constant 0 : i32
      %dma_wait3A_54 = tpu.memref_slice %arg11[%add3A_32, %dma_wait3A_53] : memref<10240x128xf32, #tpu.memory_space<vmem_shared>> -> memref<80x128xf32, #tpu.memory_space<vmem_shared>>
      tpu.wait_dma2 semaphore(%run_scoped3A : memref<!tpu.dma_semaphore, #tpu.memory_space<semaphore_mem>>) src(%dma_wait3A_54 : memref<80x128xf32, #tpu.memory_space<vmem_shared>>) dst(%dma_wait3A_52 : memref<80x128xf32, #tpu.memory_space<hbm>>)
      tpu.yield
    }) : () -> ()
    %add3A_33 = arith.constant 80 : i32
    %add3A_34 = arith.addi %mul3A_7, %add3A_33 : i32
    "tpu.region"() ({
      %run_scoped3A = tpu.sem_alloc : memref<!tpu.dma_semaphore, #tpu.memory_space<semaphore_mem>>
      %dma_start3A = arith.constant 0 : i32
      %dma_start3A_47 = tpu.memref_slice %arg6[%arg0, %add3A_34, %dma_start3A] : memref<2x10240x128xf32, #tpu.memory_space<hbm>> -> memref<1x80x128xf32, #tpu.memory_space<hbm>>
      %dma_start3A_48 = tpu.memref_squeeze %dma_start3A_47 : memref<1x80x128xf32, #tpu.memory_space<hbm>> -> memref<80x128xf32, #tpu.memory_space<hbm>>
      %dma_start3A_49 = arith.constant 0 : i32
      %dma_start3A_50 = tpu.memref_slice %arg11[%add3A_34, %dma_start3A_49] : memref<10240x128xf32, #tpu.memory_space<vmem_shared>> -> memref<80x128xf32, #tpu.memory_space<vmem_shared>>
      tpu.enqueue_dma source(%dma_start3A_50 : memref<80x128xf32, #tpu.memory_space<vmem_shared>>) target(%dma_start3A_48 : memref<80x128xf32, #tpu.memory_space<hbm>>) target_semaphore(%run_scoped3A : memref<!tpu.dma_semaphore, #tpu.memory_space<semaphore_mem>>)
      %dma_wait3A = arith.constant 0 : i32
      %dma_wait3A_51 = tpu.memref_slice %arg6[%arg0, %add3A_34, %dma_wait3A] : memref<2x10240x128xf32, #tpu.memory_space<hbm>> -> memref<1x80x128xf32, #tpu.memory_space<hbm>>
      %dma_wait3A_52 = tpu.memref_squeeze %dma_wait3A_51 : memref<1x80x128xf32, #tpu.memory_space<hbm>> -> memref<80x128xf32, #tpu.memory_space<hbm>>
      %dma_wait3A_53 = arith.constant 0 : i32
      %dma_wait3A_54 = tpu.memref_slice %arg11[%add3A_34, %dma_wait3A_53] : memref<10240x128xf32, #tpu.memory_space<vmem_shared>> -> memref<80x128xf32, #tpu.memory_space<vmem_shared>>
      tpu.wait_dma2 semaphore(%run_scoped3A : memref<!tpu.dma_semaphore, #tpu.memory_space<semaphore_mem>>) src(%dma_wait3A_54 : memref<80x128xf32, #tpu.memory_space<vmem_shared>>) dst(%dma_wait3A_52 : memref<80x128xf32, #tpu.memory_space<hbm>>)
      tpu.yield
    }) : () -> ()
    %add3A_35 = arith.constant 160 : i32
    %add3A_36 = arith.addi %mul3A_7, %add3A_35 : i32
    "tpu.region"() ({
      %run_scoped3A = tpu.sem_alloc : memref<!tpu.dma_semaphore, #tpu.memory_space<semaphore_mem>>
      %dma_start3A = arith.constant 0 : i32
      %dma_start3A_47 = tpu.memref_slice %arg6[%arg0, %add3A_36, %dma_start3A] : memref<2x10240x128xf32, #tpu.memory_space<hbm>> -> memref<1x80x128xf32, #tpu.memory_space<hbm>>
      %dma_start3A_48 = tpu.memref_squeeze %dma_start3A_47 : memref<1x80x128xf32, #tpu.memory_space<hbm>> -> memref<80x128xf32, #tpu.memory_space<hbm>>
      %dma_start3A_49 = arith.constant 0 : i32
      %dma_start3A_50 = tpu.memref_slice %arg11[%add3A_36, %dma_start3A_49] : memref<10240x128xf32, #tpu.memory_space<vmem_shared>> -> memref<80x128xf32, #tpu.memory_space<vmem_shared>>
      tpu.enqueue_dma source(%dma_start3A_50 : memref<80x128xf32, #tpu.memory_space<vmem_shared>>) target(%dma_start3A_48 : memref<80x128xf32, #tpu.memory_space<hbm>>) target_semaphore(%run_scoped3A : memref<!tpu.dma_semaphore, #tpu.memory_space<semaphore_mem>>)
      %dma_wait3A = arith.constant 0 : i32
      %dma_wait3A_51 = tpu.memref_slice %arg6[%arg0, %add3A_36, %dma_wait3A] : memref<2x10240x128xf32, #tpu.memory_space<hbm>> -> memref<1x80x128xf32, #tpu.memory_space<hbm>>
      %dma_wait3A_52 = tpu.memref_squeeze %dma_wait3A_51 : memref<1x80x128xf32, #tpu.memory_space<hbm>> -> memref<80x128xf32, #tpu.memory_space<hbm>>
      %dma_wait3A_53 = arith.constant 0 : i32
      %dma_wait3A_54 = tpu.memref_slice %arg11[%add3A_36, %dma_wait3A_53] : memref<10240x128xf32, #tpu.memory_space<vmem_shared>> -> memref<80x128xf32, #tpu.memory_space<vmem_shared>>
      tpu.wait_dma2 semaphore(%run_scoped3A : memref<!tpu.dma_semaphore, #tpu.memory_space<semaphore_mem>>) src(%dma_wait3A_54 : memref<80x128xf32, #tpu.memory_space<vmem_shared>>) dst(%dma_wait3A_52 : memref<80x128xf32, #tpu.memory_space<hbm>>)
      tpu.yield
    }) : () -> ()
    %add3A_37 = arith.constant 240 : i32
    %add3A_38 = arith.addi %mul3A_7, %add3A_37 : i32
    "tpu.region"() ({
      %run_scoped3A = tpu.sem_alloc : memref<!tpu.dma_semaphore, #tpu.memory_space<semaphore_mem>>
      %dma_start3A = arith.constant 0 : i32
      %dma_start3A_47 = tpu.memref_slice %arg6[%arg0, %add3A_38, %dma_start3A] : memref<2x10240x128xf32, #tpu.memory_space<hbm>> -> memref<1x80x128xf32, #tpu.memory_space<hbm>>
      %dma_start3A_48 = tpu.memref_squeeze %dma_start3A_47 : memref<1x80x128xf32, #tpu.memory_space<hbm>> -> memref<80x128xf32, #tpu.memory_space<hbm>>
      %dma_start3A_49 = arith.constant 0 : i32
      %dma_start3A_50 = tpu.memref_slice %arg11[%add3A_38, %dma_start3A_49] : memref<10240x128xf32, #tpu.memory_space<vmem_shared>> -> memref<80x128xf32, #tpu.memory_space<vmem_shared>>
      tpu.enqueue_dma source(%dma_start3A_50 : memref<80x128xf32, #tpu.memory_space<vmem_shared>>) target(%dma_start3A_48 : memref<80x128xf32, #tpu.memory_space<hbm>>) target_semaphore(%run_scoped3A : memref<!tpu.dma_semaphore, #tpu.memory_space<semaphore_mem>>)
      %dma_wait3A = arith.constant 0 : i32
      %dma_wait3A_51 = tpu.memref_slice %arg6[%arg0, %add3A_38, %dma_wait3A] : memref<2x10240x128xf32, #tpu.memory_space<hbm>> -> memref<1x80x128xf32, #tpu.memory_space<hbm>>
      %dma_wait3A_52 = tpu.memref_squeeze %dma_wait3A_51 : memref<1x80x128xf32, #tpu.memory_space<hbm>> -> memref<80x128xf32, #tpu.memory_space<hbm>>
      %dma_wait3A_53 = arith.constant 0 : i32
      %dma_wait3A_54 = tpu.memref_slice %arg11[%add3A_38, %dma_wait3A_53] : memref<10240x128xf32, #tpu.memory_space<vmem_shared>> -> memref<80x128xf32, #tpu.memory_space<vmem_shared>>
      tpu.wait_dma2 semaphore(%run_scoped3A : memref<!tpu.dma_semaphore, #tpu.memory_space<semaphore_mem>>) src(%dma_wait3A_54 : memref<80x128xf32, #tpu.memory_space<vmem_shared>>) dst(%dma_wait3A_52 : memref<80x128xf32, #tpu.memory_space<hbm>>)
      tpu.yield
    }) : () -> ()
    %add3A_39 = arith.constant 320 : i32
    %add3A_40 = arith.addi %mul3A_7, %add3A_39 : i32
    "tpu.region"() ({
      %run_scoped3A = tpu.sem_alloc : memref<!tpu.dma_semaphore, #tpu.memory_space<semaphore_mem>>
      %dma_start3A = arith.constant 0 : i32
      %dma_start3A_47 = tpu.memref_slice %arg6[%arg0, %add3A_40, %dma_start3A] : memref<2x10240x128xf32, #tpu.memory_space<hbm>> -> memref<1x80x128xf32, #tpu.memory_space<hbm>>
      %dma_start3A_48 = tpu.memref_squeeze %dma_start3A_47 : memref<1x80x128xf32, #tpu.memory_space<hbm>> -> memref<80x128xf32, #tpu.memory_space<hbm>>
      %dma_start3A_49 = arith.constant 0 : i32
      %dma_start3A_50 = tpu.memref_slice %arg11[%add3A_40, %dma_start3A_49] : memref<10240x128xf32, #tpu.memory_space<vmem_shared>> -> memref<80x128xf32, #tpu.memory_space<vmem_shared>>
      tpu.enqueue_dma source(%dma_start3A_50 : memref<80x128xf32, #tpu.memory_space<vmem_shared>>) target(%dma_start3A_48 : memref<80x128xf32, #tpu.memory_space<hbm>>) target_semaphore(%run_scoped3A : memref<!tpu.dma_semaphore, #tpu.memory_space<semaphore_mem>>)
      %dma_wait3A = arith.constant 0 : i32
      %dma_wait3A_51 = tpu.memref_slice %arg6[%arg0, %add3A_40, %dma_wait3A] : memref<2x10240x128xf32, #tpu.memory_space<hbm>> -> memref<1x80x128xf32, #tpu.memory_space<hbm>>
      %dma_wait3A_52 = tpu.memref_squeeze %dma_wait3A_51 : memref<1x80x128xf32, #tpu.memory_space<hbm>> -> memref<80x128xf32, #tpu.memory_space<hbm>>
      %dma_wait3A_53 = arith.constant 0 : i32
      %dma_wait3A_54 = tpu.memref_slice %arg11[%add3A_40, %dma_wait3A_53] : memref<10240x128xf32, #tpu.memory_space<vmem_shared>> -> memref<80x128xf32, #tpu.memory_space<vmem_shared>>
      tpu.wait_dma2 semaphore(%run_scoped3A : memref<!tpu.dma_semaphore, #tpu.memory_space<semaphore_mem>>) src(%dma_wait3A_54 : memref<80x128xf32, #tpu.memory_space<vmem_shared>>) dst(%dma_wait3A_52 : memref<80x128xf32, #tpu.memory_space<hbm>>)
      tpu.yield
    }) : () -> ()
    %add3A_41 = arith.constant 400 : i32
    %add3A_42 = arith.addi %mul3A_7, %add3A_41 : i32
    "tpu.region"() ({
      %run_scoped3A = tpu.sem_alloc : memref<!tpu.dma_semaphore, #tpu.memory_space<semaphore_mem>>
      %dma_start3A = arith.constant 0 : i32
      %dma_start3A_47 = tpu.memref_slice %arg6[%arg0, %add3A_42, %dma_start3A] : memref<2x10240x128xf32, #tpu.memory_space<hbm>> -> memref<1x80x128xf32, #tpu.memory_space<hbm>>
      %dma_start3A_48 = tpu.memref_squeeze %dma_start3A_47 : memref<1x80x128xf32, #tpu.memory_space<hbm>> -> memref<80x128xf32, #tpu.memory_space<hbm>>
      %dma_start3A_49 = arith.constant 0 : i32
      %dma_start3A_50 = tpu.memref_slice %arg11[%add3A_42, %dma_start3A_49] : memref<10240x128xf32, #tpu.memory_space<vmem_shared>> -> memref<80x128xf32, #tpu.memory_space<vmem_shared>>
      tpu.enqueue_dma source(%dma_start3A_50 : memref<80x128xf32, #tpu.memory_space<vmem_shared>>) target(%dma_start3A_48 : memref<80x128xf32, #tpu.memory_space<hbm>>) target_semaphore(%run_scoped3A : memref<!tpu.dma_semaphore, #tpu.memory_space<semaphore_mem>>)
      %dma_wait3A = arith.constant 0 : i32
      %dma_wait3A_51 = tpu.memref_slice %arg6[%arg0, %add3A_42, %dma_wait3A] : memref<2x10240x128xf32, #tpu.memory_space<hbm>> -> memref<1x80x128xf32, #tpu.memory_space<hbm>>
      %dma_wait3A_52 = tpu.memref_squeeze %dma_wait3A_51 : memref<1x80x128xf32, #tpu.memory_space<hbm>> -> memref<80x128xf32, #tpu.memory_space<hbm>>
      %dma_wait3A_53 = arith.constant 0 : i32
      %dma_wait3A_54 = tpu.memref_slice %arg11[%add3A_42, %dma_wait3A_53] : memref<10240x128xf32, #tpu.memory_space<vmem_shared>> -> memref<80x128xf32, #tpu.memory_space<vmem_shared>>
      tpu.wait_dma2 semaphore(%run_scoped3A : memref<!tpu.dma_semaphore, #tpu.memory_space<semaphore_mem>>) src(%dma_wait3A_54 : memref<80x128xf32, #tpu.memory_space<vmem_shared>>) dst(%dma_wait3A_52 : memref<80x128xf32, #tpu.memory_space<hbm>>)
      tpu.yield
    }) : () -> ()
    %add3A_43 = arith.constant 480 : i32
    %add3A_44 = arith.addi %mul3A_7, %add3A_43 : i32
    "tpu.region"() ({
      %run_scoped3A = tpu.sem_alloc : memref<!tpu.dma_semaphore, #tpu.memory_space<semaphore_mem>>
      %dma_start3A = arith.constant 0 : i32
      %dma_start3A_47 = tpu.memref_slice %arg6[%arg0, %add3A_44, %dma_start3A] : memref<2x10240x128xf32, #tpu.memory_space<hbm>> -> memref<1x80x128xf32, #tpu.memory_space<hbm>>
      %dma_start3A_48 = tpu.memref_squeeze %dma_start3A_47 : memref<1x80x128xf32, #tpu.memory_space<hbm>> -> memref<80x128xf32, #tpu.memory_space<hbm>>
      %dma_start3A_49 = arith.constant 0 : i32
      %dma_start3A_50 = tpu.memref_slice %arg11[%add3A_44, %dma_start3A_49] : memref<10240x128xf32, #tpu.memory_space<vmem_shared>> -> memref<80x128xf32, #tpu.memory_space<vmem_shared>>
      tpu.enqueue_dma source(%dma_start3A_50 : memref<80x128xf32, #tpu.memory_space<vmem_shared>>) target(%dma_start3A_48 : memref<80x128xf32, #tpu.memory_space<hbm>>) target_semaphore(%run_scoped3A : memref<!tpu.dma_semaphore, #tpu.memory_space<semaphore_mem>>)
      %dma_wait3A = arith.constant 0 : i32
      %dma_wait3A_51 = tpu.memref_slice %arg6[%arg0, %add3A_44, %dma_wait3A] : memref<2x10240x128xf32, #tpu.memory_space<hbm>> -> memref<1x80x128xf32, #tpu.memory_space<hbm>>
      %dma_wait3A_52 = tpu.memref_squeeze %dma_wait3A_51 : memref<1x80x128xf32, #tpu.memory_space<hbm>> -> memref<80x128xf32, #tpu.memory_space<hbm>>
      %dma_wait3A_53 = arith.constant 0 : i32
      %dma_wait3A_54 = tpu.memref_slice %arg11[%add3A_44, %dma_wait3A_53] : memref<10240x128xf32, #tpu.memory_space<vmem_shared>> -> memref<80x128xf32, #tpu.memory_space<vmem_shared>>
      tpu.wait_dma2 semaphore(%run_scoped3A : memref<!tpu.dma_semaphore, #tpu.memory_space<semaphore_mem>>) src(%dma_wait3A_54 : memref<80x128xf32, #tpu.memory_space<vmem_shared>>) dst(%dma_wait3A_52 : memref<80x128xf32, #tpu.memory_space<hbm>>)
      tpu.yield
    }) : () -> ()
    %add3A_45 = arith.constant 560 : i32
    %add3A_46 = arith.addi %mul3A_7, %add3A_45 : i32
    "tpu.region"() ({
      %run_scoped3A = tpu.sem_alloc : memref<!tpu.dma_semaphore, #tpu.memory_space<semaphore_mem>>
      %dma_start3A = arith.constant 0 : i32
      %dma_start3A_47 = tpu.memref_slice %arg6[%arg0, %add3A_46, %dma_start3A] : memref<2x10240x128xf32, #tpu.memory_space<hbm>> -> memref<1x80x128xf32, #tpu.memory_space<hbm>>
      %dma_start3A_48 = tpu.memref_squeeze %dma_start3A_47 : memref<1x80x128xf32, #tpu.memory_space<hbm>> -> memref<80x128xf32, #tpu.memory_space<hbm>>
      %dma_start3A_49 = arith.constant 0 : i32
      %dma_start3A_50 = tpu.memref_slice %arg11[%add3A_46, %dma_start3A_49] : memref<10240x128xf32, #tpu.memory_space<vmem_shared>> -> memref<80x128xf32, #tpu.memory_space<vmem_shared>>
      tpu.enqueue_dma source(%dma_start3A_50 : memref<80x128xf32, #tpu.memory_space<vmem_shared>>) target(%dma_start3A_48 : memref<80x128xf32, #tpu.memory_space<hbm>>) target_semaphore(%run_scoped3A : memref<!tpu.dma_semaphore, #tpu.memory_space<semaphore_mem>>)
      %dma_wait3A = arith.constant 0 : i32
      %dma_wait3A_51 = tpu.memref_slice %arg6[%arg0, %add3A_46, %dma_wait3A] : memref<2x10240x128xf32, #tpu.memory_space<hbm>> -> memref<1x80x128xf32, #tpu.memory_space<hbm>>
      %dma_wait3A_52 = tpu.memref_squeeze %dma_wait3A_51 : memref<1x80x128xf32, #tpu.memory_space<hbm>> -> memref<80x128xf32, #tpu.memory_space<hbm>>
      %dma_wait3A_53 = arith.constant 0 : i32
      %dma_wait3A_54 = tpu.memref_slice %arg11[%add3A_46, %dma_wait3A_53] : memref<10240x128xf32, #tpu.memory_space<vmem_shared>> -> memref<80x128xf32, #tpu.memory_space<vmem_shared>>
      tpu.wait_dma2 semaphore(%run_scoped3A : memref<!tpu.dma_semaphore, #tpu.memory_space<semaphore_mem>>) src(%dma_wait3A_54 : memref<80x128xf32, #tpu.memory_space<vmem_shared>>) dst(%dma_wait3A_52 : memref<80x128xf32, #tpu.memory_space<hbm>>)
      tpu.yield
    }) : () -> ()
    return
  }
}

</mosaic_0001>

<sc_bundles>
// kernel: _spmv.3.cloned.1.call-start
scs
__scs_entry_jumppad:
0x0: {  	(pc) =	sbr.rel $0x88, $3  }
0x1: {  	(tag) =	ssettag $0x0;
	lr =	simm.s32 $0x1  }
0x2: {  	[smem:$0x3F9D] =	sst lr;
	_ =	strace $0xD0000000  }
0x3: {  	_ = 	snop  }
0x4: {  	_ = 	snop  }
0x5: {  	_ = 	snop  }
0x6: {  	_ = 	snop  }
0x7: {  	_ = 	snop  }
__scs_overlays_trampoline_lowered:
0x8: {  	[smem:$0x3FAC] =	sst s0  }
0x9: {  	[smem:$0x3FAD] =	sst s1  }
0xa: {  	[smem:$0x3FAE] =	sst s2  }
0xb: {  	[smem:$0x3FAF] =	sst s3  }
0xc: {  	[smem:$0x3FB0] =	sst s4  }
0xd: {  	[smem:$0x3FB1] =	sst s5  }
0xe: {  	[smem:$0x3FB2] =	sst s6  }
0xf: {  	[smem:$0x3FB3] =	sst s7  }
0x10: {  	[smem:$0x3FB4] =	sst s8  }
0x11: {  	[smem:$0x3FB5] =	sst s9;
	s0 =	simm.s32 @!p0 $0x0  }
0x12: {  	s1 =	sld [smem:$0x3F9B];
	s0 =	simm.s32 @p0 $0x1  }
0x13: {  	[smem:$0x3FB6] =	sst s0;
	s0 =	simm.s32 @!p1 $0x0  }
0x14: {  	s2 =	sld [smem:$0x3F9A];
	s0 =	simm.s32 @p1 $0x1  }
0x15: {  	[smem:$0x3FB7] =	sst s0;
	s0 =	simm.s32 @!p2 $0x0  }
0x16: {  	s3 =	sld [smem:$0x3FDB];
	s0 =	simm.s32 @p2 $0x1  }
0x17: {  	s4 =	simm.s32 $0x1BF5;
	[smem:$0x3FB9] =	sst s0  }
0x18: {  	s0 =	sld [smem:$0x3F9C];
	_ =	swait.ge [sflag:s4], $0x0  }
0x19: {  	s7 =	sld [smem:$0x3F9D]  }
0x1a: {  	s8 =	sadd.s32 $0xFFFFE003, lr  }
0x1b: {  	s9 =	sadd.s32 $0xFFFFFEF7, lr;
	s5 =	simm.s32 $0xFFFFFFFF;
	p2 =	slt.u32 s8, $0xFFFFF086  }
0x1c: {  	p1 =	slt.u32 s9, $0xF7A;
	s5 =	simm.s32 @!p2 $0x0  }
0x1d: {  	s5 =	simm.s32 @p1 $0x1;
	p0 =	seq.s32 s7, s2  }
0x1e: {  	s7 =	smul.u32 @!p0 $0xF7A, s2;
	p2 =	seq.s32 @!p0 s5, $0x0  }
0x1f: {  	s9 =	smul.u32 $0xF7A, s1;
	s8 =	simm.s32 @!p0 $0x1BF5;
	p2 =	por !p2, p0  }
0x20: {  	[sflag:s8] =	ssyncset.s32 @!p0 $0xFFFFF086;
	s6 =	sadd.s32 @!p0 s3, s7;
	s7 =	simm.s32 @!p0 $0x108  }
0x21: {  	s3 =	sadd.s32 s3, s9;
	s6 =	sadd.s32 @!p0 $0x88, s6;
	s7 =	simm.s32 @p2 $0x1082  }
0x22: {  	[simem:s7], [sflag:s8] =	dma.local @!p0 [hbm:s6], $0xF7A  }
0x23: {  	s9 =	sor.u32 $0xD0000000, s2;
	s6 =	simm.s32 $0x108;
	_ =	swait.ge @!p0 [sflag:s8], $0x0  }
0x24: {  	s3 =	sadd.s32 $0x88, s3;
	s6 =	simm.s32 @!p1 $0x1082;
	[sflag:s4] =	ssyncset.s32 $0xFFFFF086  }
0x25: {  	[simem:s6], [sflag:s4] =	dma.local [hbm:s3], $0xF7A  }
0x26: {  	[smem:$0x3F9D] =	sst s1;
	(tag) =	ssettag s2;
	_ =	strace s9  }
0x27: {  	s1 =	sld [smem:$0x3FAD]  }
0x28: {  	s2 =	sld [smem:$0x3FAE]  }
0x29: {  	s4 =	sld [smem:$0x3FB0]  }
0x2a: {  	p0 =	seq.s32 s5, $0x0;
	s5 =	sld [smem:$0x3FB1]  }
0x2b: {  	s6 =	sld [smem:$0x3FB2]  }
0x2c: {  	s7 =	sld [smem:$0x3FB3]  }
0x2d: {  	s3 =	simm.s32 $0x108;
	s8 =	sld [smem:$0x3FB4]  }
0x2e: {  	s3 =	simm.s32 @!p0 $0x1082;
	s9 =	sld [smem:$0x3FB5]  }
0x2f: {  	lr =	sadd.s32 s0, s3;
	s0 =	sld [smem:$0x3FAC]  }
0x30: {  	s3 =	sld [smem:$0x3FAF]  }
0x31: {  	[smem:$0x3FB8] =	sst s10  }
0x32: {  	s10 =	sld [smem:$0x3FB6];
	_ =	sdelay $0x3  }
0x33: {  	p0 =	seq.s32 s10, $0x1;
	s10 =	sld [smem:$0x3FB8];
	_ =	sdelay $0x3  }
0x34: {  	[smem:$0x3FB8] =	sst s10  }
0x35: {  	s10 =	sld [smem:$0x3FB7];
	_ =	sdelay $0x3  }
0x36: {  	p1 =	seq.s32 s10, $0x1;
	s10 =	sld [smem:$0x3FB8];
	_ =	sdelay $0x3  }
0x37: {  	[smem:$0x3FB8] =	sst s10  }
0x38: {  	s10 =	sld [smem:$0x3FB9]  }
0x39: {  	_ = 	snop;
	(pc) =	sbr.ind lr, $3  }
0x3a: {  	_ = 	snop  }
0x3b: {  	_ = 	snop  }
0x3c: {  	p2 =	seq.s32 s10, $0x1;
	s10 =	sld [smem:$0x3FB8]  }
0x3d: {  	_ =	shalt  }
0x3e: {  	_ =	shalt  }
0x3f: {  	_ =	shalt  }
0x40: {  	_ =	shalt  }
0x41: {  	_ =	shalt  }
0x42: {  	_ =	shalt  }
0x43: {  	_ =	shalt  }
0x44: {  	_ =	shalt  }
0x45: {  	_ =	shalt  }
0x46: {  	_ =	shalt  }
0x47: {  	_ =	shalt  }
0x48: {  	_ =	shalt  }
0x49: {  	_ =	shalt  }
0x4a: {  	_ =	shalt  }
0x4b: {  	_ =	shalt  }
0x4c: {  	_ =	shalt  }
0x4d: {  	_ =	shalt  }
0x4e: {  	_ =	shalt  }
0x4f: {  	_ =	shalt  }
0x50: {  	_ =	shalt  }
0x51: {  	_ =	shalt  }
0x52: {  	_ =	shalt  }
0x53: {  	_ =	shalt  }
0x54: {  	_ =	shalt  }
0x55: {  	_ =	shalt  }
0x56: {  	_ =	shalt  }
0x57: {  	_ =	shalt  }
0x58: {  	_ =	shalt  }
0x59: {  	_ =	shalt  }
0x5a: {  	_ =	shalt  }
0x5b: {  	_ =	shalt  }
0x5c: {  	_ =	shalt  }
0x5d: {  	_ =	shalt  }
0x5e: {  	_ =	shalt  }
0x5f: {  	_ =	shalt  }
0x60: {  	_ =	shalt  }
0x61: {  	_ =	shalt  }
0x62: {  	_ =	shalt  }
0x63: {  	_ =	shalt  }
0x64: {  	_ =	shalt  }
0x65: {  	_ =	shalt  }
0x66: {  	_ =	shalt  }
0x67: {  	_ =	shalt  }
0x68: {  	_ =	shalt  }
0x69: {  	_ =	shalt  }
0x6a: {  	_ =	shalt  }
0x6b: {  	_ =	shalt  }
0x6c: {  	_ =	shalt  }
0x6d: {  	_ =	shalt  }
0x6e: {  	_ =	shalt  }
0x6f: {  	_ =	shalt  }
0x70: {  	_ =	shalt  }
0x71: {  	_ =	shalt  }
0x72: {  	_ =	shalt  }
0x73: {  	_ =	shalt  }
0x74: {  	_ =	shalt  }
0x75: {  	_ =	shalt  }
0x76: {  	_ =	shalt  }
0x77: {  	_ =	shalt  }
0x78: {  	_ =	shalt  }
0x79: {  	_ =	shalt  }
0x7a: {  	_ =	shalt  }
0x7b: {  	_ =	shalt  }
0x7c: {  	_ =	shalt  }
0x7d: {  	_ =	shalt  }
0x7e: {  	_ =	shalt  }
0x7f: {  	_ =	shalt  }
0x80: {  	_ =	shalt  }
0x81: {  	_ =	shalt  }
0x82: {  	_ =	shalt  }
0x83: {  	_ =	shalt  }
0x84: {  	_ =	shalt  }
0x85: {  	_ =	shalt  }
0x86: {  	_ =	shalt  }
0x87: {  	_ =	shalt  }
.Lfunc_end0:
.L_simem_size_0:
called_computation_lowered:
.L_overlay_start_0:
0x88: {  	s2 =	sld [smem:$0x3FD9]  }
0x89: {  	s3 =	sld [smem:$0x3FFE];
	_ =	sdelay $0x1  }
0x8a: {  	s1 =	srdreg.scid  }
0x8b: {  	s0 =	sand.u32 $0x1, s1  }
0x8c: {  	s18 =	sshll.u32 s0, $0xA;
	s2 =	sadd.s32 s3, s2  }
0x8d: {  	s2 =	sadd.s32 s2, s18  }
0x8e: {  	[smem:$0x3FC4] =	sst s2  }
0x8f: {  	_ = 	snop  }
0x90: {  	s2 =	sld [smem:$0x3FC9]  }
0x91: {  	s19 =	sld [smem:$0x3FC8]  }
0x92: {  	s4 =	sld [smem:$0x3FC7]  }
0x93: {  	s5 =	sld [smem:$0x3FC6]  }
0x94: {  	s6 =	sld [smem:$0x3FD0];
	(tm) =	ssettm $0x1  }
0x95: {  	s7 =	sld [smem:$0x3FFB];
	_ =	sdelay $0x3  }
0x96: {  	_ =	strace s7  }
0x97: {  	s7 =	sld [smem:$0x3FFC];
	_ =	sdelay $0x3  }
0x98: {  	_ =	strace s7  }
0x99: {  	s7 =	sld [smem:$0x3FFD];
	_ =	sdelay $0x3  }
0x9a: {  	_ =	strace s7  }
0x9b: {  	_ =	strace $0x8FFFFFFF  }
0x9c: {  	s20 =	sld [smem:$0x3FDB];
	_ =	sdelay $0x1  }
0x9d: {  	s8 =	simm.s32 $_scs_section_size  }
0x9e: {  	s9 =	simm.s32 $_size__tile_overlayer_lowered;
	s10 =	simm.s32 $_tile_overlayer_lowered  }
0x9f: {  	s23 =	simm.s32 $0x1BFF;
	s22 =	sshll.u32 s10, $0x1;
	s7 =	sadd.s32 s8, s20  }
0xa0: {  	s11 =	simm.s32 $0x0;
	s21 =	sshll.u32 s9, $0x1;
	s9 =	sadd.s32 s22, s7  }
0xa1: {  	[timem:s11], [sflag:s23] =	dma.local [hbm:s9], s21  }
0xa2: {  	_ =	swait.ge [sflag:s23], s21  }
0xa3: {  	s8 =	ssub.s32 $0x0, s21;
	[sflag:s23] =	ssyncset.done $0x0  }
0xa4: {  	[sflag:s23] =	ssyncadd.s32 s8;
	_ =	sdelay $0x1  }
0xa5: {  	s24 =	simm.s32 $0x1B8B  }
0xa6: {  	_ =	swait.ge [sflag:s24], $0x1  }
0xa7: {  	[sflag:s24] =	ssyncset.done $0x0  }
0xa8: {  	s25 =	simm.s32 $0x1B8E;
	[sflag:s24] =	ssyncadd.s32 $0xFFFFFFFF  }
0xa9: {  	s26 =	simm.s32 $execute0_lowered;
	[smem:$0x3FD2] =	sst s25  }
0xaa: {  	s8 =	sshll.u32 s26, $0x1;
	_ =	strace $0x80000046;
	[dreg:$0x1] =	wrdreg $0xFFFFFFFF  }
0xab: {  	s28 =	simm.s32 $_size_execute0_lowered;
	s7 =	sadd.s32 s7, s8;
	[dreg:$0x0] =	wrdreg $0x0  }
0xac: {  	s8 =	sshll.u32 s28, $0x1;
	[dreg:$0x2] =	wrdreg s7  }
0xad: {  	[dreg:$0x3] =	wrdreg s8  }
0xae: {  	[dreg:$0x4] =	wrdreg $0xC0  }
0xaf: {  	_ =	task [dreg:s11], $0x5FFFF  }
0xb0: {  	[dreg:$0x1] =	wrdreg $0xFFFFFFFF  }
0xb1: {  	[dreg:$0x0] =	wrdreg $0x60  }
0xb2: {  	[dreg:$0x2] =	wrdreg s2  }
0xb3: {  	[dreg:$0x3] =	wrdreg s19  }
0xb4: {  	[dreg:$0x4] =	wrdreg s4  }
0xb5: {  	[dreg:$0x5] =	wrdreg s5  }
0xb6: {  	[dreg:$0x6] =	wrdreg s6  }
0xb7: {  	[dreg:$0x7] =	wrdreg $0x29800  }
0xb8: {  	[dreg:$0x8] =	wrdreg $0x9  }
0xb9: {  	_ =	task.clear_ibuf [dreg:s11], $0x9FFFF;
	_ =	strace $0x90000046  }
0xba: {  	s29 =	simm.s32 $0x9;
	_ =	strace $0x80000048  }
0xbb: {  	_ =	swait.ge [sflag:s29], $0x1  }
0xbc: {  	[sflag:s29] =	ssyncadd.s32 $0xFFFFFFFF  }
0xbd: {  	_ =	strace $0x90000048  }
0xbe: {  	_ =	sfence  }
0xbf: {  	s30 =	sld [smem:$0x0];
	_ =	sdelay $0x2  }
0xc0: {  	s31 =	sshll.u32 s1, $0xD;
	s1 =	sshrl.u32 s1, $0x2  }
0xc1: {  	s3 =	sand.u32 $0x4000, s31;
	s1 =	sadd.s32 s1, s30  }
0xc2: {  	s0 =	sor.u32 s3, s0;
	s1 =	sshll.u32 s1, $0x11  }
0xc3: {  	s0 =	sor.u32 s1, s0  }
0xc4: {  	s0 =	sadd.s32 $0x8F2B, s0  }
0xc5: {  	[sflag:s0] =	ssyncadd.remote.s32 $0x1  }
0xc6: {  	_ =	sfence.sel $0xFFFF  }
0xc7: {  	[dreg:$0x0] =	wrdreg $0xFFFFFFFF;
	(pc) =	sbr.abs _section_cstart, $3  }
0xc8: {  	[dreg:$0x1] =	wrdreg $0xFFFFFFFF  }
0xc9: {  	_ =	task.clear_ibuf [dreg:s11], $0x2FFFF;
	_ =	strace $0x9FFFFFFF  }
0xca: {  	(tm) =	ssettm $0x7FFFFFFF  }
0xcb: {  	_ =	shalt  }
tec
execute0_lowered:
.L_overlay_start_1:
0x0: {  	(tag) =	ssettag $0x1  }
0x1: {  	s0 =	rddreg [dreg:$0x0]  }
0x2: {  	s1 =	rddreg [dreg:$0x1]  }
0x3: {  	s2 =	rddreg [dreg:$0x2]  }
0x4: {  	s3 =	rddreg [dreg:$0x3]  }
0x5: {  	s4 =	srdreg.scid;
	s5 =	rddreg [dreg:$0x4]  }
0x6: {  	s6 =	rddreg [dreg:$0x5];
	s10 =	stileid.u32  }
0x7: {  	s28 =	simm.s32 $0x2800;
	s29 =	simm.s32 $0x2880;
	s30 =	simm.s32 $0x2900  }
0x8: {  	s31 =	simm.s32 $0x50;
	s4 =	sand.u32 $0x1, s4;
	s9 =	smul.u32 $0x14000, s10  }
0x9: {  	s11 =	sshll.u32 s10, $0x1;
	s10 =	smul.u32 $0x50000, s10;
	s7 =	ssub.s32 $0x2, s4  }
0xa: {  	s8 =	sshrl.u32 s7, $0x1;
	s17 =	sor.u32 $0x2800, s9;
	s18 =	sadd.s32 $0x5000, s9  }
0xb: {  	s7 =	ssub.s32 s7, s8;
	s8 =	sor.u32 s4, s11;
	s4 =	smul.u32 $0x140000, s4  }
0xc: {  	s19 =	sadd.s32 $0x7800, s9;
	s20 =	sadd.s32 $0xA000, s9;
	s21 =	sadd.s32 $0xC800, s9  }
0xd: {  	s22 =	sadd.s32 $0xF000, s9;
	s26 =	sshrl.u32 s10, $0x2;
	s11 =	sadd.s32 s9, s4  }
0xe: {  	s9 =	sadd.s32 $0x11800, s9;
	s12 =	sadd.s32 s4, s17;
	s13 =	sadd.s32 s4, s18  }
0xf: {  	s15 =	sadd.s32 s4, s19;
	s23 =	sadd.s32 s4, s20;
	s25 =	sadd.s32 s4, s21  }
0x10: {  	s17 =	sadd.s32 s17, s6;
	s18 =	sadd.s32 s18, s6;
	s19 =	sadd.s32 s19, s6  }
0x11: {  	s20 =	sadd.s32 s20, s6;
	s21 =	sadd.s32 s21, s6;
	s11 =	sshrl.u32 s11, $0x3  }
0x12: {  	s12 =	sshrl.u32 s12, $0x3;
	s14 =	sshrl.u32 s13, $0x3;
	s16 =	sshrl.u32 s15, $0x3  }
0x13: {  	s24 =	sshrl.u32 s23, $0x3;
	s13 =	sadd.s32 s4, s22;
	s4 =	sadd.s32 s4, s9  }
0x14: {  	s22 =	sadd.s32 s22, s6;
	s23 =	sadd.s32 s9, s6;
	s11 =	sadd.s32 s5, s11  }
0x15: {  	s13 =	sshrl.u32 s13, $0x3;
	s4 =	sshrl.u32 s4, $0x3;
	[dreg:$0x7] =	wrdreg s11  }
0x16: {  	s11 =	sadd.s32 s5, s12;
	s12 =	sshrl.u32 s25, $0x3;
	s13 =	sadd.s32 s5, s13  }
0x17: {  	s15 =	sadd.s32 s5, s4;
	[dreg:$0x8] =	wrdreg s11;
	s11 =	sadd.s32 s5, s14  }
0x18: {  	s25 =	smax.u32 s7, $0x1;
	s14 =	simm.s32 $0x0;
	[dreg:$0x9] =	wrdreg s11  }
0x19: {  	s4 =	simm.s32 $0x1;
	s11 =	sadd.s32 s5, s16;
	[smem:$0x7FF] =	sst s14  }
0x1a: {  	s12 =	sadd.s32 s5, s12;
	[dreg:$0xa] =	wrdreg s11;
	s11 =	sadd.s32 s5, s24  }
0x1b: {  	s16 =	sadd.s32 s26, s6;
	s26 =	simm.s32 $0x2;
	[dreg:$0xb] =	wrdreg s11  }
0x1c: {  	v0 =	vimm.f32 $0.0e+00;
	s24 =	smul.u32 $0x2710, s8;
	s5 =	simm.s32 $0x0;
	_ =	strace $0x80000047  }
.LBB2_1:
0x1d: {  	s7 =	simm.s32 $0x0;
	s8 =	simm.s32 $0x200  }
.LBB2_2:
0x1e: {  	p0 =	sne.s32 s8, $0x9E00;
	[tilespmem:s7+$0x70] =	vst v0  }
0x1f: {  	[tilespmem:s7+$0x0] =	vst v0  }
0x20: {  	[tilespmem:s7+$0x10] =	vst v0  }
.Ltmp0:
0x21: {  	[tilespmem:s7+$0x20] =	vst v0;
	(pc) =	sbr.rel @p0 .LBB2_2-.Ltmp0, $4  }
0x22: {  	[tilespmem:s7+$0x30] =	vst v0  }
0x23: {  	[tilespmem:s7+$0x40] =	vst v0  }
0x24: {  	[tilespmem:s7+$0x50] =	vst v0  }
0x25: {  	[tilespmem:s7+$0x60] =	vst v0;
	s7 =	sshra.s32 s8, $0x2;
	s8 =	sadd.s32 $0x200, s8  }
0x26: {  	[tilespmem:s7+$0x70] =	vst v0  }
0x27: {  	[tilespmem:s7+$0x0] =	vst v0  }
0x28: {  	[tilespmem:s7+$0x10] =	vst v0  }
0x29: {  	[tilespmem:s7+$0x20] =	vst v0  }
0x2a: {  	[tilespmem:s7+$0x30] =	vst v0  }
0x2b: {  	[tilespmem:s7+$0x40] =	vst v0  }
0x2c: {  	[tilespmem:s7+$0x50] =	vst v0  }
0x2d: {  	[tilespmem:s7+$0x60] =	vst v0;
	s7 =	simm.s32 $0x0  }
0x2e: {  	[spmem:s16] =	stream.linear.scatter [tilespmem:s7], [sflag:$0x2], $0x2800, $0x38;
	[tilespmem:$0x16980] =	vst v63  }
0x2f: {  	_ =	swait.ge [sflag:s26], $0x2800  }
0x30: {  	[sflag:s26] =	ssyncset.done $0x0  }
0x31: {  	[sflag:s26] =	ssyncadd.s32 $0xFFFFD800  }
0x32: {  	[spmem:s17] =	stream.linear.scatter [tilespmem:s7], [sflag:$0x2], $0x2800, $0x38;
	[tilespmem:$0x16980] =	vst v63  }
0x33: {  	_ =	swait.ge [sflag:s26], $0x2800  }
0x34: {  	[sflag:s26] =	ssyncset.done $0x0  }
0x35: {  	[sflag:s26] =	ssyncadd.s32 $0xFFFFD800  }
0x36: {  	[spmem:s18] =	stream.linear.scatter [tilespmem:s7], [sflag:$0x2], $0x2800, $0x38;
	[tilespmem:$0x16980] =	vst v63  }
0x37: {  	_ =	swait.ge [sflag:s26], $0x2800  }
0x38: {  	[sflag:s26] =	ssyncset.done $0x0  }
0x39: {  	[sflag:s26] =	ssyncadd.s32 $0xFFFFD800  }
0x3a: {  	[spmem:s19] =	stream.linear.scatter [tilespmem:s7], [sflag:$0x2], $0x2800, $0x38;
	[tilespmem:$0x16980] =	vst v63  }
0x3b: {  	_ =	swait.ge [sflag:s26], $0x2800  }
0x3c: {  	[sflag:s26] =	ssyncset.done $0x0  }
0x3d: {  	[sflag:s26] =	ssyncadd.s32 $0xFFFFD800  }
0x3e: {  	[spmem:s20] =	stream.linear.scatter [tilespmem:s7], [sflag:$0x2], $0x2800, $0x38;
	[tilespmem:$0x16980] =	vst v63  }
0x3f: {  	_ =	swait.ge [sflag:s26], $0x2800  }
0x40: {  	[sflag:s26] =	ssyncset.done $0x0  }
0x41: {  	[sflag:s26] =	ssyncadd.s32 $0xFFFFD800  }
0x42: {  	[spmem:s21] =	stream.linear.scatter [tilespmem:s7], [sflag:$0x2], $0x2800, $0x38;
	[tilespmem:$0x16980] =	vst v63  }
0x43: {  	_ =	swait.ge [sflag:s26], $0x2800  }
0x44: {  	[sflag:s26] =	ssyncset.done $0x0  }
0x45: {  	[sflag:s26] =	ssyncadd.s32 $0xFFFFD800  }
0x46: {  	[spmem:s22] =	stream.linear.scatter [tilespmem:s7], [sflag:$0x2], $0x2800, $0x38;
	[tilespmem:$0x16980] =	vst v63  }
0x47: {  	_ =	swait.ge [sflag:s26], $0x2800  }
0x48: {  	[sflag:s26] =	ssyncset.done $0x0  }
0x49: {  	[sflag:s26] =	ssyncadd.s32 $0xFFFFD800  }
0x4a: {  	[spmem:s23] =	stream.linear.scatter [tilespmem:s7], [sflag:$0x2], $0x2800, $0x38;
	[tilespmem:$0x16980] =	vst v63  }
0x4b: {  	_ =	swait.ge [sflag:s26], $0x2800  }
0x4c: {  	[sflag:s26] =	ssyncset.done $0x0  }
0x4d: {  	[sflag:s26] =	ssyncadd.s32 $0xFFFFD800  }
0x4e: {  	s8 =	simm.s32 $0x0;
	[bflag:$0x0] =	sbarrier.arrive $0xFFFF  }
.LBB2_4:
0x4f: {  	s9 =	smul.u32 $0x50, s8;
	_ =	sdelay $0x1  }
0x50: {  	s9 =	sadd.s32 s24, s9  }
0x51: {  	s9 =	sshrl.u32 s9, $0x3  }
0x52: {  	s10 =	sadd.s32 s1, s9  }
0x53: {  	[tilespmem:s28], [sflag:$0x2] =	stream.linear.gather [hbm4b:s10+s7], $0x50, $0x38;
	[tilespmem:$0x16980] =	vst v63  }
0x54: {  	_ =	swait.ge [sflag:s26], $0x50  }
0x55: {  	[sflag:s26] =	ssyncset.done $0x0  }
0x56: {  	s11 =	sadd.s32 s2, s9;
	[sflag:s26] =	ssyncadd.s32 $0xFFFFFFB0  }
0x57: {  	[tilespmem:s29], [sflag:$0x2] =	stream.linear.gather [hbm4b:s11+s7], $0x50, $0x38;
	[tilespmem:$0x16980] =	vst v63  }
0x58: {  	_ =	swait.ge [sflag:s26], $0x50  }
0x59: {  	[sflag:s26] =	ssyncset.done $0x0  }
0x5a: {  	s9 =	sadd.s32 s3, s9;
	[sflag:s26] =	ssyncadd.s32 $0xFFFFFFB0  }
0x5b: {  	[tilespmem:s30], [sflag:$0x2] =	stream.linear.gather [hbm4b:s9+s7], $0x50, $0x38;
	[tilespmem:$0x16980] =	vst v63  }
0x5c: {  	_ =	swait.ge [sflag:s26], $0x50  }
0x5d: {  	[sflag:s26] =	ssyncset.done $0x0  }
0x5e: {  	[sflag:s26] =	ssyncadd.s32 $0xFFFFFFB0  }
0x5f: {  	[tilespmem:s7], [sflag:$0x1] =	stream.indirect.gather [hbm4b:s0+s31], $0x80, s28, s31, $0xb8;
	[tilespmem:$0x16980] =	vst v63  }
0x60: {  	_ =	swait.ge [sflag:s4], $0x2800  }
0x61: {  	s10 =	simm.s32 $0x0;
	[sflag:s4] =	ssyncset.done $0x0  }
0x62: {  	s9 =	sand.u32 $0x3FFFFFF0, s10;
	[sflag:s4] =	ssyncadd.s32 $0xFFFFD800  }
0x63: {  	s11 =	simm.s32 $0x0;
	v1 =	vld [tilespmem:s9+$0x2900]  }
0x64: {  	s9 =	sand.u32 $0x3FFFF800, s11  }
0x65: {  	v3 =	vld [tilespmem:s9+$0x20]  }
0x66: {  	v4 =	vld [tilespmem:s9+$0x30]  }
0x67: {  	v10 =	vld [tilespmem:s9+$0x60]  }
0x68: {  	v11 =	vld [tilespmem:s9+$0x70];
	v2 =	vbroadcast v1, $0x0  }
0x69: {  	v12 =	vld [tilespmem:s9+$0x80]  }
0x6a: {  	v13 =	vld [tilespmem:s9+$0x90];
	v3 =	vmul.f32 v3, v2  }
0x6b: {  	v14 =	vld [tilespmem:s9+$0xA0];
	v4 =	vmul.f32 v4, v2  }
0x6c: {  	v9 =	vld [tilespmem:s9+$0xB0];
	v23 =	vbroadcast v1, $0x1;
	v22 =	vmul.f32 v10, v2;
	[tilespmem:s9+$0x20] =	vst v3  }
0x6d: {  	v7 =	vld [tilespmem:s9+$0xC0];
	v11 =	vmul.f32 v11, v2;
	[tilespmem:s9+$0x30] =	vst v4  }
0x6e: {  	v8 =	vld [tilespmem:s9+$0xD0];
	v12 =	vmul.f32 v12, v23;
	[tilespmem:s9+$0x60] =	vst v22  }
0x6f: {  	v25 =	vld [tilespmem:s9+$0xF0];
	v13 =	vmul.f32 v13, v23;
	[tilespmem:s9+$0x70] =	vst v11  }
0x70: {  	v26 =	vld [tilespmem:s9+$0x100];
	v14 =	vmul.f32 v14, v23;
	[tilespmem:s9+$0x80] =	vst v12  }
0x71: {  	v27 =	vld [tilespmem:s9+$0x110];
	v9 =	vmul.f32 v9, v23;
	[tilespmem:s9+$0x90] =	vst v13  }
0x72: {  	v6 =	vld [tilespmem:s9+$0x570];
	v7 =	vmul.f32 v7, v23;
	[tilespmem:s9+$0xA0] =	vst v14  }
0x73: {  	v24 =	vld [tilespmem:s9+$0xE0];
	v15 =	vbroadcast v1, $0x2;
	v8 =	vmul.f32 v8, v23;
	[tilespmem:s9+$0xB0] =	vst v9  }
0x74: {  	v28 =	vld [tilespmem:s9+$0x120];
	v10 =	vmul.f32 v25, v23;
	[tilespmem:s9+$0xC0] =	vst v7  }
0x75: {  	v29 =	vld [tilespmem:s9+$0x130];
	v5 =	vbroadcast v1, $0xA;
	v32 =	vmul.f32 v26, v15;
	[tilespmem:s9+$0xD0] =	vst v8  }
0x76: {  	v30 =	vld [tilespmem:s9+$0x140];
	v34 =	vmul.f32 v27, v15;
	[tilespmem:s9+$0xF0] =	vst v10  }
0x77: {  	v33 =	vld [tilespmem:s9+$0x160];
	v3 =	vmul.f32 v6, v5;
	[tilespmem:s9+$0x100] =	vst v32  }
0x78: {  	v35 =	vld [tilespmem:s9+$0x170];
	v11 =	vmul.f32 v24, v23;
	[tilespmem:s9+$0x110] =	vst v34  }
0x79: {  	v36 =	vld [tilespmem:s9+$0x180];
	v9 =	vmul.f32 v28, v15;
	[tilespmem:s9+$0x570] =	vst v3  }
0x7a: {  	v31 =	vld [tilespmem:s9+$0x150];
	v7 =	vmul.f32 v29, v15;
	[tilespmem:s9+$0xE0] =	vst v11  }
0x7b: {  	v37 =	vld [tilespmem:s9+$0x190];
	v8 =	vmul.f32 v30, v15;
	[tilespmem:s9+$0x120] =	vst v9  }
0x7c: {  	v38 =	vld [tilespmem:s9+$0x1A0];
	v41 =	vbroadcast v1, $0x3;
	v10 =	vmul.f32 v33, v15;
	[tilespmem:s9+$0x130] =	vst v7  }
0x7d: {  	v39 =	vld [tilespmem:s9+$0x1B0];
	v12 =	vmul.f32 v35, v15;
	[tilespmem:s9+$0x140] =	vst v8  }
0x7e: {  	v42 =	vld [tilespmem:s9+$0x1D0];
	v13 =	vmul.f32 v36, v41;
	[tilespmem:s9+$0x160] =	vst v10  }
0x7f: {  	v43 =	vld [tilespmem:s9+$0x1E0];
	v11 =	vmul.f32 v31, v15;
	[tilespmem:s9+$0x170] =	vst v12  }
0x80: {  	v44 =	vld [tilespmem:s9+$0x1F0];
	v9 =	vmul.f32 v37, v41;
	[tilespmem:s9+$0x180] =	vst v13  }
0x81: {  	v40 =	vld [tilespmem:s9+$0x1C0];
	v7 =	vmul.f32 v38, v41;
	[tilespmem:s9+$0x150] =	vst v11  }
0x82: {  	v45 =	vld [tilespmem:s9+$0x200];
	v8 =	vmul.f32 v39, v41;
	[tilespmem:s9+$0x190] =	vst v9  }
0x83: {  	v46 =	vld [tilespmem:s9+$0x210];
	v10 =	vmul.f32 v42, v41;
	[tilespmem:s9+$0x1A0] =	vst v7  }
0x84: {  	v47 =	vld [tilespmem:s9+$0x220];
	v12 =	vmul.f32 v43, v41;
	[tilespmem:s9+$0x1B0] =	vst v8  }
0x85: {  	v49 =	vld [tilespmem:s9+$0x240];
	v50 =	vbroadcast v1, $0x4;
	v13 =	vmul.f32 v44, v41;
	[tilespmem:s9+$0x1D0] =	vst v10  }
0x86: {  	v51 =	vld [tilespmem:s9+$0x250];
	v11 =	vmul.f32 v40, v41;
	[tilespmem:s9+$0x1E0] =	vst v12  }
0x87: {  	v52 =	vld [tilespmem:s9+$0x260];
	v9 =	vmul.f32 v45, v50;
	[tilespmem:s9+$0x1F0] =	vst v13  }
0x88: {  	v48 =	vld [tilespmem:s9+$0x230];
	v7 =	vmul.f32 v46, v50;
	[tilespmem:s9+$0x1C0] =	vst v11  }
0x89: {  	v53 =	vld [tilespmem:s9+$0x270];
	v8 =	vmul.f32 v47, v50;
	[tilespmem:s9+$0x200] =	vst v9  }
0x8a: {  	v54 =	vld [tilespmem:s9+$0x280];
	v10 =	vmul.f32 v49, v50;
	[tilespmem:s9+$0x210] =	vst v7  }
0x8b: {  	v55 =	vld [tilespmem:s9+$0x290];
	v12 =	vmul.f32 v51, v50;
	[tilespmem:s9+$0x220] =	vst v8  }
0x8c: {  	v57 =	vld [tilespmem:s9+$0x2B0];
	v13 =	vmul.f32 v52, v50;
	[tilespmem:s9+$0x240] =	vst v10  }
0x8d: {  	v58 =	vld [tilespmem:s9+$0x2C0];
	v59 =	vbroadcast v1, $0x5;
	v11 =	vmul.f32 v48, v50;
	[tilespmem:s9+$0x250] =	vst v12  }
0x8e: {  	v60 =	vld [tilespmem:s9+$0x2D0];
	v9 =	vmul.f32 v53, v50;
	[tilespmem:s9+$0x260] =	vst v13  }
0x8f: {  	v56 =	vld [tilespmem:s9+$0x2A0];
	v7 =	vmul.f32 v54, v59;
	[tilespmem:s9+$0x230] =	vst v11  }
0x90: {  	v61 =	vld [tilespmem:s9+$0x2E0];
	v8 =	vmul.f32 v55, v59;
	[tilespmem:s9+$0x270] =	vst v9  }
0x91: {  	v62 =	vld [tilespmem:s9+$0x2F0];
	v10 =	vmul.f32 v57, v59;
	[tilespmem:s9+$0x280] =	vst v7  }
0x92: {  	v63 =	vld [tilespmem:s9+$0x300];
	v12 =	vmul.f32 v58, v59;
	[tilespmem:s9+$0x290] =	vst v8  }
0x93: {  	v19 =	vld [tilespmem:s9+$0x320];
	v13 =	vmul.f32 v60, v59;
	[tilespmem:s9+$0x2B0] =	vst v10  }
0x94: {  	v20 =	vld [tilespmem:s9+$0x330];
	v11 =	vmul.f32 v56, v59;
	[tilespmem:s9+$0x2C0] =	vst v12  }
0x95: {  	v21 =	vld [tilespmem:s9+$0x340];
	v22 =	vbroadcast v1, $0x6;
	v9 =	vmul.f32 v61, v59;
	[tilespmem:s9+$0x2D0] =	vst v13  }
0x96: {  	v18 =	vld [tilespmem:s9+$0x310];
	v7 =	vmul.f32 v62, v59;
	[tilespmem:s9+$0x2A0] =	vst v11  }
0x97: {  	v23 =	vld [tilespmem:s9+$0x350];
	v8 =	vmul.f32 v63, v22;
	[tilespmem:s9+$0x2E0] =	vst v9  }
0x98: {  	v24 =	vld [tilespmem:s9+$0x360];
	v10 =	vmul.f32 v19, v22;
	[tilespmem:s9+$0x2F0] =	vst v7  }
0x99: {  	v25 =	vld [tilespmem:s9+$0x370];
	v12 =	vmul.f32 v20, v22;
	[tilespmem:s9+$0x300] =	vst v8  }
0x9a: {  	v27 =	vld [tilespmem:s9+$0x390];
	v13 =	vmul.f32 v21, v22;
	[tilespmem:s9+$0x320] =	vst v10  }
0x9b: {  	v28 =	vld [tilespmem:s9+$0x3A0];
	v11 =	vmul.f32 v18, v22;
	[tilespmem:s9+$0x330] =	vst v12  }
0x9c: {  	v29 =	vld [tilespmem:s9+$0x3B0];
	v9 =	vmul.f32 v23, v22;
	[tilespmem:s9+$0x340] =	vst v13  }
0x9d: {  	v31 =	vbroadcast v1, $0x7;
	v53 =	vld [tilespmem:s9+$0x500];
	v7 =	vmul.f32 v24, v22;
	[tilespmem:s9+$0x310] =	vst v11  }
0x9e: {  	v57 =	vld [tilespmem:s9+$0x540];
	v8 =	vmul.f32 v25, v22;
	[tilespmem:s9+$0x350] =	vst v9  }
0x9f: {  	v58 =	vld [tilespmem:s9+$0x550];
	v10 =	vmul.f32 v27, v31;
	[tilespmem:s9+$0x360] =	vst v7  }
0xa0: {  	v26 =	vld [tilespmem:s9+$0x380];
	v12 =	vmul.f32 v28, v31;
	[tilespmem:s9+$0x370] =	vst v8  }
0xa1: {  	v30 =	vld [tilespmem:s9+$0x3C0];
	v13 =	vmul.f32 v29, v31;
	[tilespmem:s9+$0x390] =	vst v10  }
0xa2: {  	v32 =	vld [tilespmem:s9+$0x3D0];
	v59 =	vmul.f32 v53, v5;
	[tilespmem:s9+$0x3A0] =	vst v12  }
0xa3: {  	v33 =	vld [tilespmem:s9+$0x3E0];
	v18 =	vmul.f32 v57, v5;
	[tilespmem:s9+$0x3B0] =	vst v13  }
0xa4: {  	v35 =	vld [tilespmem:s9+$0x400];
	v20 =	vmul.f32 v58, v5;
	[tilespmem:s9+$0x500] =	vst v59  }
0xa5: {  	v36 =	vld [tilespmem:s9+$0x410];
	v11 =	vmul.f32 v26, v31;
	[tilespmem:s9+$0x540] =	vst v18  }
0xa6: {  	v37 =	vld [tilespmem:s9+$0x420];
	v9 =	vmul.f32 v30, v31;
	[tilespmem:s9+$0x550] =	vst v20  }
0xa7: {  	v4 =	vld [tilespmem:s9+$0x580];
	v40 =	vbroadcast v1, $0x8;
	v7 =	vmul.f32 v32, v31;
	[tilespmem:s9+$0x380] =	vst v11  }
0xa8: {  	v6 =	vld [tilespmem:s9+$0x590];
	v8 =	vmul.f32 v33, v31;
	[tilespmem:s9+$0x3C0] =	vst v9  }
0xa9: {  	v3 =	vld [tilespmem:s9+$0x7D0];
	v10 =	vmul.f32 v35, v40;
	[tilespmem:s9+$0x3D0] =	vst v7  }
0xaa: {  	v61 =	vld [tilespmem:s9+$0x0];
	v23 =	vbroadcast v1, $0xB;
	v12 =	vmul.f32 v36, v40;
	[tilespmem:s9+$0x3E0] =	vst v8  }
0xab: {  	v34 =	vld [tilespmem:s9+$0x3F0];
	v13 =	vmul.f32 v37, v40;
	[tilespmem:s9+$0x400] =	vst v10  }
0xac: {  	v38 =	vld [tilespmem:s9+$0x430];
	v27 =	vbroadcast v1, $0xF;
	v4 =	vmul.f32 v4, v23;
	[tilespmem:s9+$0x410] =	vst v12  }
0xad: {  	v39 =	vld [tilespmem:s9+$0x440];
	v6 =	vmul.f32 v6, v23;
	[tilespmem:s9+$0x420] =	vst v13  }
0xae: {  	v41 =	vld [tilespmem:s9+$0x450];
	v3 =	vmul.f32 v3, v27;
	[tilespmem:s9+$0x580] =	vst v4  }
0xaf: {  	v43 =	vld [tilespmem:s9+$0x470];
	v24 =	vmul.f32 v2, v61;
	[tilespmem:s9+$0x590] =	vst v6  }
0xb0: {  	v44 =	vld [tilespmem:s9+$0x480];
	v11 =	vmul.f32 v34, v31;
	[tilespmem:s9+$0x7D0] =	vst v3  }
0xb1: {  	v45 =	vld [tilespmem:s9+$0x490];
	v9 =	vmul.f32 v38, v40;
	[tilespmem:s9+$0x0] =	vst v24  }
0xb2: {  	v63 =	vld [tilespmem:s9+$0x40];
	v7 =	vmul.f32 v39, v40;
	[tilespmem:s9+$0x3F0] =	vst v11  }
0xb3: {  	v49 =	vbroadcast v1, $0x9;
	v29 =	vld [tilespmem:s9+$0x5F0];
	v8 =	vmul.f32 v41, v40;
	[tilespmem:s9+$0x430] =	vst v9  }
0xb4: {  	v42 =	vld [tilespmem:s9+$0x460];
	v10 =	vmul.f32 v43, v40;
	[tilespmem:s9+$0x440] =	vst v7  }
0xb5: {  	v46 =	vld [tilespmem:s9+$0x4A0];
	v12 =	vmul.f32 v44, v49;
	[tilespmem:s9+$0x450] =	vst v8  }
0xb6: {  	v47 =	vld [tilespmem:s9+$0x4B0];
	v13 =	vmul.f32 v45, v49;
	[tilespmem:s9+$0x470] =	vst v10  }
0xb7: {  	v48 =	vld [tilespmem:s9+$0x4C0];
	v3 =	vmul.f32 v63, v2;
	[tilespmem:s9+$0x480] =	vst v12  }
0xb8: {  	v51 =	vld [tilespmem:s9+$0x4E0];
	v6 =	vmul.f32 v29, v23;
	[tilespmem:s9+$0x490] =	vst v13  }
0xb9: {  	v52 =	vld [tilespmem:s9+$0x4F0];
	v11 =	vmul.f32 v42, v40;
	[tilespmem:s9+$0x40] =	vst v3  }
0xba: {  	v28 =	vld [tilespmem:s9+$0x5E0];
	v9 =	vmul.f32 v46, v49;
	[tilespmem:s9+$0x5F0] =	vst v6  }
0xbb: {  	v26 =	vld [tilespmem:s9+$0x5D0];
	v7 =	vmul.f32 v47, v49;
	[tilespmem:s9+$0x460] =	vst v11  }
0xbc: {  	v30 =	vld [tilespmem:s9+$0x600];
	v8 =	vmul.f32 v48, v49;
	[tilespmem:s9+$0x4A0] =	vst v9  }
0xbd: {  	v50 =	vld [tilespmem:s9+$0x4D0];
	v10 =	vmul.f32 v51, v49;
	[tilespmem:s9+$0x4B0] =	vst v7  }
0xbe: {  	v54 =	vld [tilespmem:s9+$0x510];
	v12 =	vmul.f32 v52, v49;
	[tilespmem:s9+$0x4C0] =	vst v8  }
0xbf: {  	v55 =	vld [tilespmem:s9+$0x520];
	v35 =	vbroadcast v1, $0xC;
	v40 =	vmul.f32 v28, v23;
	[tilespmem:s9+$0x4E0] =	vst v10  }
0xc0: {  	v56 =	vld [tilespmem:s9+$0x530];
	v32 =	vmul.f32 v26, v23;
	[tilespmem:s9+$0x4F0] =	vst v12  }
0xc1: {  	v60 =	vld [tilespmem:s9+$0x560];
	v15 =	vmul.f32 v30, v35;
	[tilespmem:s9+$0x5E0] =	vst v40  }
0xc2: {  	v62 =	vld [tilespmem:s9+$0x10];
	v11 =	vmul.f32 v50, v49;
	[tilespmem:s9+$0x5D0] =	vst v32  }
0xc3: {  	v19 =	vld [tilespmem:s9+$0x50];
	v9 =	vmul.f32 v54, v5;
	[tilespmem:s9+$0x600] =	vst v15  }
0xc4: {  	v33 =	vld [tilespmem:s9+$0x630];
	v7 =	vmul.f32 v55, v5;
	[tilespmem:s9+$0x4D0] =	vst v11  }
0xc5: {  	v61 =	vld [tilespmem:s9+$0x7F0];
	v8 =	vmul.f32 v56, v5;
	[tilespmem:s9+$0x510] =	vst v9  }
0xc6: {  	v38 =	vld [tilespmem:s9+$0x670];
	v5 =	vmul.f32 v60, v5;
	[tilespmem:s9+$0x520] =	vst v7  }
0xc7: {  	v21 =	vld [tilespmem:s9+$0x5A0];
	v12 =	vmul.f32 v62, v2;
	[tilespmem:s9+$0x530] =	vst v8  }
0xc8: {  	v22 =	vld [tilespmem:s9+$0x5B0];
	v2 =	vmul.f32 v19, v2;
	[tilespmem:s9+$0x560] =	vst v5  }
0xc9: {  	v25 =	vld [tilespmem:s9+$0x5C0];
	v62 =	vmul.f32 v33, v35;
	[tilespmem:s9+$0x10] =	vst v12  }
0xca: {  	v31 =	vld [tilespmem:s9+$0x610];
	v63 =	vmul.f32 v61, v27;
	[tilespmem:s9+$0x50] =	vst v2  }
0xcb: {  	v34 =	vld [tilespmem:s9+$0x640];
	v15 =	vmul.f32 v38, v35;
	[tilespmem:s9+$0x630] =	vst v62  }
0xcc: {  	v41 =	vld [tilespmem:s9+$0x6A0];
	v7 =	vmul.f32 v21, v23;
	[tilespmem:s9+$0x7F0] =	vst v63  }
0xcd: {  	v46 =	vld [tilespmem:s9+$0x6E0];
	v8 =	vmul.f32 v22, v23;
	[tilespmem:s9+$0x670] =	vst v15  }
0xce: {  	v36 =	vld [tilespmem:s9+$0x650];
	v5 =	vmul.f32 v25, v23;
	[tilespmem:s9+$0x5A0] =	vst v7  }
0xcf: {  	v44 =	vbroadcast v1, $0xD;
	v9 =	vmul.f32 v31, v35;
	v2 =	vld [tilespmem:s9+$0x690];
	[tilespmem:s9+$0x5B0] =	vst v8  }
0xd0: {  	v37 =	vld [tilespmem:s9+$0x660];
	v12 =	vmul.f32 v34, v35;
	[tilespmem:s9+$0x5C0] =	vst v5  }
0xd1: {  	v39 =	vld [tilespmem:s9+$0x680];
	v11 =	vmul.f32 v41, v44;
	[tilespmem:s9+$0x610] =	vst v9  }
0xd2: {  	v42 =	vld [tilespmem:s9+$0x6B0];
	v51 =	vmul.f32 v46, v44;
	[tilespmem:s9+$0x640] =	vst v12  }
0xd3: {  	v48 =	vld [tilespmem:s9+$0x710];
	v8 =	vmul.f32 v36, v35;
	[tilespmem:s9+$0x6A0] =	vst v11  }
0xd4: {  	v49 =	vld [tilespmem:s9+$0x720];
	[tilespmem:s9+$0x6E0] =	vst v51;
	v2 =	vmul.f32 v2, v44  }
0xd5: {  	v50 =	vld [tilespmem:s9+$0x730];
	v5 =	vmul.f32 v37, v35;
	[tilespmem:s9+$0x650] =	vst v8  }
0xd6: {  	v1 =	vbroadcast v1, $0xE;
	v9 =	vmul.f32 v39, v44;
	[tilespmem:s9+$0x690] =	vst v2;
	v2 =	vld [tilespmem:s9+$0x700]  }
0xd7: {  	v60 =	vld [tilespmem:s9+$0x7E0];
	v12 =	vmul.f32 v42, v44;
	[tilespmem:s9+$0x660] =	vst v5  }
0xd8: {  	v45 =	vld [tilespmem:s9+$0x6D0];
	v11 =	vmul.f32 v48, v1;
	[tilespmem:s9+$0x680] =	vst v9  }
0xd9: {  	v47 =	vld [tilespmem:s9+$0x6F0];
	v10 =	vmul.f32 v49, v1;
	[tilespmem:s9+$0x6B0] =	vst v12  }
0xda: {  	v43 =	vld [tilespmem:s9+$0x6C0];
	v6 =	vmul.f32 v50, v1;
	[tilespmem:s9+$0x710] =	vst v11  }
0xdb: {  	v55 =	vld [tilespmem:s9+$0x780];
	[tilespmem:s9+$0x720] =	vst v10;
	v2 =	vmul.f32 v2, v1  }
0xdc: {  	v57 =	vld [tilespmem:s9+$0x7A0];
	v4 =	vmul.f32 v60, v27;
	[tilespmem:s9+$0x730] =	vst v6  }
0xdd: {  	v5 =	vmul.f32 v45, v44;
	[tilespmem:s9+$0x700] =	vst v2;
	v2 =	vld [tilespmem:s9+$0x770]  }
0xde: {  	v52 =	vld [tilespmem:s9+$0x740];
	v9 =	vmul.f32 v47, v44;
	[tilespmem:s9+$0x7E0] =	vst v4  }
0xdf: {  	v56 =	vld [tilespmem:s9+$0x790];
	v8 =	vmul.f32 v43, v44;
	[tilespmem:s9+$0x6D0] =	vst v5  }
0xe0: {  	v54 =	vld [tilespmem:s9+$0x760];
	v11 =	vmul.f32 v55, v27;
	[tilespmem:s9+$0x6F0] =	vst v9  }
0xe1: {  	v58 =	vld [tilespmem:s9+$0x7B0];
	v6 =	vmul.f32 v57, v27;
	[tilespmem:s9+$0x6C0] =	vst v8  }
0xe2: {  	v53 =	vld [tilespmem:s9+$0x750];
	[tilespmem:s9+$0x780] =	vst v11;
	v2 =	vmul.f32 v2, v1  }
0xe3: {  	v59 =	vld [tilespmem:s9+$0x7C0];
	v5 =	vmul.f32 v52, v1;
	[tilespmem:s9+$0x7A0] =	vst v6  }
0xe4: {  	[tilespmem:s9+$0x770] =	vst v2;
	v2 =	vmul.f32 v56, v27  }
0xe5: {  	v3 =	vld [tilespmem:s9+$0x620];
	v9 =	vmul.f32 v54, v1;
	[tilespmem:s9+$0x740] =	vst v5  }
0xe6: {  	[tilespmem:s9+$0x790] =	vst v2;
	v2 =	vmul.f32 v58, v27  }
0xe7: {  	[tilespmem:s9+$0x760] =	vst v9;
	v1 =	vmul.f32 v53, v1  }
0xe8: {  	[tilespmem:s9+$0x7B0] =	vst v2;
	v2 =	vmul.f32 v59, v27  }
0xe9: {  	[tilespmem:s9+$0x750] =	vst v1  }
0xea: {  	s10 =	simm.s32 $0x1;
	[tilespmem:s9+$0x7C0] =	vst v2;
	v2 =	vmul.f32 v3, v35  }
.LBB2_5:
0xeb: {  	s11 =	sshll.u32 s10, $0x4  }
0xec: {  	p0 =	sne.s32 s10, $0x4;
	[tilespmem:s9+$0x620] =	vst v2;
	s9 =	smov.u32 s10;
	s10 =	sadd.s32 $0x1, s10  }
0xed: {  	s11 =	sand.u32 $0x3FFFFFF0, s11  }
0xee: {  	s9 =	sshll.u32 s9, $0xB;
	v1 =	vld [tilespmem:s11+$0x2900]  }
0xef: {  	s9 =	sand.u32 $0x3FFFF800, s9  }
0xf0: {  	v8 =	vld [tilespmem:s9+$0xC0]  }
0xf1: {  	v9 =	vld [tilespmem:s9+$0xD0]  }
0xf2: {  	v10 =	vld [tilespmem:s9+$0xB0]  }
0xf3: {  	v2 =	vbroadcast v1, $0x0;
	v3 =	vld [tilespmem:s9+$0x20];
	v7 =	vbroadcast v1, $0x4  }
0xf4: {  	v5 =	vld [tilespmem:s9+$0x30]  }
0xf5: {  	v6 =	vld [tilespmem:s9+$0x570]  }
0xf6: {  	v11 =	vld [tilespmem:s9+$0x60]  }
0xf7: {  	v12 =	vld [tilespmem:s9+$0x70]  }
0xf8: {  	v4 =	vbroadcast v1, $0xA;
	v3 =	vmul.f32 v3, v2;
	v13 =	vld [tilespmem:s9+$0x80]  }
0xf9: {  	v5 =	vmul.f32 v5, v2;
	v14 =	vld [tilespmem:s9+$0x90]  }
0xfa: {  	[tilespmem:s9+$0x20] =	vst v3;
	v15 =	vld [tilespmem:s9+$0xA0];
	v3 =	vmul.f32 v6, v4  }
0xfb: {  	[tilespmem:s9+$0x30] =	vst v5;
	v6 =	vmul.f32 v11, v2;
	v11 =	vbroadcast v1, $0x1;
	v5 =	vld [tilespmem:s9+$0x580]  }
0xfc: {  	v12 =	vmul.f32 v12, v2;
	[tilespmem:s9+$0x570] =	vst v3;
	v3 =	vld [tilespmem:s9+$0x7D0]  }
0xfd: {  	[tilespmem:s9+$0x60] =	vst v6;
	v13 =	vmul.f32 v13, v11;
	v6 =	vld [tilespmem:s9+$0x590]  }
0xfe: {  	[tilespmem:s9+$0x70] =	vst v12;
	v12 =	vmul.f32 v14, v11;
	v14 =	vld [tilespmem:s9+$0xE0]  }
0xff: {  	[tilespmem:s9+$0x80] =	vst v13;
	v13 =	vmul.f32 v15, v11;
	v15 =	vld [tilespmem:s9+$0xF0]  }
0x100: {  	v10 =	vmul.f32 v10, v11;
	[tilespmem:s9+$0x90] =	vst v12;
	v12 =	vld [tilespmem:s9+$0x100]  }
0x101: {  	v8 =	vmul.f32 v8, v11;
	[tilespmem:s9+$0xA0] =	vst v13;
	v13 =	vld [tilespmem:s9+$0x110]  }
0x102: {  	v9 =	vmul.f32 v9, v11;
	[tilespmem:s9+$0xB0] =	vst v10;
	v10 =	vld [tilespmem:s9+$0x120]  }
0x103: {  	[tilespmem:s9+$0xC0] =	vst v8;
	v8 =	vmul.f32 v14, v11;
	v14 =	vbroadcast v1, $0x2;
	v16 =	vld [tilespmem:s9+$0x130]  }
0x104: {  	[tilespmem:s9+$0xD0] =	vst v9;
	v9 =	vmul.f32 v15, v11;
	v11 =	vld [tilespmem:s9+$0x140]  }
0x105: {  	[tilespmem:s9+$0xE0] =	vst v8;
	v8 =	vmul.f32 v12, v14;
	v12 =	vld [tilespmem:s9+$0x150]  }
0x106: {  	[tilespmem:s9+$0xF0] =	vst v9;
	v9 =	vmul.f32 v13, v14;
	v13 =	vld [tilespmem:s9+$0x160]  }
0x107: {  	[tilespmem:s9+$0x100] =	vst v8;
	v8 =	vmul.f32 v10, v14;
	v10 =	vld [tilespmem:s9+$0x170]  }
0x108: {  	[tilespmem:s9+$0x110] =	vst v9;
	v9 =	vmul.f32 v16, v14;
	v15 =	vld [tilespmem:s9+$0x180]  }
0x109: {  	[tilespmem:s9+$0x120] =	vst v8;
	v8 =	vmul.f32 v11, v14;
	v11 =	vld [tilespmem:s9+$0x190]  }
0x10a: {  	[tilespmem:s9+$0x130] =	vst v9;
	v9 =	vmul.f32 v12, v14;
	v12 =	vld [tilespmem:s9+$0x1A0]  }
0x10b: {  	[tilespmem:s9+$0x140] =	vst v8;
	v8 =	vmul.f32 v13, v14;
	v13 =	vbroadcast v1, $0x3;
	v16 =	vld [tilespmem:s9+$0x1B0]  }
0x10c: {  	[tilespmem:s9+$0x150] =	vst v9;
	v9 =	vmul.f32 v10, v14;
	v10 =	vld [tilespmem:s9+$0x1C0]  }
0x10d: {  	[tilespmem:s9+$0x160] =	vst v8;
	v8 =	vmul.f32 v15, v13;
	v14 =	vld [tilespmem:s9+$0x1D0]  }
0x10e: {  	[tilespmem:s9+$0x170] =	vst v9;
	v9 =	vmul.f32 v11, v13;
	v11 =	vld [tilespmem:s9+$0x1E0]  }
0x10f: {  	[tilespmem:s9+$0x180] =	vst v8;
	v8 =	vmul.f32 v12, v13;
	v12 =	vld [tilespmem:s9+$0x1F0]  }
0x110: {  	[tilespmem:s9+$0x190] =	vst v9;
	v9 =	vmul.f32 v16, v13;
	v15 =	vld [tilespmem:s9+$0x200]  }
0x111: {  	[tilespmem:s9+$0x1A0] =	vst v8;
	v8 =	vmul.f32 v10, v13;
	v10 =	vld [tilespmem:s9+$0x210]  }
0x112: {  	[tilespmem:s9+$0x1B0] =	vst v9;
	v9 =	vmul.f32 v14, v13;
	v14 =	vld [tilespmem:s9+$0x220]  }
0x113: {  	[tilespmem:s9+$0x1C0] =	vst v8;
	v8 =	vmul.f32 v11, v13;
	v11 =	vld [tilespmem:s9+$0x230]  }
0x114: {  	[tilespmem:s9+$0x1D0] =	vst v9;
	v9 =	vmul.f32 v12, v13;
	v12 =	vld [tilespmem:s9+$0x240]  }
0x115: {  	[tilespmem:s9+$0x1E0] =	vst v8;
	v8 =	vmul.f32 v15, v7;
	v13 =	vld [tilespmem:s9+$0x250]  }
0x116: {  	[tilespmem:s9+$0x1F0] =	vst v9;
	v9 =	vmul.f32 v10, v7;
	v10 =	vld [tilespmem:s9+$0x260]  }
0x117: {  	[tilespmem:s9+$0x200] =	vst v8;
	v8 =	vmul.f32 v14, v7;
	v14 =	vld [tilespmem:s9+$0x270]  }
0x118: {  	[tilespmem:s9+$0x210] =	vst v9;
	v9 =	vmul.f32 v11, v7;
	v11 =	vld [tilespmem:s9+$0x280]  }
0x119: {  	[tilespmem:s9+$0x220] =	vst v8;
	v8 =	vmul.f32 v12, v7;
	v12 =	vld [tilespmem:s9+$0x290]  }
0x11a: {  	[tilespmem:s9+$0x230] =	vst v9;
	v9 =	vmul.f32 v13, v7;
	v13 =	vld [tilespmem:s9+$0x2A0]  }
0x11b: {  	[tilespmem:s9+$0x240] =	vst v8;
	v8 =	vmul.f32 v10, v7;
	v10 =	vbroadcast v1, $0x5;
	v15 =	vld [tilespmem:s9+$0x2B0]  }
0x11c: {  	[tilespmem:s9+$0x250] =	vst v9;
	v7 =	vmul.f32 v14, v7;
	v9 =	vld [tilespmem:s9+$0x2C0]  }
0x11d: {  	[tilespmem:s9+$0x260] =	vst v8;
	v8 =	vmul.f32 v11, v10;
	v11 =	vld [tilespmem:s9+$0x2D0]  }
0x11e: {  	[tilespmem:s9+$0x270] =	vst v7;
	v7 =	vmul.f32 v12, v10;
	v12 =	vld [tilespmem:s9+$0x2E0]  }
0x11f: {  	[tilespmem:s9+$0x280] =	vst v8;
	v8 =	vmul.f32 v13, v10;
	v13 =	vld [tilespmem:s9+$0x2F0]  }
0x120: {  	[tilespmem:s9+$0x290] =	vst v7;
	v7 =	vmul.f32 v15, v10;
	v14 =	vld [tilespmem:s9+$0x300]  }
0x121: {  	[tilespmem:s9+$0x2A0] =	vst v8;
	v8 =	vmul.f32 v9, v10;
	v9 =	vld [tilespmem:s9+$0x310]  }
0x122: {  	[tilespmem:s9+$0x2B0] =	vst v7;
	v7 =	vmul.f32 v11, v10;
	v11 =	vld [tilespmem:s9+$0x320]  }
0x123: {  	[tilespmem:s9+$0x2C0] =	vst v8;
	v8 =	vmul.f32 v12, v10;
	v12 =	vbroadcast v1, $0x6;
	v15 =	vld [tilespmem:s9+$0x330]  }
0x124: {  	[tilespmem:s9+$0x2D0] =	vst v7;
	v7 =	vmul.f32 v13, v10;
	v10 =	vld [tilespmem:s9+$0x340]  }
0x125: {  	[tilespmem:s9+$0x2E0] =	vst v8;
	v8 =	vmul.f32 v14, v12;
	v13 =	vld [tilespmem:s9+$0x350]  }
0x126: {  	[tilespmem:s9+$0x2F0] =	vst v7;
	v7 =	vmul.f32 v9, v12;
	v9 =	vld [tilespmem:s9+$0x360]  }
0x127: {  	[tilespmem:s9+$0x300] =	vst v8;
	v8 =	vmul.f32 v11, v12;
	v11 =	vld [tilespmem:s9+$0x370]  }
0x128: {  	[tilespmem:s9+$0x310] =	vst v7;
	v7 =	vmul.f32 v15, v12;
	v14 =	vld [tilespmem:s9+$0x380]  }
0x129: {  	[tilespmem:s9+$0x320] =	vst v8;
	v8 =	vmul.f32 v10, v12;
	v10 =	vld [tilespmem:s9+$0x390]  }
0x12a: {  	[tilespmem:s9+$0x330] =	vst v7;
	v7 =	vmul.f32 v13, v12;
	v13 =	vld [tilespmem:s9+$0x3A0]  }
0x12b: {  	[tilespmem:s9+$0x340] =	vst v8;
	v8 =	vmul.f32 v9, v12;
	v9 =	vbroadcast v1, $0x7;
	v15 =	vld [tilespmem:s9+$0x3B0]  }
0x12c: {  	[tilespmem:s9+$0x350] =	vst v7;
	v7 =	vmul.f32 v11, v12;
	v11 =	vld [tilespmem:s9+$0x3C0]  }
0x12d: {  	[tilespmem:s9+$0x360] =	vst v8;
	v8 =	vmul.f32 v14, v9;
	v12 =	vld [tilespmem:s9+$0x3D0]  }
0x12e: {  	[tilespmem:s9+$0x370] =	vst v7;
	v7 =	vmul.f32 v10, v9;
	v10 =	vld [tilespmem:s9+$0x3E0]  }
0x12f: {  	[tilespmem:s9+$0x380] =	vst v8;
	v8 =	vmul.f32 v13, v9;
	v13 =	vld [tilespmem:s9+$0x3F0]  }
0x130: {  	[tilespmem:s9+$0x390] =	vst v7;
	v7 =	vmul.f32 v15, v9;
	v14 =	vld [tilespmem:s9+$0x400]  }
0x131: {  	[tilespmem:s9+$0x3A0] =	vst v8;
	v8 =	vmul.f32 v11, v9;
	v11 =	vld [tilespmem:s9+$0x410]  }
0x132: {  	[tilespmem:s9+$0x3B0] =	vst v7;
	v7 =	vmul.f32 v12, v9;
	v12 =	vld [tilespmem:s9+$0x420]  }
0x133: {  	[tilespmem:s9+$0x3C0] =	vst v8;
	v8 =	vmul.f32 v10, v9;
	v10 =	vbroadcast v1, $0x8;
	v15 =	vld [tilespmem:s9+$0x430]  }
0x134: {  	[tilespmem:s9+$0x3D0] =	vst v7;
	v7 =	vmul.f32 v13, v9;
	v9 =	vld [tilespmem:s9+$0x440]  }
0x135: {  	[tilespmem:s9+$0x3E0] =	vst v8;
	v8 =	vmul.f32 v14, v10;
	v13 =	vld [tilespmem:s9+$0x450]  }
0x136: {  	[tilespmem:s9+$0x3F0] =	vst v7;
	v7 =	vmul.f32 v11, v10;
	v11 =	vld [tilespmem:s9+$0x460]  }
0x137: {  	[tilespmem:s9+$0x400] =	vst v8;
	v8 =	vmul.f32 v12, v10;
	v12 =	vld [tilespmem:s9+$0x470]  }
0x138: {  	[tilespmem:s9+$0x410] =	vst v7;
	v7 =	vmul.f32 v15, v10;
	v14 =	vld [tilespmem:s9+$0x480]  }
0x139: {  	[tilespmem:s9+$0x420] =	vst v8;
	v8 =	vmul.f32 v9, v10;
	v9 =	vld [tilespmem:s9+$0x490]  }
0x13a: {  	[tilespmem:s9+$0x430] =	vst v7;
	v7 =	vmul.f32 v13, v10;
	v13 =	vld [tilespmem:s9+$0x4A0]  }
0x13b: {  	[tilespmem:s9+$0x440] =	vst v8;
	v8 =	vmul.f32 v11, v10;
	v11 =	vbroadcast v1, $0x9;
	v15 =	vld [tilespmem:s9+$0x4B0]  }
0x13c: {  	[tilespmem:s9+$0x450] =	vst v7;
	v7 =	vmul.f32 v12, v10;
	v10 =	vld [tilespmem:s9+$0x4C0]  }
0x13d: {  	[tilespmem:s9+$0x460] =	vst v8;
	v8 =	vmul.f32 v14, v11;
	v12 =	vld [tilespmem:s9+$0x4D0]  }
0x13e: {  	[tilespmem:s9+$0x470] =	vst v7;
	v7 =	vmul.f32 v9, v11;
	v9 =	vld [tilespmem:s9+$0x4E0]  }
0x13f: {  	[tilespmem:s9+$0x480] =	vst v8;
	v8 =	vmul.f32 v13, v11;
	v13 =	vld [tilespmem:s9+$0x4F0]  }
0x140: {  	[tilespmem:s9+$0x490] =	vst v7;
	v7 =	vmul.f32 v15, v11;
	v14 =	vld [tilespmem:s9+$0x500]  }
0x141: {  	[tilespmem:s9+$0x4A0] =	vst v8;
	v8 =	vmul.f32 v10, v11;
	v10 =	vld [tilespmem:s9+$0x510]  }
0x142: {  	[tilespmem:s9+$0x4B0] =	vst v7;
	v7 =	vmul.f32 v12, v11;
	v12 =	vld [tilespmem:s9+$0x520]  }
0x143: {  	[tilespmem:s9+$0x4C0] =	vst v8;
	v8 =	vmul.f32 v9, v11;
	v9 =	vld [tilespmem:s9+$0x530]  }
0x144: {  	[tilespmem:s9+$0x4D0] =	vst v7;
	v7 =	vmul.f32 v13, v11;
	v11 =	vld [tilespmem:s9+$0x540]  }
0x145: {  	[tilespmem:s9+$0x4E0] =	vst v8;
	v8 =	vmul.f32 v14, v4;
	v13 =	vld [tilespmem:s9+$0x550]  }
0x146: {  	[tilespmem:s9+$0x4F0] =	vst v7;
	v7 =	vmul.f32 v10, v4;
	v10 =	vld [tilespmem:s9+$0x560]  }
0x147: {  	v14 =	vld [tilespmem:s9+$0x0];
	[tilespmem:s9+$0x500] =	vst v8;
	v8 =	vmul.f32 v12, v4  }
0x148: {  	v12 =	vld [tilespmem:s9+$0x10];
	[tilespmem:s9+$0x510] =	vst v7;
	v7 =	vmul.f32 v9, v4  }
0x149: {  	v9 =	vld [tilespmem:s9+$0x40];
	[tilespmem:s9+$0x520] =	vst v8;
	v8 =	vmul.f32 v11, v4  }
0x14a: {  	v11 =	vld [tilespmem:s9+$0x50];
	[tilespmem:s9+$0x530] =	vst v7;
	v7 =	vmul.f32 v13, v4  }
0x14b: {  	[tilespmem:s9+$0x540] =	vst v8;
	v8 =	vmul.f32 v10, v4;
	v10 =	vbroadcast v1, $0xB;
	v13 =	vld [tilespmem:s9+$0x5A0]  }
0x14c: {  	v4 =	vbroadcast v1, $0xF;
	v14 =	vmul.f32 v2, v14;
	[tilespmem:s9+$0x550] =	vst v7;
	v7 =	vld [tilespmem:s9+$0x5B0]  }
0x14d: {  	v12 =	vmul.f32 v12, v2;
	[tilespmem:s9+$0x560] =	vst v8;
	v5 =	vmul.f32 v5, v10;
	v8 =	vld [tilespmem:s9+$0x5C0]  }
0x14e: {  	v6 =	vmul.f32 v6, v10;
	[tilespmem:s9+$0x0] =	vst v14;
	v9 =	vmul.f32 v9, v2;
	v14 =	vld [tilespmem:s9+$0x5D0]  }
0x14f: {  	v3 =	vmul.f32 v3, v4;
	v11 =	vmul.f32 v11, v2;
	[tilespmem:s9+$0x580] =	vst v5;
	v2 =	vld [tilespmem:s9+$0x5E0]  }
0x150: {  	[tilespmem:s9+$0x590] =	vst v6;
	v5 =	vmul.f32 v13, v10;
	v6 =	vld [tilespmem:s9+$0x5F0]  }
0x151: {  	v7 =	vmul.f32 v7, v10;
	v13 =	vld [tilespmem:s9+$0x600];
	[tilespmem:s9+$0x7D0] =	vst v3  }
0x152: {  	[tilespmem:s9+$0x10] =	vst v12;
	v3 =	vmul.f32 v8, v10;
	v8 =	vld [tilespmem:s9+$0x610]  }
0x153: {  	[tilespmem:s9+$0x40] =	vst v9;
	v9 =	vmul.f32 v14, v10;
	v12 =	vld [tilespmem:s9+$0x620]  }
0x154: {  	v14 =	vbroadcast v1, $0xC;
	[tilespmem:s9+$0x5A0] =	vst v5;
	v5 =	vmul.f32 v2, v10;
	v15 =	vld [tilespmem:s9+$0x630]  }
0x155: {  	[tilespmem:s9+$0x5D0] =	vst v9;
	v6 =	vmul.f32 v6, v10;
	v9 =	vld [tilespmem:s9+$0x640]  }
0x156: {  	[tilespmem:s9+$0x5B0] =	vst v7;
	v2 =	vmul.f32 v13, v14;
	v7 =	vld [tilespmem:s9+$0x650]  }
0x157: {  	[tilespmem:s9+$0x5C0] =	vst v3;
	v3 =	vmul.f32 v8, v14;
	v8 =	vld [tilespmem:s9+$0x660]  }
0x158: {  	[tilespmem:s9+$0x600] =	vst v2;
	v2 =	vmul.f32 v12, v14;
	v10 =	vld [tilespmem:s9+$0x670]  }
0x159: {  	[tilespmem:s9+$0x610] =	vst v3;
	v3 =	vld [tilespmem:s9+$0x680]  }
0x15a: {  	[tilespmem:s9+$0x50] =	vst v11;
	v9 =	vmul.f32 v9, v14;
	v11 =	vld [tilespmem:s9+$0x690]  }
0x15b: {  	[tilespmem:s9+$0x5E0] =	vst v5;
	v5 =	vmul.f32 v7, v14;
	v7 =	vld [tilespmem:s9+$0x6A0]  }
0x15c: {  	[tilespmem:s9+$0x640] =	vst v9;
	v8 =	vmul.f32 v8, v14;
	v9 =	vbroadcast v1, $0xD;
	v12 =	vld [tilespmem:s9+$0x6B0]  }
0x15d: {  	[tilespmem:s9+$0x650] =	vst v5;
	v5 =	vmul.f32 v10, v14;
	v10 =	vld [tilespmem:s9+$0x6C0]  }
0x15e: {  	[tilespmem:s9+$0x660] =	vst v8;
	v3 =	vmul.f32 v3, v9;
	v8 =	vld [tilespmem:s9+$0x6D0]  }
0x15f: {  	[tilespmem:s9+$0x670] =	vst v5;
	v5 =	vmul.f32 v11, v9;
	v11 =	vld [tilespmem:s9+$0x6E0]  }
0x160: {  	[tilespmem:s9+$0x680] =	vst v3;
	v3 =	vmul.f32 v7, v9;
	v7 =	vld [tilespmem:s9+$0x6F0]  }
0x161: {  	[tilespmem:s9+$0x690] =	vst v5;
	v5 =	vmul.f32 v12, v9;
	v12 =	vld [tilespmem:s9+$0x700]  }
0x162: {  	[tilespmem:s9+$0x6A0] =	vst v3;
	v3 =	vmul.f32 v10, v9;
	v10 =	vld [tilespmem:s9+$0x710]  }
0x163: {  	[tilespmem:s9+$0x6B0] =	vst v5;
	v5 =	vmul.f32 v8, v9;
	v8 =	vld [tilespmem:s9+$0x720]  }
0x164: {  	v1 =	vbroadcast v1, $0xE;
	[tilespmem:s9+$0x5F0] =	vst v6;
	v6 =	vmul.f32 v11, v9;
	v11 =	vld [tilespmem:s9+$0x730]  }
0x165: {  	[tilespmem:s9+$0x6D0] =	vst v5;
	v5 =	vmul.f32 v7, v9;
	v7 =	vld [tilespmem:s9+$0x740]  }
0x166: {  	[tilespmem:s9+$0x6E0] =	vst v6;
	v6 =	vmul.f32 v12, v1;
	v9 =	vld [tilespmem:s9+$0x750]  }
0x167: {  	[tilespmem:s9+$0x6F0] =	vst v5;
	v5 =	vmul.f32 v10, v1;
	v10 =	vld [tilespmem:s9+$0x760]  }
0x168: {  	[tilespmem:s9+$0x700] =	vst v6;
	v6 =	vmul.f32 v8, v1;
	v8 =	vld [tilespmem:s9+$0x770]  }
0x169: {  	[tilespmem:s9+$0x710] =	vst v5;
	v5 =	vmul.f32 v11, v1;
	v11 =	vld [tilespmem:s9+$0x780]  }
0x16a: {  	[tilespmem:s9+$0x720] =	vst v6;
	v6 =	vmul.f32 v7, v1;
	v7 =	vld [tilespmem:s9+$0x790]  }
0x16b: {  	[tilespmem:s9+$0x730] =	vst v5;
	v5 =	vmul.f32 v9, v1;
	v9 =	vld [tilespmem:s9+$0x7A0]  }
0x16c: {  	[tilespmem:s9+$0x740] =	vst v6;
	v6 =	vmul.f32 v10, v1;
	v10 =	vld [tilespmem:s9+$0x7B0]  }
0x16d: {  	[tilespmem:s9+$0x6C0] =	vst v3;
	v1 =	vmul.f32 v8, v1;
	v3 =	vld [tilespmem:s9+$0x7C0]  }
0x16e: {  	[tilespmem:s9+$0x760] =	vst v6;
	v6 =	vmul.f32 v11, v4;
	v8 =	vld [tilespmem:s9+$0x7E0]  }
0x16f: {  	[tilespmem:s9+$0x770] =	vst v1;
	v1 =	vmul.f32 v7, v4;
	v7 =	vld [tilespmem:s9+$0x7F0]  }
0x170: {  	[tilespmem:s9+$0x780] =	vst v6;
	v6 =	vmul.f32 v9, v4  }
0x171: {  	[tilespmem:s9+$0x790] =	vst v1;
	v1 =	vmul.f32 v10, v4  }
0x172: {  	v9 =	vmul.f32 v15, v14;
	[tilespmem:s9+$0x7A0] =	vst v6  }
0x173: {  	[tilespmem:s9+$0x7B0] =	vst v1;
	v1 =	vmul.f32 v3, v4  }
.Ltmp1:
0x174: {  	[tilespmem:s9+$0x630] =	vst v9;
	v3 =	vmul.f32 v7, v4;
	(pc) =	sbr.rel @p0 .LBB2_5-.Ltmp1, $4  }
0x175: {  	[tilespmem:s9+$0x7C0] =	vst v1  }
0x176: {  	v1 =	vmul.f32 v8, v4;
	[tilespmem:s9+$0x7F0] =	vst v3  }
0x177: {  	[tilespmem:s9+$0x750] =	vst v5  }
0x178: {  	[tilespmem:s9+$0x7E0] =	vst v1  }
0x179: {  	s8 =	sadd.s32 $0x1, s8  }
0x17a: {  	p0 =	sne.s32 s8, $0x7D  }
.Ltmp2:
0x17b: {  	[tilespmem:s9+$0x620] =	vst v2;
	(pc) =	sbr.rel @p0 .LBB2_4-.Ltmp2, $4  }
0x17c: {  	[spmem:s6] =	stream.indirect.scatter.add.f32 [tilespmem:s14], [sflag:$0x2], $0x80, s29, s31, $0xb8;
	[tilespmem:$0x16980] =	vst v63  }
0x17d: {  	_ =	swait.ge [sflag:s26], $0x2800  }
0x17e: {  	[sflag:s26] =	ssyncset.done $0x0  }
0x17f: {  	[sflag:s26] =	ssyncadd.s32 $0xFFFFD800  }
0x180: {  	s7 =	stileid.u32  }
0x181: {  	[bflag:$0x0] =	sbarrier.arrive $0xFFFF;
	s7 =	sshll.u32 s7, $0x6  }
0x182: {  	s8 =	sshrl.u32 s16, $0x3;
	s9 =	rddreg [dreg:$0x7];
	s7 =	sor.u32 $0x1C02, s7  }
0x183: {  	[hbm:s9], [sflag:s7] =	dma.local [spmem:s8], $0x500  }
0x184: {  	_ =	swait.ge [sflag:s26], $0x500  }
0x185: {  	[sflag:s26] =	ssyncset.done $0x0  }
0x186: {  	s10 =	sshrl.u32 s17, $0x3;
	s11 =	rddreg [dreg:$0x8];
	[sflag:s26] =	ssyncadd.s32 $0xFFFFFB00  }
0x187: {  	[hbm:s11], [sflag:s7] =	dma.local [spmem:s10], $0x500  }
0x188: {  	_ =	swait.ge [sflag:s26], $0x500  }
0x189: {  	[sflag:s26] =	ssyncset.done $0x0  }
0x18a: {  	s10 =	sshrl.u32 s18, $0x3;
	s11 =	rddreg [dreg:$0x9];
	[sflag:s26] =	ssyncadd.s32 $0xFFFFFB00  }
0x18b: {  	[hbm:s11], [sflag:s7] =	dma.local [spmem:s10], $0x500  }
0x18c: {  	_ =	swait.ge [sflag:s26], $0x500  }
0x18d: {  	[sflag:s26] =	ssyncset.done $0x0  }
0x18e: {  	s10 =	sshrl.u32 s19, $0x3;
	s11 =	rddreg [dreg:$0xa];
	[sflag:s26] =	ssyncadd.s32 $0xFFFFFB00  }
0x18f: {  	[hbm:s11], [sflag:s7] =	dma.local [spmem:s10], $0x500  }
0x190: {  	_ =	swait.ge [sflag:s26], $0x500  }
0x191: {  	[sflag:s26] =	ssyncset.done $0x0  }
0x192: {  	s10 =	sshrl.u32 s20, $0x3;
	s11 =	rddreg [dreg:$0xb];
	[sflag:s26] =	ssyncadd.s32 $0xFFFFFB00  }
0x193: {  	[hbm:s11], [sflag:s7] =	dma.local [spmem:s10], $0x500  }
0x194: {  	_ =	swait.ge [sflag:s26], $0x500  }
0x195: {  	[sflag:s26] =	ssyncset.done $0x0  }
0x196: {  	s9 =	sshrl.u32 s21, $0x3;
	[sflag:s26] =	ssyncadd.s32 $0xFFFFFB00  }
0x197: {  	[hbm:s12], [sflag:s7] =	dma.local [spmem:s9], $0x500  }
0x198: {  	_ =	swait.ge [sflag:s26], $0x500  }
0x199: {  	[sflag:s26] =	ssyncset.done $0x0  }
0x19a: {  	s10 =	sshrl.u32 s22, $0x3;
	[sflag:s26] =	ssyncadd.s32 $0xFFFFFB00  }
0x19b: {  	[hbm:s13], [sflag:s7] =	dma.local [spmem:s10], $0x500  }
0x19c: {  	s5 =	sadd.s32 $0x1, s5;
	_ =	swait.ge [sflag:s26], $0x500  }
0x19d: {  	p0 =	sne.s32 s5, s25;
	[sflag:s26] =	ssyncset.done $0x0  }
.Ltmp3:
0x19e: {  	s11 =	sshrl.u32 s23, $0x3;
	[sflag:s26] =	ssyncadd.s32 $0xFFFFFB00;
	(pc) =	sbr.rel @p0 .LBB2_1-.Ltmp3, $4  }
0x19f: {  	[hbm:s15], [sflag:s7] =	dma.local [spmem:s11], $0x500  }
0x1a0: {  	_ =	swait.ge [sflag:s26], $0x500  }
0x1a1: {  	[sflag:s26] =	ssyncset.done $0x0  }
0x1a2: {  	[sflag:s26] =	ssyncadd.s32 $0xFFFFFB00  }
0x1a3: {  	_ =	sfence.sel $0x180000  }
0x1a4: {  	[bflag:$0x0] =	sbarrier.arrive $0xFFFF  }
0x1a5: {  	_ =	strace $0x90000047  }
0x1a6: {  	s0 =	stileid.u32;
	[bflag:$0x2] =	sbarrier.arrive $0xFFFF  }
0x1a7: {  	p0 =	sne.s32 s0, $0x0;
	s0 =	rddreg [dreg:$0x6]  }
0x1a8: {  	s0 =	sadd.s32 @!p0 $0x100000, s0  }
0x1a9: {  	[sflag:s0] =	ssyncadd.tile.s32 @!p0 $0x1;
	_ =	shalt  }
.Lfunc_end2:
_tile_overlayer_lowered:
.L_overlay_start_2:
0x1aa: {  	(tag) =	ssettag $0x2  }
0x1ab: {  	s0 =	rddreg [dreg:$0x0];
	s2 =	stileid.u32  }
0x1ac: {  	s1 =	rddreg [dreg:$0x1];
	p0 =	sne.s32 s2, $0x0  }
0x1ad: {  	s3 =	rddreg [dreg:$0x2];
	[bflag:$0x3] =	sbarrier.arrive $0xFFFF;
	s2 =	simm.s32 @!p0 $0x1C02  }
0x1ae: {  	[timem:s3], [sflag:s2] =	dma.local @!p0 [hbm:s0], s1  }
0x1af: {  	s0 =	simm.s32 @!p0 $0x2  }
0x1b0: {  	_ =	swait.ge @!p0 [sflag:s0], s1  }
0x1b1: {  	s1 =	ssub.s32 @!p0 $0x0, s1;
	[sflag:s0] =	ssyncset.done @!p0 $0x0  }
0x1b2: {  	[sflag:s0] =	ssyncadd.s32 @!p0 s1  }
0x1b3: {  	[bflag:$0x3] =	sbarrier.arrive $0xFFFF  }
0x1b4: {  	_ =	shalt  }

</sc_bundles>
